<compile_context>
chip_gen: v7x
topology: tpu7x:2x2x1
jax: 0.10.2.dev20260603
libtpu: 0.0.44.dev20260713+nightly
codegen_flags: <defaults>
</compile_context>

<pallas_src>
import functools

import jax
import jax.numpy as jnp
from jax import lax
from jax.experimental import pallas as pl
from jax.experimental.pallas import tpu as pltpu
from jax.experimental.pallas import tpu_sc as plsc

N = 10000
D = 128
E = 320000

NC = 2
NS = 16
NW = NC * NS
NE_T = E // NW
G = 80
NCH = NE_T // G
RT = 624
REM0 = NS * RT
REM = N - REM0
ZCH = 208

_mesh = plsc.VectorSubcoreMesh(core_axis_name="c", subcore_axis_name="s")

_f32 = jnp.float32


def _zero_vmem_2d(buf, rows, cols):
    zf = jnp.zeros((16,), _f32)

    def row_body(r, _):
        def col_body(k, _):
            buf[r, pl.ds(k * 16, 16)] = zf
            return 0
        return lax.fori_loop(0, cols // 16, col_body, 0)

    lax.fori_loop(0, rows, row_body, 0)


def _sc_sum_body(x_hbm, ei3_hbm, sums_out,
                 iv0, rows_v0, iv1, rows_v1,
                 zbuf, acc_sh, sem_g0, sem_g1, sem_s0, sem_s1):
    cid = lax.axis_index("c")
    sid = lax.axis_index("s")
    wid = cid * NS + sid

    _zero_vmem_2d(zbuf, ZCH, 128)
    row0 = sid * RT
    is_last = sid == NS - 1

    def zcopy(j, _):
        pltpu.sync_copy(zbuf, acc_sh.at[pl.ds(row0 + j * ZCH, ZCH)])
        return 0
    lax.fori_loop(0, RT // ZCH, zcopy, 0)

    @pl.when(is_last)
    def _():
        pltpu.sync_copy(zbuf.at[pl.ds(0, REM)], acc_sh.at[pl.ds(REM0, REM)])

    plsc.subcore_barrier()

    base_c = wid * NCH
    bufs = ((iv0, rows_v0, sem_g0, sem_s0),
            (iv1, rows_v1, sem_g1, sem_s1))

    iv, rv, sg, ss = bufs[0]
    ivb, rv1, sg1, ss1 = bufs[1]
    pltpu.sync_copy(ei3_hbm.at[base_c], iv)
    pltpu.async_copy(x_hbm.at[iv.at[0]], rv, sg)
    pltpu.make_async_copy(x_hbm.at[iv.at[0]], rv, sg).wait()
    pltpu.async_copy(rv, acc_sh.at[iv.at[1]], ss, add=True)
    pltpu.sync_copy(ei3_hbm.at[base_c + 1], ivb)
    pltpu.async_copy(x_hbm.at[ivb.at[0]], rv1, sg1)

    def pbody(p, _):
        for k in (1, 2):
            b = k % 2
            iv, rv, sg, ss = bufs[b]
            ivp, rvp, sgp, ssp = bufs[b ^ 1]
            pltpu.make_async_copy(x_hbm.at[iv.at[0]], rv, sg).wait()
            pltpu.async_copy(rv, acc_sh.at[iv.at[1]], ss, add=True)
            pltpu.make_async_copy(rvp, acc_sh.at[ivp.at[1]], ssp).wait()
            cn = jnp.minimum(2 * p + k + 1, NCH - 1)
            pltpu.sync_copy(ei3_hbm.at[base_c + cn], ivp)
            pltpu.async_copy(x_hbm.at[ivp.at[0]], rvp, sgp)
        return 0
    lax.fori_loop(0, (NCH - 1) // 2, pbody, 0)
    pltpu.make_async_copy(rows_v0, acc_sh.at[iv0.at[1]], sem_s0).wait()
    pltpu.make_async_copy(x_hbm.at[iv1.at[0]], rows_v1, sem_g1).wait()

    plsc.subcore_barrier()

    out_base = cid * N + row0
    pltpu.sync_copy(acc_sh.at[pl.ds(row0, RT)],
                    sums_out.at[pl.ds(out_base, RT)])

    @pl.when(is_last)
    def _():
        pltpu.sync_copy(acc_sh.at[pl.ds(REM0, REM)],
                        sums_out.at[pl.ds(cid * N + REM0, REM)])


def _sc_cnt_body(dst_hbm, cnts_out, dst_v0, dst_v1, ones_v, zbuf, cnt_sh,
                 sem_s0, sem_s1):
    cid = lax.axis_index("c")
    sid = lax.axis_index("s")
    wid = cid * NS + sid

    _zero_vmem_2d(zbuf, ZCH, 128)
    row0 = sid * RT
    is_last = sid == NS - 1

    def zcopy(j, _):
        pltpu.sync_copy(zbuf, cnt_sh.at[pl.ds(row0 + j * ZCH, ZCH)])
        return 0
    lax.fori_loop(0, RT // ZCH, zcopy, 0)

    @pl.when(is_last)
    def _():
        pltpu.sync_copy(zbuf.at[pl.ds(0, REM)], cnt_sh.at[pl.ds(REM0, REM)])

    one = jnp.ones((16,), _f32)

    def ofill(i, _):
        def ocol(k, _):
            ones_v[i, pl.ds(k * 16, 16)] = one
            return 0
        return lax.fori_loop(0, 128 // 16, ocol, 0)
    lax.fori_loop(0, G, ofill, 0)

    plsc.subcore_barrier()

    base_e = wid * NE_T
    dbufs = ((dst_v0, sem_s0), (dst_v1, sem_s1))

    pltpu.sync_copy(dst_hbm.at[pl.ds(base_e, G)], dst_v0)
    pltpu.async_copy(ones_v, cnt_sh.at[dst_v0], sem_s0, add=True)

    def ebody(p, _):
        for k in (1, 2):
            b = k % 2
            dv, ss = dbufs[b]
            dvp, ssp = dbufs[b ^ 1]
            off = base_e + (2 * p + k) * G
            pltpu.sync_copy(dst_hbm.at[pl.ds(off, G)], dv)
            pltpu.async_copy(ones_v, cnt_sh.at[dv], ss, add=True)
            pltpu.make_async_copy(ones_v, cnt_sh.at[dvp], ssp).wait()
        return 0
    lax.fori_loop(0, (NCH - 1) // 2, ebody, 0)
    pltpu.make_async_copy(ones_v, cnt_sh.at[dst_v0], sem_s0).wait()

    plsc.subcore_barrier()

    out_base = cid * N + row0
    pltpu.sync_copy(cnt_sh.at[pl.ds(row0, RT)],
                    cnts_out.at[pl.ds(out_base, RT)])

    @pl.when(is_last)
    def _():
        pltpu.sync_copy(cnt_sh.at[pl.ds(REM0, REM)],
                        cnts_out.at[pl.ds(cid * N + REM0, REM)])


_sc_layer = pl.kernel(
    _sc_sum_body,
    out_type=jax.ShapeDtypeStruct((2 * N, 128), _f32),
    mesh=_mesh,
    scratch_types=[
        pltpu.VMEM((2, G), jnp.int32),
        pltpu.VMEM((G, 128), _f32),
        pltpu.VMEM((2, G), jnp.int32),
        pltpu.VMEM((G, 128), _f32),
        pltpu.VMEM((ZCH, 128), _f32),
        pltpu.VMEM_SHARED((N, 128), _f32),
        pltpu.SemaphoreType.DMA,
        pltpu.SemaphoreType.DMA,
        pltpu.SemaphoreType.DMA,
        pltpu.SemaphoreType.DMA,
    ],
)

_sc_counts = pl.kernel(
    _sc_cnt_body,
    out_type=jax.ShapeDtypeStruct((2 * N, 128), _f32),
    mesh=_mesh,
    scratch_types=[
        pltpu.VMEM((G,), jnp.int32),
        pltpu.VMEM((G,), jnp.int32),
        pltpu.VMEM((G, 128), _f32),
        pltpu.VMEM((ZCH, 128), _f32),
        pltpu.VMEM_SHARED((N, 128), _f32),
        pltpu.SemaphoreType.DMA,
        pltpu.SemaphoreType.DMA,
    ],
)

BR = 400
NBLK = N // BR


def _tc_body(s0, s1, c0, c1, h, wl, wr, bl, out):
    s = s0[...] + s1[...]
    cnt = c0[:, :1] + c1[:, :1]
    inv = 1.0 / jnp.maximum(cnt, 1.0)
    z = (jnp.dot(s * inv, wl[...], preferred_element_type=_f32)
         + jnp.dot(h[...], wr[...], preferred_element_type=_f32)
         + bl[...])
    out[...] = jnp.where(z > 0, z, jnp.exp(z) - 1.0)


_tc_layer = pl.pallas_call(
    _tc_body,
    grid=(NBLK,),
    in_specs=[
        pl.BlockSpec((BR, 128), lambda i: (i, 0)),
        pl.BlockSpec((BR, 128), lambda i: (i + NBLK, 0)),
        pl.BlockSpec((BR, 8), lambda i: (i, 0)),
        pl.BlockSpec((BR, 8), lambda i: (i + NBLK, 0)),
        pl.BlockSpec((BR, 128), lambda i: (i, 0)),
        pl.BlockSpec((128, 128), lambda i: (0, 0)),
        pl.BlockSpec((128, 128), lambda i: (0, 0)),
        pl.BlockSpec((1, 128), lambda i: (0, 0)),
    ],
    out_specs=pl.BlockSpec((BR, 128), lambda i: (i, 0)),
    out_shape=jax.ShapeDtypeStruct((N, 128), _f32),
)


def kernel(x, edge_index, Wl1, Wr1, bl1, Wl2, Wr2, bl2, Wl3, Wr3, bl3):
    dst = edge_index[1]
    ei3 = edge_index.reshape(2, NW * NCH, G).transpose(1, 0, 2)

    cnts = _sc_counts(dst)[:, :8]
    sums1 = _sc_layer(x, ei3)
    h1 = _tc_layer(sums1, sums1, cnts, cnts, x, Wl1, Wr1, bl1.reshape(1, 128))

    sums2 = _sc_layer(h1, ei3)
    h2 = _tc_layer(sums2, sums2, cnts, cnts, h1, Wl2, Wr2, bl2.reshape(1, 128))

    sums3 = _sc_layer(h2, ei3)
    h3 = _tc_layer(sums3, sums3, cnts, cnts, h2, Wl3, Wr3, bl3.reshape(1, 128))
    return h3

# --- scband reference (transcript-rebuilt; emitter-appended) ---
"""Pipeline reference for scband-gnn-6786048328010 (READ-ONLY COPY).

The authoritative reference and input builder live on the scoring server;
editing this copy changes nothing except your own understanding.
"""

import jax, jax.numpy as jnp
import numpy as np

N = 10000
E = 320000
D = 128


def sage_conv(x, edge_index, Wl, bl, Wr):
    # PyG SAGEConv with mean aggregation:
    # out = lin_l(mean_{j in N(i)} x_j) + lin_r(x_i)
    src = edge_index[0]
    dst = edge_index[1]
    n = x.shape[0]
    msgs = x[src]  # gather: [E, D]
    summed = jax.ops.segment_sum(msgs, dst, num_segments=n)  # scatter-add
    cnt = jax.ops.segment_sum(jnp.ones((src.shape[0],), x.dtype), dst, num_segments=n)
    mean = summed / jnp.clip(cnt, 1.0, None)[:, None]
    return mean @ Wl + bl + x @ Wr


def setup_inputs(seed: int = 0) -> dict:
    key = jax.random.key(seed)
    ks = jax.random.split(key, 10)
    inp = {}
    inp["x"] = jax.random.normal(ks[0], (N, D), dtype=jnp.float32)
    inp["edge_index"] = jax.random.randint(ks[1], (2, E), 0, N, dtype=jnp.int32)
    scale = 1.0 / np.sqrt(D)
    for i in range(3):
        inp[f"Wl{i+1}"] = jax.random.normal(ks[2 + 2 * i], (D, D), dtype=jnp.float32) * scale
        inp[f"Wr{i+1}"] = jax.random.normal(ks[3 + 2 * i], (D, D), dtype=jnp.float32) * scale
        inp[f"bl{i+1}"] = jnp.zeros((D,), dtype=jnp.float32)
    return inp


def reference(x, edge_index, Wl1, Wr1, bl1, Wl2, Wr2, bl2, Wl3, Wr3, bl3):
    # eval mode: dropout is identity
    h = jax.nn.elu(sage_conv(x, edge_index, Wl1, bl1, Wr1))
    h = jax.nn.elu(sage_conv(h, edge_index, Wl2, bl2, Wr2))
    h = jax.nn.elu(sage_conv(h, edge_index, Wl3, bl3, Wr3))
    return h

if __name__ == "__main__":
    import jax
    _d = setup_inputs()
    print(jax.jit(kernel)(*tuple(_d.values())))

</pallas_src>

<mosaic_0001>
#map = affine_map<(d0, d1) -> (0, 0)>
#map1 = affine_map<(d0, d1) -> (0, 0, 0)>
module attributes {stable_mosaic.version = 14 : i64} {
  func.func @_sc_sum_body(%arg0: i32, %arg1: i32, %arg2: memref<10000x128xf32, #tpu.memory_space<hbm>>, %arg3: memref<4000x2x80xi32, #tpu.memory_space<hbm>>, %arg4: memref<20000x128xf32, #tpu.memory_space<hbm>>, %arg5: memref<2x80xi32, #tpu.memory_space<vmem>>, %arg6: memref<80x128xf32, #tpu.memory_space<vmem>>, %arg7: memref<2x80xi32, #tpu.memory_space<vmem>>, %arg8: memref<80x128xf32, #tpu.memory_space<vmem>>, %arg9: memref<208x128xf32, #tpu.memory_space<vmem>>, %arg10: memref<10000x128xf32, #tpu.memory_space<vmem_shared>>, %arg11: memref<!tpu.dma_semaphore, #tpu.memory_space<semaphore_mem>>, %arg12: memref<!tpu.dma_semaphore, #tpu.memory_space<semaphore_mem>>, %arg13: memref<!tpu.dma_semaphore, #tpu.memory_space<semaphore_mem>>, %arg14: memref<!tpu.dma_semaphore, #tpu.memory_space<semaphore_mem>>) attributes {dimension_semantics = [#tpu.dimension_semantics<core_parallel>, #tpu.dimension_semantics<subcore_parallel>], iteration_bounds = array<i64: 2, 16>, scalar_prefetch = 0 : i64, scratch_operands = 10 : i64, tpu.core_type = #tpu.core_type<sc_vector_subcore>, window_params = [{transform_indices = #map}, {transform_indices = #map1}, {transform_indices = #map}]} {
    %mul3A = arith.constant 16 : i32
    %mul3A_0 = arith.muli %arg0, %mul3A : i32
    %add3A = arith.addi %mul3A_0, %arg1 : i32
    %broadcast_in_dim3A = arith.constant 0.000000e+00 : f32
    %broadcast_in_dim3A_1 = vector.broadcast %broadcast_in_dim3A : f32 to vector<16xf32>
    %scan3A = arith.constant 0 : i32
    %scan3A_2 = arith.constant 0 : i32
    %scan3A_3 = arith.constant 208 : i32
    %scan3A_4 = arith.addi %scan3A_2, %scan3A_3 : i32
    %scan3A_5 = arith.constant 1 : i32
    %scan3A_6 = scf.for %scan3A_77 = %scan3A_2 to %scan3A_4 step %scan3A_5 iter_args(%scan3A_78 = %scan3A) -> (i32)  : i32 {
      %scan3A_79 = arith.constant 0 : i32
      %scan3A_80 = arith.constant 0 : i32
      %scan3A_81 = arith.constant 8 : i32
      %scan3A_82 = arith.addi %scan3A_80, %scan3A_81 : i32
      %scan3A_83 = arith.constant 1 : i32
      %scan3A_84 = scf.for %scan3A_86 = %scan3A_80 to %scan3A_82 step %scan3A_83 iter_args(%scan3A_87 = %scan3A_79) -> (i32)  : i32 {
        %mul3A_88 = arith.constant 16 : i32
        %mul3A_89 = arith.muli %scan3A_86, %mul3A_88 : i32
        %swap3A = arith.index_cast %scan3A_77 : i32 to index
        %swap3A_90 = arith.index_cast %mul3A_89 : i32 to index
        %swap3A_91 = tpu.vector_load %arg9[%swap3A, %swap3A_90] {strides = array<i32>} : memref<208x128xf32, #tpu.memory_space<vmem>>, vector<1x16xf32>,
        %swap3A_92 = vector.shape_cast %swap3A_91 : vector<1x16xf32> to vector<16xf32>
        %swap3A_93 = vector.shape_cast %broadcast_in_dim3A_1 : vector<16xf32> to vector<1x16xf32>
        tpu.vector_store %arg9[%swap3A, %swap3A_90], %swap3A_93 {strides = array<i32>} : memref<208x128xf32, #tpu.memory_space<vmem>>, vector<1x16xf32>,
        %scan3A_94 = arith.constant 0 : i32
        scf.yield %scan3A_94 : i32
      }
      %scan3A_85 = arith.constant 8 : i32
      scf.yield %scan3A_84 : i32
    }
    %scan3A_7 = arith.constant 208 : i32
    %mul3A_8 = arith.constant 624 : i32
    %mul3A_9 = arith.muli %arg1, %mul3A_8 : i32
    %eq3A = arith.constant 15 : i32
    %eq3A_10 = arith.cmpi eq, %arg1, %eq3A : i32
    %scan3A_11 = arith.constant 0 : i32
    %scan3A_12 = arith.constant 0 : i32
    %scan3A_13 = arith.constant 3 : i32
    %scan3A_14 = arith.addi %scan3A_12, %scan3A_13 : i32
    %scan3A_15 = arith.constant 1 : i32
    %scan3A_16 = scf.for %scan3A_77 = %scan3A_12 to %scan3A_14 step %scan3A_15 iter_args(%scan3A_78 = %scan3A_11) -> (i32)  : i32 {
      %mul3A_79 = arith.constant 208 : i32
      %mul3A_80 = arith.muli %scan3A_77, %mul3A_79 : i32
      %add3A_81 = arith.addi %mul3A_9, %mul3A_80 : i32
      "tpu.region"() ({
        %run_scoped3A = tpu.sem_alloc : memref<!tpu.dma_semaphore, #tpu.memory_space<semaphore_mem>>
        %dma_start3A_83 = arith.constant 0 : i32
        %dma_start3A_84 = tpu.memref_slice %arg10[%add3A_81, %dma_start3A_83] : memref<10000x128xf32, #tpu.memory_space<vmem_shared>> -> memref<208x128xf32, #tpu.memory_space<vmem_shared>>
        %dma_start3A_85 = arith.constant 0 : i32
        %dma_start3A_86 = tpu.memref_slice %arg10[%add3A_81, %dma_start3A_85] : memref<10000x128xf32, #tpu.memory_space<vmem_shared>> -> memref<208x128xf32, #tpu.memory_space<vmem_shared>>
        tpu.enqueue_dma source(%arg9 : memref<208x128xf32, #tpu.memory_space<vmem>>) target(%dma_start3A_86 : memref<208x128xf32, #tpu.memory_space<vmem_shared>>) target_semaphore(%run_scoped3A : memref<!tpu.dma_semaphore, #tpu.memory_space<semaphore_mem>>)
        %dma_wait3A_87 = arith.constant 0 : i32
        %dma_wait3A_88 = tpu.memref_slice %arg10[%add3A_81, %dma_wait3A_87] : memref<10000x128xf32, #tpu.memory_space<vmem_shared>> -> memref<208x128xf32, #tpu.memory_space<vmem_shared>>
        %dma_wait3A_89 = arith.constant 0 : i32
        %dma_wait3A_90 = tpu.memref_slice %arg10[%add3A_81, %dma_wait3A_89] : memref<10000x128xf32, #tpu.memory_space<vmem_shared>> -> memref<208x128xf32, #tpu.memory_space<vmem_shared>>
        tpu.wait_dma2 semaphore(%run_scoped3A : memref<!tpu.dma_semaphore, #tpu.memory_space<semaphore_mem>>) src(%arg9 : memref<208x128xf32, #tpu.memory_space<vmem>>) dst(%dma_wait3A_90 : memref<208x128xf32, #tpu.memory_space<vmem_shared>>)
        tpu.yield
      }) : () -> ()
      %scan3A_82 = arith.constant 0 : i32
      scf.yield %scan3A_82 : i32
    }
    %scan3A_17 = arith.constant 3 : i32
    %convert_element_type3A = arith.extui %eq3A_10 : i1 to i32
    %cond3A = arith.constant 0 : i32
    %cond3A_18 = arith.cmpi ne, %convert_element_type3A, %cond3A : i32
    scf.if %cond3A_18 {
      "tpu.region"() ({
        %run_scoped3A = tpu.sem_alloc : memref<!tpu.dma_semaphore, #tpu.memory_space<semaphore_mem>>
        %dma_start3A_77 = arith.constant 0 : i32
        %dma_start3A_78 = arith.constant 0 : i32
        %dma_start3A_79 = tpu.memref_slice %arg9[%dma_start3A_77, %dma_start3A_78] : memref<208x128xf32, #tpu.memory_space<vmem>> -> memref<16x128xf32, #tpu.memory_space<vmem>>
        %dma_start3A_80 = arith.constant 9984 : i32
        %dma_start3A_81 = arith.constant 0 : i32
        %dma_start3A_82 = tpu.memref_slice %arg10[%dma_start3A_80, %dma_start3A_81] : memref<10000x128xf32, #tpu.memory_space<vmem_shared>> -> memref<16x128xf32, #tpu.memory_space<vmem_shared>>
        %dma_start3A_83 = arith.constant 9984 : i32
        %dma_start3A_84 = arith.constant 0 : i32
        %dma_start3A_85 = tpu.memref_slice %arg10[%dma_start3A_83, %dma_start3A_84] : memref<10000x128xf32, #tpu.memory_space<vmem_shared>> -> memref<16x128xf32, #tpu.memory_space<vmem_shared>>
        %dma_start3A_86 = arith.constant 0 : i32
        %dma_start3A_87 = arith.constant 0 : i32
        %dma_start3A_88 = tpu.memref_slice %arg9[%dma_start3A_86, %dma_start3A_87] : memref<208x128xf32, #tpu.memory_space<vmem>> -> memref<16x128xf32, #tpu.memory_space<vmem>>
        tpu.enqueue_dma source(%dma_start3A_88 : memref<16x128xf32, #tpu.memory_space<vmem>>) target(%dma_start3A_85 : memref<16x128xf32, #tpu.memory_space<vmem_shared>>) target_semaphore(%run_scoped3A : memref<!tpu.dma_semaphore, #tpu.memory_space<semaphore_mem>>)
        %dma_wait3A_89 = arith.constant 0 : i32
        %dma_wait3A_90 = arith.constant 0 : i32
        %dma_wait3A_91 = tpu.memref_slice %arg9[%dma_wait3A_89, %dma_wait3A_90] : memref<208x128xf32, #tpu.memory_space<vmem>> -> memref<16x128xf32, #tpu.memory_space<vmem>>
        %dma_wait3A_92 = arith.constant 9984 : i32
        %dma_wait3A_93 = arith.constant 0 : i32
        %dma_wait3A_94 = tpu.memref_slice %arg10[%dma_wait3A_92, %dma_wait3A_93] : memref<10000x128xf32, #tpu.memory_space<vmem_shared>> -> memref<16x128xf32, #tpu.memory_space<vmem_shared>>
        %dma_wait3A_95 = arith.constant 9984 : i32
        %dma_wait3A_96 = arith.constant 0 : i32
        %dma_wait3A_97 = tpu.memref_slice %arg10[%dma_wait3A_95, %dma_wait3A_96] : memref<10000x128xf32, #tpu.memory_space<vmem_shared>> -> memref<16x128xf32, #tpu.memory_space<vmem_shared>>
        %dma_wait3A_98 = arith.constant 0 : i32
        %dma_wait3A_99 = arith.constant 0 : i32
        %dma_wait3A_100 = tpu.memref_slice %arg9[%dma_wait3A_98, %dma_wait3A_99] : memref<208x128xf32, #tpu.memory_space<vmem>> -> memref<16x128xf32, #tpu.memory_space<vmem>>
        tpu.wait_dma2 semaphore(%run_scoped3A : memref<!tpu.dma_semaphore, #tpu.memory_space<semaphore_mem>>) src(%dma_wait3A_100 : memref<16x128xf32, #tpu.memory_space<vmem>>) dst(%dma_wait3A_97 : memref<16x128xf32, #tpu.memory_space<vmem_shared>>)
        tpu.yield
      }) : () -> ()
    } else {
    }
    %barrier3A = arith.constant 0 : index
    tpu.barrier barrier_id(%barrier3A)
    %mul3A_19 = arith.constant 125 : i32
    %mul3A_20 = arith.muli %add3A, %mul3A_19 : i32
    "tpu.region"() ({
      %run_scoped3A = tpu.sem_alloc : memref<!tpu.dma_semaphore, #tpu.memory_space<semaphore_mem>>
      %dma_start3A_77 = arith.constant 0 : i32
      %dma_start3A_78 = arith.constant 0 : i32
      %dma_start3A_79 = tpu.memref_slice %arg3[%mul3A_20, %dma_start3A_77, %dma_start3A_78] : memref<4000x2x80xi32, #tpu.memory_space<hbm>> -> memref<1x2x80xi32, #tpu.memory_space<hbm>>
      %dma_start3A_80 = tpu.memref_squeeze %dma_start3A_79 : memref<1x2x80xi32, #tpu.memory_space<hbm>> -> memref<2x80xi32, #tpu.memory_space<hbm>>
      %dma_start3A_81 = arith.constant 0 : i32
      %dma_start3A_82 = arith.constant 0 : i32
      %dma_start3A_83 = tpu.memref_slice %arg3[%mul3A_20, %dma_start3A_81, %dma_start3A_82] : memref<4000x2x80xi32, #tpu.memory_space<hbm>> -> memref<1x2x80xi32, #tpu.memory_space<hbm>>
      %dma_start3A_84 = tpu.memref_squeeze %dma_start3A_83 : memref<1x2x80xi32, #tpu.memory_space<hbm>> -> memref<2x80xi32, #tpu.memory_space<hbm>>
      tpu.enqueue_dma source(%dma_start3A_84 : memref<2x80xi32, #tpu.memory_space<hbm>>) target(%arg5 : memref<2x80xi32, #tpu.memory_space<vmem>>) target_semaphore(%run_scoped3A : memref<!tpu.dma_semaphore, #tpu.memory_space<semaphore_mem>>)
      %dma_wait3A_85 = arith.constant 0 : i32
      %dma_wait3A_86 = arith.constant 0 : i32
      %dma_wait3A_87 = tpu.memref_slice %arg3[%mul3A_20, %dma_wait3A_85, %dma_wait3A_86] : memref<4000x2x80xi32, #tpu.memory_space<hbm>> -> memref<1x2x80xi32, #tpu.memory_space<hbm>>
      %dma_wait3A_88 = tpu.memref_squeeze %dma_wait3A_87 : memref<1x2x80xi32, #tpu.memory_space<hbm>> -> memref<2x80xi32, #tpu.memory_space<hbm>>
      %dma_wait3A_89 = arith.constant 0 : i32
      %dma_wait3A_90 = arith.constant 0 : i32
      %dma_wait3A_91 = tpu.memref_slice %arg3[%mul3A_20, %dma_wait3A_89, %dma_wait3A_90] : memref<4000x2x80xi32, #tpu.memory_space<hbm>> -> memref<1x2x80xi32, #tpu.memory_space<hbm>>
      %dma_wait3A_92 = tpu.memref_squeeze %dma_wait3A_91 : memref<1x2x80xi32, #tpu.memory_space<hbm>> -> memref<2x80xi32, #tpu.memory_space<hbm>>
      tpu.wait_dma2 semaphore(%run_scoped3A : memref<!tpu.dma_semaphore, #tpu.memory_space<semaphore_mem>>) src(%dma_wait3A_92 : memref<2x80xi32, #tpu.memory_space<hbm>>) dst(%arg5 : memref<2x80xi32, #tpu.memory_space<vmem>>)
      tpu.yield
    }) : () -> ()
    %dma_start3A = arith.constant 0 : i32
    %dma_start3A_21 = arith.constant 0 : i32
    %dma_start3A_22 = tpu.memref_slice %arg5[%dma_start3A, %dma_start3A_21] : memref<2x80xi32, #tpu.memory_space<vmem>> -> memref<1x80xi32, #tpu.memory_space<vmem>>
    %dma_start3A_23 = tpu.memref_squeeze %dma_start3A_22 : memref<1x80xi32, #tpu.memory_space<vmem>> -> memref<80xi32, #tpu.memory_space<vmem>>
    %dma_start3A_24 = arith.constant 0 : i32
    %dma_start3A_25 = arith.constant 0 : i32
    %dma_start3A_26 = tpu.memref_slice %arg2[%dma_start3A_24, %dma_start3A_25] : memref<10000x128xf32, #tpu.memory_space<hbm>> -> memref<10000x128xf32, #tpu.memory_space<hbm>>
    tpu.enqueue_indirect_dma source(%dma_start3A_26 : memref<10000x128xf32, #tpu.memory_space<hbm>>) target(%arg6 : memref<80x128xf32, #tpu.memory_space<vmem>>) offsets(%dma_start3A_23 : memref<80xi32, #tpu.memory_space<vmem>>) semaphore(%arg11 : memref<!tpu.dma_semaphore, #tpu.memory_space<semaphore_mem>>)
    %dma_wait3A = arith.constant 0 : i32
    %dma_wait3A_27 = arith.constant 0 : i32
    %dma_wait3A_28 = tpu.memref_slice %arg5[%dma_wait3A, %dma_wait3A_27] : memref<2x80xi32, #tpu.memory_space<vmem>> -> memref<1x80xi32, #tpu.memory_space<vmem>>
    %dma_wait3A_29 = tpu.memref_squeeze %dma_wait3A_28 : memref<1x80xi32, #tpu.memory_space<vmem>> -> memref<80xi32, #tpu.memory_space<vmem>>
    %dma_wait3A_30 = arith.constant 0 : i32
    %dma_wait3A_31 = arith.constant 0 : i32
    %dma_wait3A_32 = tpu.memref_slice %arg2[%dma_wait3A_30, %dma_wait3A_31] : memref<10000x128xf32, #tpu.memory_space<hbm>> -> memref<10000x128xf32, #tpu.memory_space<hbm>>
    tpu.wait_indirect_dma semaphore(%arg11 : memref<!tpu.dma_semaphore, #tpu.memory_space<semaphore_mem>>) src(%dma_wait3A_32 : memref<10000x128xf32, #tpu.memory_space<hbm>>) dst(%arg6 : memref<80x128xf32, #tpu.memory_space<vmem>>)
    %dma_start3A_33 = arith.constant 1 : i32
    %dma_start3A_34 = arith.constant 0 : i32
    %dma_start3A_35 = tpu.memref_slice %arg5[%dma_start3A_33, %dma_start3A_34] : memref<2x80xi32, #tpu.memory_space<vmem>> -> memref<1x80xi32, #tpu.memory_space<vmem>>
    %dma_start3A_36 = tpu.memref_squeeze %dma_start3A_35 : memref<1x80xi32, #tpu.memory_space<vmem>> -> memref<80xi32, #tpu.memory_space<vmem>>
    %dma_start3A_37 = arith.constant 0 : i32
    %dma_start3A_38 = arith.constant 0 : i32
    %dma_start3A_39 = tpu.memref_slice %arg10[%dma_start3A_37, %dma_start3A_38] : memref<10000x128xf32, #tpu.memory_space<vmem_shared>> -> memref<10000x128xf32, #tpu.memory_space<vmem_shared>>
    tpu.enqueue_indirect_dma source(%arg6 : memref<80x128xf32, #tpu.memory_space<vmem>>) target(%dma_start3A_39 : memref<10000x128xf32, #tpu.memory_space<vmem_shared>>) offsets(%dma_start3A_36 : memref<80xi32, #tpu.memory_space<vmem>>) semaphore(%arg13 : memref<!tpu.dma_semaphore, #tpu.memory_space<semaphore_mem>>) {add = true}
    %add3A_40 = arith.constant 1 : i32
    %add3A_41 = arith.addi %mul3A_20, %add3A_40 : i32
    "tpu.region"() ({
      %run_scoped3A = tpu.sem_alloc : memref<!tpu.dma_semaphore, #tpu.memory_space<semaphore_mem>>
      %dma_start3A_77 = arith.constant 0 : i32
      %dma_start3A_78 = arith.constant 0 : i32
      %dma_start3A_79 = tpu.memref_slice %arg3[%add3A_41, %dma_start3A_77, %dma_start3A_78] : memref<4000x2x80xi32, #tpu.memory_space<hbm>> -> memref<1x2x80xi32, #tpu.memory_space<hbm>>
      %dma_start3A_80 = tpu.memref_squeeze %dma_start3A_79 : memref<1x2x80xi32, #tpu.memory_space<hbm>> -> memref<2x80xi32, #tpu.memory_space<hbm>>
      %dma_start3A_81 = arith.constant 0 : i32
      %dma_start3A_82 = arith.constant 0 : i32
      %dma_start3A_83 = tpu.memref_slice %arg3[%add3A_41, %dma_start3A_81, %dma_start3A_82] : memref<4000x2x80xi32, #tpu.memory_space<hbm>> -> memref<1x2x80xi32, #tpu.memory_space<hbm>>
      %dma_start3A_84 = tpu.memref_squeeze %dma_start3A_83 : memref<1x2x80xi32, #tpu.memory_space<hbm>> -> memref<2x80xi32, #tpu.memory_space<hbm>>
      tpu.enqueue_dma source(%dma_start3A_84 : memref<2x80xi32, #tpu.memory_space<hbm>>) target(%arg7 : memref<2x80xi32, #tpu.memory_space<vmem>>) target_semaphore(%run_scoped3A : memref<!tpu.dma_semaphore, #tpu.memory_space<semaphore_mem>>)
      %dma_wait3A_85 = arith.constant 0 : i32
      %dma_wait3A_86 = arith.constant 0 : i32
      %dma_wait3A_87 = tpu.memref_slice %arg3[%add3A_41, %dma_wait3A_85, %dma_wait3A_86] : memref<4000x2x80xi32, #tpu.memory_space<hbm>> -> memref<1x2x80xi32, #tpu.memory_space<hbm>>
      %dma_wait3A_88 = tpu.memref_squeeze %dma_wait3A_87 : memref<1x2x80xi32, #tpu.memory_space<hbm>> -> memref<2x80xi32, #tpu.memory_space<hbm>>
      %dma_wait3A_89 = arith.constant 0 : i32
      %dma_wait3A_90 = arith.constant 0 : i32
      %dma_wait3A_91 = tpu.memref_slice %arg3[%add3A_41, %dma_wait3A_89, %dma_wait3A_90] : memref<4000x2x80xi32, #tpu.memory_space<hbm>> -> memref<1x2x80xi32, #tpu.memory_space<hbm>>
      %dma_wait3A_92 = tpu.memref_squeeze %dma_wait3A_91 : memref<1x2x80xi32, #tpu.memory_space<hbm>> -> memref<2x80xi32, #tpu.memory_space<hbm>>
      tpu.wait_dma2 semaphore(%run_scoped3A : memref<!tpu.dma_semaphore, #tpu.memory_space<semaphore_mem>>) src(%dma_wait3A_92 : memref<2x80xi32, #tpu.memory_space<hbm>>) dst(%arg7 : memref<2x80xi32, #tpu.memory_space<vmem>>)
      tpu.yield
    }) : () -> ()
    %dma_start3A_42 = arith.constant 0 : i32
    %dma_start3A_43 = arith.constant 0 : i32
    %dma_start3A_44 = tpu.memref_slice %arg7[%dma_start3A_42, %dma_start3A_43] : memref<2x80xi32, #tpu.memory_space<vmem>> -> memref<1x80xi32, #tpu.memory_space<vmem>>
    %dma_start3A_45 = tpu.memref_squeeze %dma_start3A_44 : memref<1x80xi32, #tpu.memory_space<vmem>> -> memref<80xi32, #tpu.memory_space<vmem>>
    %dma_start3A_46 = arith.constant 0 : i32
    %dma_start3A_47 = arith.constant 0 : i32
    %dma_start3A_48 = tpu.memref_slice %arg2[%dma_start3A_46, %dma_start3A_47] : memref<10000x128xf32, #tpu.memory_space<hbm>> -> memref<10000x128xf32, #tpu.memory_space<hbm>>
    tpu.enqueue_indirect_dma source(%dma_start3A_48 : memref<10000x128xf32, #tpu.memory_space<hbm>>) target(%arg8 : memref<80x128xf32, #tpu.memory_space<vmem>>) offsets(%dma_start3A_45 : memref<80xi32, #tpu.memory_space<vmem>>) semaphore(%arg12 : memref<!tpu.dma_semaphore, #tpu.memory_space<semaphore_mem>>)
    %scan3A_49 = arith.constant 0 : i32
    %scan3A_50 = arith.constant 0 : i32
    %scan3A_51 = arith.constant 62 : i32
    %scan3A_52 = arith.addi %scan3A_50, %scan3A_51 : i32
    %scan3A_53 = arith.constant 1 : i32
    %scan3A_54 = scf.for %scan3A_77 = %scan3A_50 to %scan3A_52 step %scan3A_53 iter_args(%scan3A_78 = %scan3A_49) -> (i32)  : i32 {
      %dma_wait3A_79 = arith.constant 0 : i32
      %dma_wait3A_80 = arith.constant 0 : i32
      %dma_wait3A_81 = tpu.memref_slice %arg7[%dma_wait3A_79, %dma_wait3A_80] : memref<2x80xi32, #tpu.memory_space<vmem>> -> memref<1x80xi32, #tpu.memory_space<vmem>>
      %dma_wait3A_82 = tpu.memref_squeeze %dma_wait3A_81 : memref<1x80xi32, #tpu.memory_space<vmem>> -> memref<80xi32, #tpu.memory_space<vmem>>
      %dma_wait3A_83 = arith.constant 0 : i32
      %dma_wait3A_84 = arith.constant 0 : i32
      %dma_wait3A_85 = tpu.memref_slice %arg2[%dma_wait3A_83, %dma_wait3A_84] : memref<10000x128xf32, #tpu.memory_space<hbm>> -> memref<10000x128xf32, #tpu.memory_space<hbm>>
      tpu.wait_indirect_dma semaphore(%arg12 : memref<!tpu.dma_semaphore, #tpu.memory_space<semaphore_mem>>) src(%dma_wait3A_85 : memref<10000x128xf32, #tpu.memory_space<hbm>>) dst(%arg8 : memref<80x128xf32, #tpu.memory_space<vmem>>)
      %dma_start3A_86 = arith.constant 1 : i32
      %dma_start3A_87 = arith.constant 0 : i32
      %dma_start3A_88 = tpu.memref_slice %arg7[%dma_start3A_86, %dma_start3A_87] : memref<2x80xi32, #tpu.memory_space<vmem>> -> memref<1x80xi32, #tpu.memory_space<vmem>>
      %dma_start3A_89 = tpu.memref_squeeze %dma_start3A_88 : memref<1x80xi32, #tpu.memory_space<vmem>> -> memref<80xi32, #tpu.memory_space<vmem>>
      %dma_start3A_90 = arith.constant 0 : i32
      %dma_start3A_91 = arith.constant 0 : i32
      %dma_start3A_92 = tpu.memref_slice %arg10[%dma_start3A_90, %dma_start3A_91] : memref<10000x128xf32, #tpu.memory_space<vmem_shared>> -> memref<10000x128xf32, #tpu.memory_space<vmem_shared>>
      tpu.enqueue_indirect_dma source(%arg8 : memref<80x128xf32, #tpu.memory_space<vmem>>) target(%dma_start3A_92 : memref<10000x128xf32, #tpu.memory_space<vmem_shared>>) offsets(%dma_start3A_89 : memref<80xi32, #tpu.memory_space<vmem>>) semaphore(%arg14 : memref<!tpu.dma_semaphore, #tpu.memory_space<semaphore_mem>>) {add = true}
      %dma_wait3A_93 = arith.constant 1 : i32
      %dma_wait3A_94 = arith.constant 0 : i32
      %dma_wait3A_95 = tpu.memref_slice %arg5[%dma_wait3A_93, %dma_wait3A_94] : memref<2x80xi32, #tpu.memory_space<vmem>> -> memref<1x80xi32, #tpu.memory_space<vmem>>
      %dma_wait3A_96 = tpu.memref_squeeze %dma_wait3A_95 : memref<1x80xi32, #tpu.memory_space<vmem>> -> memref<80xi32, #tpu.memory_space<vmem>>
      %dma_wait3A_97 = arith.constant 0 : i32
      %dma_wait3A_98 = arith.constant 0 : i32
      %dma_wait3A_99 = tpu.memref_slice %arg10[%dma_wait3A_97, %dma_wait3A_98] : memref<10000x128xf32, #tpu.memory_space<vmem_shared>> -> memref<10000x128xf32, #tpu.memory_space<vmem_shared>>
      tpu.wait_indirect_dma semaphore(%arg13 : memref<!tpu.dma_semaphore, #tpu.memory_space<semaphore_mem>>) src(%arg6 : memref<80x128xf32, #tpu.memory_space<vmem>>) dst(%dma_wait3A_99 : memref<10000x128xf32, #tpu.memory_space<vmem_shared>>)
      %mul3A_100 = arith.constant 2 : i32
      %mul3A_101 = arith.muli %mul3A_100, %scan3A_77 : i32
      %add3A_102 = arith.constant 1 : i32
      %add3A_103 = arith.addi %mul3A_101, %add3A_102 : i32
      %add3A_104 = arith.constant 1 : i32
      %add3A_105 = arith.addi %add3A_103, %add3A_104 : i32
      %min3A = arith.constant 124 : i32
      %min3A_106 = arith.minsi %add3A_105, %min3A : i32
      %add3A_107 = arith.addi %mul3A_20, %min3A_106 : i32
      "tpu.region"() ({
        %run_scoped3A = tpu.sem_alloc : memref<!tpu.dma_semaphore, #tpu.memory_space<semaphore_mem>>
        %dma_start3A_153 = arith.constant 0 : i32
        %dma_start3A_154 = arith.constant 0 : i32
        %dma_start3A_155 = tpu.memref_slice %arg3[%add3A_107, %dma_start3A_153, %dma_start3A_154] : memref<4000x2x80xi32, #tpu.memory_space<hbm>> -> memref<1x2x80xi32, #tpu.memory_space<hbm>>
        %dma_start3A_156 = tpu.memref_squeeze %dma_start3A_155 : memref<1x2x80xi32, #tpu.memory_space<hbm>> -> memref<2x80xi32, #tpu.memory_space<hbm>>
        %dma_start3A_157 = arith.constant 0 : i32
        %dma_start3A_158 = arith.constant 0 : i32
        %dma_start3A_159 = tpu.memref_slice %arg3[%add3A_107, %dma_start3A_157, %dma_start3A_158] : memref<4000x2x80xi32, #tpu.memory_space<hbm>> -> memref<1x2x80xi32, #tpu.memory_space<hbm>>
        %dma_start3A_160 = tpu.memref_squeeze %dma_start3A_159 : memref<1x2x80xi32, #tpu.memory_space<hbm>> -> memref<2x80xi32, #tpu.memory_space<hbm>>
        tpu.enqueue_dma source(%dma_start3A_160 : memref<2x80xi32, #tpu.memory_space<hbm>>) target(%arg5 : memref<2x80xi32, #tpu.memory_space<vmem>>) target_semaphore(%run_scoped3A : memref<!tpu.dma_semaphore, #tpu.memory_space<semaphore_mem>>)
        %dma_wait3A_161 = arith.constant 0 : i32
        %dma_wait3A_162 = arith.constant 0 : i32
        %dma_wait3A_163 = tpu.memref_slice %arg3[%add3A_107, %dma_wait3A_161, %dma_wait3A_162] : memref<4000x2x80xi32, #tpu.memory_space<hbm>> -> memref<1x2x80xi32, #tpu.memory_space<hbm>>
        %dma_wait3A_164 = tpu.memref_squeeze %dma_wait3A_163 : memref<1x2x80xi32, #tpu.memory_space<hbm>> -> memref<2x80xi32, #tpu.memory_space<hbm>>
        %dma_wait3A_165 = arith.constant 0 : i32
        %dma_wait3A_166 = arith.constant 0 : i32
        %dma_wait3A_167 = tpu.memref_slice %arg3[%add3A_107, %dma_wait3A_165, %dma_wait3A_166] : memref<4000x2x80xi32, #tpu.memory_space<hbm>> -> memref<1x2x80xi32, #tpu.memory_space<hbm>>
        %dma_wait3A_168 = tpu.memref_squeeze %dma_wait3A_167 : memref<1x2x80xi32, #tpu.memory_space<hbm>> -> memref<2x80xi32, #tpu.memory_space<hbm>>
        tpu.wait_dma2 semaphore(%run_scoped3A : memref<!tpu.dma_semaphore, #tpu.memory_space<semaphore_mem>>) src(%dma_wait3A_168 : memref<2x80xi32, #tpu.memory_space<hbm>>) dst(%arg5 : memref<2x80xi32, #tpu.memory_space<vmem>>)
        tpu.yield
      }) : () -> ()
      %dma_start3A_108 = arith.constant 0 : i32
      %dma_start3A_109 = arith.constant 0 : i32
      %dma_start3A_110 = tpu.memref_slice %arg5[%dma_start3A_108, %dma_start3A_109] : memref<2x80xi32, #tpu.memory_space<vmem>> -> memref<1x80xi32, #tpu.memory_space<vmem>>
      %dma_start3A_111 = tpu.memref_squeeze %dma_start3A_110 : memref<1x80xi32, #tpu.memory_space<vmem>> -> memref<80xi32, #tpu.memory_space<vmem>>
      %dma_start3A_112 = arith.constant 0 : i32
      %dma_start3A_113 = arith.constant 0 : i32
      %dma_start3A_114 = tpu.memref_slice %arg2[%dma_start3A_112, %dma_start3A_113] : memref<10000x128xf32, #tpu.memory_space<hbm>> -> memref<10000x128xf32, #tpu.memory_space<hbm>>
      tpu.enqueue_indirect_dma source(%dma_start3A_114 : memref<10000x128xf32, #tpu.memory_space<hbm>>) target(%arg6 : memref<80x128xf32, #tpu.memory_space<vmem>>) offsets(%dma_start3A_111 : memref<80xi32, #tpu.memory_space<vmem>>) semaphore(%arg11 : memref<!tpu.dma_semaphore, #tpu.memory_space<semaphore_mem>>)
      %dma_wait3A_115 = arith.constant 0 : i32
      %dma_wait3A_116 = arith.constant 0 : i32
      %dma_wait3A_117 = tpu.memref_slice %arg5[%dma_wait3A_115, %dma_wait3A_116] : memref<2x80xi32, #tpu.memory_space<vmem>> -> memref<1x80xi32, #tpu.memory_space<vmem>>
      %dma_wait3A_118 = tpu.memref_squeeze %dma_wait3A_117 : memref<1x80xi32, #tpu.memory_space<vmem>> -> memref<80xi32, #tpu.memory_space<vmem>>
      %dma_wait3A_119 = arith.constant 0 : i32
      %dma_wait3A_120 = arith.constant 0 : i32
      %dma_wait3A_121 = tpu.memref_slice %arg2[%dma_wait3A_119, %dma_wait3A_120] : memref<10000x128xf32, #tpu.memory_space<hbm>> -> memref<10000x128xf32, #tpu.memory_space<hbm>>
      tpu.wait_indirect_dma semaphore(%arg11 : memref<!tpu.dma_semaphore, #tpu.memory_space<semaphore_mem>>) src(%dma_wait3A_121 : memref<10000x128xf32, #tpu.memory_space<hbm>>) dst(%arg6 : memref<80x128xf32, #tpu.memory_space<vmem>>)
      %dma_start3A_122 = arith.constant 1 : i32
      %dma_start3A_123 = arith.constant 0 : i32
      %dma_start3A_124 = tpu.memref_slice %arg5[%dma_start3A_122, %dma_start3A_123] : memref<2x80xi32, #tpu.memory_space<vmem>> -> memref<1x80xi32, #tpu.memory_space<vmem>>
      %dma_start3A_125 = tpu.memref_squeeze %dma_start3A_124 : memref<1x80xi32, #tpu.memory_space<vmem>> -> memref<80xi32, #tpu.memory_space<vmem>>
      %dma_start3A_126 = arith.constant 0 : i32
      %dma_start3A_127 = arith.constant 0 : i32
      %dma_start3A_128 = tpu.memref_slice %arg10[%dma_start3A_126, %dma_start3A_127] : memref<10000x128xf32, #tpu.memory_space<vmem_shared>> -> memref<10000x128xf32, #tpu.memory_space<vmem_shared>>
      tpu.enqueue_indirect_dma source(%arg6 : memref<80x128xf32, #tpu.memory_space<vmem>>) target(%dma_start3A_128 : memref<10000x128xf32, #tpu.memory_space<vmem_shared>>) offsets(%dma_start3A_125 : memref<80xi32, #tpu.memory_space<vmem>>) semaphore(%arg13 : memref<!tpu.dma_semaphore, #tpu.memory_space<semaphore_mem>>) {add = true}
      %dma_wait3A_129 = arith.constant 1 : i32
      %dma_wait3A_130 = arith.constant 0 : i32
      %dma_wait3A_131 = tpu.memref_slice %arg7[%dma_wait3A_129, %dma_wait3A_130] : memref<2x80xi32, #tpu.memory_space<vmem>> -> memref<1x80xi32, #tpu.memory_space<vmem>>
      %dma_wait3A_132 = tpu.memref_squeeze %dma_wait3A_131 : memref<1x80xi32, #tpu.memory_space<vmem>> -> memref<80xi32, #tpu.memory_space<vmem>>
      %dma_wait3A_133 = arith.constant 0 : i32
      %dma_wait3A_134 = arith.constant 0 : i32
      %dma_wait3A_135 = tpu.memref_slice %arg10[%dma_wait3A_133, %dma_wait3A_134] : memref<10000x128xf32, #tpu.memory_space<vmem_shared>> -> memref<10000x128xf32, #tpu.memory_space<vmem_shared>>
      tpu.wait_indirect_dma semaphore(%arg14 : memref<!tpu.dma_semaphore, #tpu.memory_space<semaphore_mem>>) src(%arg8 : memref<80x128xf32, #tpu.memory_space<vmem>>) dst(%dma_wait3A_135 : memref<10000x128xf32, #tpu.memory_space<vmem_shared>>)
      %mul3A_136 = arith.constant 2 : i32
      %mul3A_137 = arith.muli %mul3A_136, %scan3A_77 : i32
      %add3A_138 = arith.constant 2 : i32
      %add3A_139 = arith.addi %mul3A_137, %add3A_138 : i32
      %add3A_140 = arith.constant 1 : i32
      %add3A_141 = arith.addi %add3A_139, %add3A_140 : i32
      %min3A_142 = arith.constant 124 : i32
      %min3A_143 = arith.minsi %add3A_141, %min3A_142 : i32
      %add3A_144 = arith.addi %mul3A_20, %min3A_143 : i32
      "tpu.region"() ({
        %run_scoped3A = tpu.sem_alloc : memref<!tpu.dma_semaphore, #tpu.memory_space<semaphore_mem>>
        %dma_start3A_153 = arith.constant 0 : i32
        %dma_start3A_154 = arith.constant 0 : i32
        %dma_start3A_155 = tpu.memref_slice %arg3[%add3A_144, %dma_start3A_153, %dma_start3A_154] : memref<4000x2x80xi32, #tpu.memory_space<hbm>> -> memref<1x2x80xi32, #tpu.memory_space<hbm>>
        %dma_start3A_156 = tpu.memref_squeeze %dma_start3A_155 : memref<1x2x80xi32, #tpu.memory_space<hbm>> -> memref<2x80xi32, #tpu.memory_space<hbm>>
        %dma_start3A_157 = arith.constant 0 : i32
        %dma_start3A_158 = arith.constant 0 : i32
        %dma_start3A_159 = tpu.memref_slice %arg3[%add3A_144, %dma_start3A_157, %dma_start3A_158] : memref<4000x2x80xi32, #tpu.memory_space<hbm>> -> memref<1x2x80xi32, #tpu.memory_space<hbm>>
        %dma_start3A_160 = tpu.memref_squeeze %dma_start3A_159 : memref<1x2x80xi32, #tpu.memory_space<hbm>> -> memref<2x80xi32, #tpu.memory_space<hbm>>
        tpu.enqueue_dma source(%dma_start3A_160 : memref<2x80xi32, #tpu.memory_space<hbm>>) target(%arg7 : memref<2x80xi32, #tpu.memory_space<vmem>>) target_semaphore(%run_scoped3A : memref<!tpu.dma_semaphore, #tpu.memory_space<semaphore_mem>>)
        %dma_wait3A_161 = arith.constant 0 : i32
        %dma_wait3A_162 = arith.constant 0 : i32
        %dma_wait3A_163 = tpu.memref_slice %arg3[%add3A_144, %dma_wait3A_161, %dma_wait3A_162] : memref<4000x2x80xi32, #tpu.memory_space<hbm>> -> memref<1x2x80xi32, #tpu.memory_space<hbm>>
        %dma_wait3A_164 = tpu.memref_squeeze %dma_wait3A_163 : memref<1x2x80xi32, #tpu.memory_space<hbm>> -> memref<2x80xi32, #tpu.memory_space<hbm>>
        %dma_wait3A_165 = arith.constant 0 : i32
        %dma_wait3A_166 = arith.constant 0 : i32
        %dma_wait3A_167 = tpu.memref_slice %arg3[%add3A_144, %dma_wait3A_165, %dma_wait3A_166] : memref<4000x2x80xi32, #tpu.memory_space<hbm>> -> memref<1x2x80xi32, #tpu.memory_space<hbm>>
        %dma_wait3A_168 = tpu.memref_squeeze %dma_wait3A_167 : memref<1x2x80xi32, #tpu.memory_space<hbm>> -> memref<2x80xi32, #tpu.memory_space<hbm>>
        tpu.wait_dma2 semaphore(%run_scoped3A : memref<!tpu.dma_semaphore, #tpu.memory_space<semaphore_mem>>) src(%dma_wait3A_168 : memref<2x80xi32, #tpu.memory_space<hbm>>) dst(%arg7 : memref<2x80xi32, #tpu.memory_space<vmem>>)
        tpu.yield
      }) : () -> ()
      %dma_start3A_145 = arith.constant 0 : i32
      %dma_start3A_146 = arith.constant 0 : i32
      %dma_start3A_147 = tpu.memref_slice %arg7[%dma_start3A_145, %dma_start3A_146] : memref<2x80xi32, #tpu.memory_space<vmem>> -> memref<1x80xi32, #tpu.memory_space<vmem>>
      %dma_start3A_148 = tpu.memref_squeeze %dma_start3A_147 : memref<1x80xi32, #tpu.memory_space<vmem>> -> memref<80xi32, #tpu.memory_space<vmem>>
      %dma_start3A_149 = arith.constant 0 : i32
      %dma_start3A_150 = arith.constant 0 : i32
      %dma_start3A_151 = tpu.memref_slice %arg2[%dma_start3A_149, %dma_start3A_150] : memref<10000x128xf32, #tpu.memory_space<hbm>> -> memref<10000x128xf32, #tpu.memory_space<hbm>>
      tpu.enqueue_indirect_dma source(%dma_start3A_151 : memref<10000x128xf32, #tpu.memory_space<hbm>>) target(%arg8 : memref<80x128xf32, #tpu.memory_space<vmem>>) offsets(%dma_start3A_148 : memref<80xi32, #tpu.memory_space<vmem>>) semaphore(%arg12 : memref<!tpu.dma_semaphore, #tpu.memory_space<semaphore_mem>>)
      %scan3A_152 = arith.constant 0 : i32
      scf.yield %scan3A_152 : i32
    }
    %scan3A_55 = arith.constant 62 : i32
    %dma_wait3A_56 = arith.constant 1 : i32
    %dma_wait3A_57 = arith.constant 0 : i32
    %dma_wait3A_58 = tpu.memref_slice %arg5[%dma_wait3A_56, %dma_wait3A_57] : memref<2x80xi32, #tpu.memory_space<vmem>> -> memref<1x80xi32, #tpu.memory_space<vmem>>
    %dma_wait3A_59 = tpu.memref_squeeze %dma_wait3A_58 : memref<1x80xi32, #tpu.memory_space<vmem>> -> memref<80xi32, #tpu.memory_space<vmem>>
    %dma_wait3A_60 = arith.constant 0 : i32
    %dma_wait3A_61 = arith.constant 0 : i32
    %dma_wait3A_62 = tpu.memref_slice %arg10[%dma_wait3A_60, %dma_wait3A_61] : memref<10000x128xf32, #tpu.memory_space<vmem_shared>> -> memref<10000x128xf32, #tpu.memory_space<vmem_shared>>
    tpu.wait_indirect_dma semaphore(%arg13 : memref<!tpu.dma_semaphore, #tpu.memory_space<semaphore_mem>>) src(%arg6 : memref<80x128xf32, #tpu.memory_space<vmem>>) dst(%dma_wait3A_62 : memref<10000x128xf32, #tpu.memory_space<vmem_shared>>)
    %dma_wait3A_63 = arith.constant 0 : i32
    %dma_wait3A_64 = arith.constant 0 : i32
    %dma_wait3A_65 = tpu.memref_slice %arg7[%dma_wait3A_63, %dma_wait3A_64] : memref<2x80xi32, #tpu.memory_space<vmem>> -> memref<1x80xi32, #tpu.memory_space<vmem>>
    %dma_wait3A_66 = tpu.memref_squeeze %dma_wait3A_65 : memref<1x80xi32, #tpu.memory_space<vmem>> -> memref<80xi32, #tpu.memory_space<vmem>>
    %dma_wait3A_67 = arith.constant 0 : i32
    %dma_wait3A_68 = arith.constant 0 : i32
    %dma_wait3A_69 = tpu.memref_slice %arg2[%dma_wait3A_67, %dma_wait3A_68] : memref<10000x128xf32, #tpu.memory_space<hbm>> -> memref<10000x128xf32, #tpu.memory_space<hbm>>
    tpu.wait_indirect_dma semaphore(%arg12 : memref<!tpu.dma_semaphore, #tpu.memory_space<semaphore_mem>>) src(%dma_wait3A_69 : memref<10000x128xf32, #tpu.memory_space<hbm>>) dst(%arg8 : memref<80x128xf32, #tpu.memory_space<vmem>>)
    %barrier3A_70 = arith.constant 0 : index
    tpu.barrier barrier_id(%barrier3A_70)
    %mul3A_71 = arith.constant 10000 : i32
    %mul3A_72 = arith.muli %arg0, %mul3A_71 : i32
    %add3A_73 = arith.addi %mul3A_72, %mul3A_9 : i32
    "tpu.region"() ({
      %run_scoped3A = tpu.sem_alloc : memref<!tpu.dma_semaphore, #tpu.memory_space<semaphore_mem>>
      %dma_start3A_77 = arith.constant 0 : i32
      %dma_start3A_78 = tpu.memref_slice %arg4[%add3A_73, %dma_start3A_77] : memref<20000x128xf32, #tpu.memory_space<hbm>> -> memref<624x128xf32, #tpu.memory_space<hbm>>
      %dma_start3A_79 = arith.constant 0 : i32
      %dma_start3A_80 = tpu.memref_slice %arg10[%mul3A_9, %dma_start3A_79] : memref<10000x128xf32, #tpu.memory_space<vmem_shared>> -> memref<624x128xf32, #tpu.memory_space<vmem_shared>>
      tpu.enqueue_dma source(%dma_start3A_80 : memref<624x128xf32, #tpu.memory_space<vmem_shared>>) target(%dma_start3A_78 : memref<624x128xf32, #tpu.memory_space<hbm>>) target_semaphore(%run_scoped3A : memref<!tpu.dma_semaphore, #tpu.memory_space<semaphore_mem>>)
      %dma_wait3A_81 = arith.constant 0 : i32
      %dma_wait3A_82 = tpu.memref_slice %arg4[%add3A_73, %dma_wait3A_81] : memref<20000x128xf32, #tpu.memory_space<hbm>> -> memref<624x128xf32, #tpu.memory_space<hbm>>
      %dma_wait3A_83 = arith.constant 0 : i32
      %dma_wait3A_84 = tpu.memref_slice %arg10[%mul3A_9, %dma_wait3A_83] : memref<10000x128xf32, #tpu.memory_space<vmem_shared>> -> memref<624x128xf32, #tpu.memory_space<vmem_shared>>
      tpu.wait_dma2 semaphore(%run_scoped3A : memref<!tpu.dma_semaphore, #tpu.memory_space<semaphore_mem>>) src(%dma_wait3A_84 : memref<624x128xf32, #tpu.memory_space<vmem_shared>>) dst(%dma_wait3A_82 : memref<624x128xf32, #tpu.memory_space<hbm>>)
      tpu.yield
    }) : () -> ()
    %convert_element_type3A_74 = arith.extui %eq3A_10 : i1 to i32
    %cond3A_75 = arith.constant 0 : i32
    %cond3A_76 = arith.cmpi ne, %convert_element_type3A_74, %cond3A_75 : i32
    scf.if %cond3A_76 {
      %mul3A_77 = arith.constant 10000 : i32
      %mul3A_78 = arith.muli %arg0, %mul3A_77 : i32
      %add3A_79 = arith.constant 9984 : i32
      %add3A_80 = arith.addi %mul3A_78, %add3A_79 : i32
      "tpu.region"() ({
        %run_scoped3A = tpu.sem_alloc : memref<!tpu.dma_semaphore, #tpu.memory_space<semaphore_mem>>
        %dma_start3A_81 = arith.constant 0 : i32
        %dma_start3A_82 = tpu.memref_slice %arg4[%add3A_80, %dma_start3A_81] : memref<20000x128xf32, #tpu.memory_space<hbm>> -> memref<16x128xf32, #tpu.memory_space<hbm>>
        %dma_start3A_83 = arith.constant 9984 : i32
        %dma_start3A_84 = arith.constant 0 : i32
        %dma_start3A_85 = tpu.memref_slice %arg10[%dma_start3A_83, %dma_start3A_84] : memref<10000x128xf32, #tpu.memory_space<vmem_shared>> -> memref<16x128xf32, #tpu.memory_space<vmem_shared>>
        tpu.enqueue_dma source(%dma_start3A_85 : memref<16x128xf32, #tpu.memory_space<vmem_shared>>) target(%dma_start3A_82 : memref<16x128xf32, #tpu.memory_space<hbm>>) target_semaphore(%run_scoped3A : memref<!tpu.dma_semaphore, #tpu.memory_space<semaphore_mem>>)
        %dma_wait3A_86 = arith.constant 0 : i32
        %dma_wait3A_87 = tpu.memref_slice %arg4[%add3A_80, %dma_wait3A_86] : memref<20000x128xf32, #tpu.memory_space<hbm>> -> memref<16x128xf32, #tpu.memory_space<hbm>>
        %dma_wait3A_88 = arith.constant 9984 : i32
        %dma_wait3A_89 = arith.constant 0 : i32
        %dma_wait3A_90 = tpu.memref_slice %arg10[%dma_wait3A_88, %dma_wait3A_89] : memref<10000x128xf32, #tpu.memory_space<vmem_shared>> -> memref<16x128xf32, #tpu.memory_space<vmem_shared>>
        tpu.wait_dma2 semaphore(%run_scoped3A : memref<!tpu.dma_semaphore, #tpu.memory_space<semaphore_mem>>) src(%dma_wait3A_90 : memref<16x128xf32, #tpu.memory_space<vmem_shared>>) dst(%dma_wait3A_87 : memref<16x128xf32, #tpu.memory_space<hbm>>)
        tpu.yield
      }) : () -> ()
    } else {
    }
    return
  }
}

#map = affine_map<(d0, d1) -> (0, 0)>
#map1 = affine_map<(d0, d1) -> (0, 0, 0)>
module attributes {stable_mosaic.version = 14 : i64} {
  func.func @_sc_sum_body(%arg0: i32, %arg1: i32, %arg2: memref<10000x128xf32, #tpu.memory_space<hbm>>, %arg3: memref<4000x2x80xi32, #tpu.memory_space<hbm>>, %arg4: memref<20000x128xf32, #tpu.memory_space<hbm>>, %arg5: memref<2x80xi32, #tpu.memory_space<vmem>>, %arg6: memref<80x128xf32, #tpu.memory_space<vmem>>, %arg7: memref<2x80xi32, #tpu.memory_space<vmem>>, %arg8: memref<80x128xf32, #tpu.memory_space<vmem>>, %arg9: memref<208x128xf32, #tpu.memory_space<vmem>>, %arg10: memref<10000x128xf32, #tpu.memory_space<vmem_shared>>, %arg11: memref<!tpu.dma_semaphore, #tpu.memory_space<semaphore_mem>>, %arg12: memref<!tpu.dma_semaphore, #tpu.memory_space<semaphore_mem>>, %arg13: memref<!tpu.dma_semaphore, #tpu.memory_space<semaphore_mem>>, %arg14: memref<!tpu.dma_semaphore, #tpu.memory_space<semaphore_mem>>) attributes {dimension_semantics = [#tpu.dimension_semantics<core_parallel>, #tpu.dimension_semantics<subcore_parallel>], iteration_bounds = array<i64: 2, 16>, scalar_prefetch = 0 : i64, scratch_operands = 10 : i64, tpu.core_type = #tpu.core_type<sc_vector_subcore>, window_params = [{transform_indices = #map}, {transform_indices = #map1}, {transform_indices = #map}]} {
    %mul3A = arith.constant 16 : i32
    %mul3A_0 = arith.muli %arg0, %mul3A : i32
    %add3A = arith.addi %mul3A_0, %arg1 : i32
    %broadcast_in_dim3A = arith.constant 0.000000e+00 : f32
    %broadcast_in_dim3A_1 = vector.broadcast %broadcast_in_dim3A : f32 to vector<16xf32>
    %scan3A = arith.constant 0 : i32
    %scan3A_2 = arith.constant 0 : i32
    %scan3A_3 = arith.constant 208 : i32
    %scan3A_4 = arith.addi %scan3A_2, %scan3A_3 : i32
    %scan3A_5 = arith.constant 1 : i32
    %scan3A_6 = scf.for %scan3A_77 = %scan3A_2 to %scan3A_4 step %scan3A_5 iter_args(%scan3A_78 = %scan3A) -> (i32)  : i32 {
      %scan3A_79 = arith.constant 0 : i32
      %scan3A_80 = arith.constant 0 : i32
      %scan3A_81 = arith.constant 8 : i32
      %scan3A_82 = arith.addi %scan3A_80, %scan3A_81 : i32
      %scan3A_83 = arith.constant 1 : i32
      %scan3A_84 = scf.for %scan3A_86 = %scan3A_80 to %scan3A_82 step %scan3A_83 iter_args(%scan3A_87 = %scan3A_79) -> (i32)  : i32 {
        %mul3A_88 = arith.constant 16 : i32
        %mul3A_89 = arith.muli %scan3A_86, %mul3A_88 : i32
        %swap3A = arith.index_cast %scan3A_77 : i32 to index
        %swap3A_90 = arith.index_cast %mul3A_89 : i32 to index
        %swap3A_91 = tpu.vector_load %arg9[%swap3A, %swap3A_90] {strides = array<i32>} : memref<208x128xf32, #tpu.memory_space<vmem>>, vector<1x16xf32>,
        %swap3A_92 = vector.shape_cast %swap3A_91 : vector<1x16xf32> to vector<16xf32>
        %swap3A_93 = vector.shape_cast %broadcast_in_dim3A_1 : vector<16xf32> to vector<1x16xf32>
        tpu.vector_store %arg9[%swap3A, %swap3A_90], %swap3A_93 {strides = array<i32>} : memref<208x128xf32, #tpu.memory_space<vmem>>, vector<1x16xf32>,
        %scan3A_94 = arith.constant 0 : i32
        scf.yield %scan3A_94 : i32
      }
      %scan3A_85 = arith.constant 8 : i32
      scf.yield %scan3A_84 : i32
    }
    %scan3A_7 = arith.constant 208 : i32
    %mul3A_8 = arith.constant 624 : i32
    %mul3A_9 = arith.muli %arg1, %mul3A_8 : i32
    %eq3A = arith.constant 15 : i32
    %eq3A_10 = arith.cmpi eq, %arg1, %eq3A : i32
    %scan3A_11 = arith.constant 0 : i32
    %scan3A_12 = arith.constant 0 : i32
    %scan3A_13 = arith.constant 3 : i32
    %scan3A_14 = arith.addi %scan3A_12, %scan3A_13 : i32
    %scan3A_15 = arith.constant 1 : i32
    %scan3A_16 = scf.for %scan3A_77 = %scan3A_12 to %scan3A_14 step %scan3A_15 iter_args(%scan3A_78 = %scan3A_11) -> (i32)  : i32 {
      %mul3A_79 = arith.constant 208 : i32
      %mul3A_80 = arith.muli %scan3A_77, %mul3A_79 : i32
      %add3A_81 = arith.addi %mul3A_9, %mul3A_80 : i32
      "tpu.region"() ({
        %run_scoped3A = tpu.sem_alloc : memref<!tpu.dma_semaphore, #tpu.memory_space<semaphore_mem>>
        %dma_start3A_83 = arith.constant 0 : i32
        %dma_start3A_84 = tpu.memref_slice %arg10[%add3A_81, %dma_start3A_83] : memref<10000x128xf32, #tpu.memory_space<vmem_shared>> -> memref<208x128xf32, #tpu.memory_space<vmem_shared>>
        %dma_start3A_85 = arith.constant 0 : i32
        %dma_start3A_86 = tpu.memref_slice %arg10[%add3A_81, %dma_start3A_85] : memref<10000x128xf32, #tpu.memory_space<vmem_shared>> -> memref<208x128xf32, #tpu.memory_space<vmem_shared>>
        tpu.enqueue_dma source(%arg9 : memref<208x128xf32, #tpu.memory_space<vmem>>) target(%dma_start3A_86 : memref<208x128xf32, #tpu.memory_space<vmem_shared>>) target_semaphore(%run_scoped3A : memref<!tpu.dma_semaphore, #tpu.memory_space<semaphore_mem>>)
        %dma_wait3A_87 = arith.constant 0 : i32
        %dma_wait3A_88 = tpu.memref_slice %arg10[%add3A_81, %dma_wait3A_87] : memref<10000x128xf32, #tpu.memory_space<vmem_shared>> -> memref<208x128xf32, #tpu.memory_space<vmem_shared>>
        %dma_wait3A_89 = arith.constant 0 : i32
        %dma_wait3A_90 = tpu.memref_slice %arg10[%add3A_81, %dma_wait3A_89] : memref<10000x128xf32, #tpu.memory_space<vmem_shared>> -> memref<208x128xf32, #tpu.memory_space<vmem_shared>>
        tpu.wait_dma2 semaphore(%run_scoped3A : memref<!tpu.dma_semaphore, #tpu.memory_space<semaphore_mem>>) src(%arg9 : memref<208x128xf32, #tpu.memory_space<vmem>>) dst(%dma_wait3A_90 : memref<208x128xf32, #tpu.memory_space<vmem_shared>>)
        tpu.yield
      }) : () -> ()
      %scan3A_82 = arith.constant 0 : i32
      scf.yield %scan3A_82 : i32
    }
    %scan3A_17 = arith.constant 3 : i32
    %convert_element_type3A = arith.extui %eq3A_10 : i1 to i32
    %cond3A = arith.constant 0 : i32
    %cond3A_18 = arith.cmpi ne, %convert_element_type3A, %cond3A : i32
    scf.if %cond3A_18 {
      "tpu.region"() ({
        %run_scoped3A = tpu.sem_alloc : memref<!tpu.dma_semaphore, #tpu.memory_space<semaphore_mem>>
        %dma_start3A_77 = arith.constant 0 : i32
        %dma_start3A_78 = arith.constant 0 : i32
        %dma_start3A_79 = tpu.memref_slice %arg9[%dma_start3A_77, %dma_start3A_78] : memref<208x128xf32, #tpu.memory_space<vmem>> -> memref<16x128xf32, #tpu.memory_space<vmem>>
        %dma_start3A_80 = arith.constant 9984 : i32
        %dma_start3A_81 = arith.constant 0 : i32
        %dma_start3A_82 = tpu.memref_slice %arg10[%dma_start3A_80, %dma_start3A_81] : memref<10000x128xf32, #tpu.memory_space<vmem_shared>> -> memref<16x128xf32, #tpu.memory_space<vmem_shared>>
        %dma_start3A_83 = arith.constant 9984 : i32
        %dma_start3A_84 = arith.constant 0 : i32
        %dma_start3A_85 = tpu.memref_slice %arg10[%dma_start3A_83, %dma_start3A_84] : memref<10000x128xf32, #tpu.memory_space<vmem_shared>> -> memref<16x128xf32, #tpu.memory_space<vmem_shared>>
        %dma_start3A_86 = arith.constant 0 : i32
        %dma_start3A_87 = arith.constant 0 : i32
        %dma_start3A_88 = tpu.memref_slice %arg9[%dma_start3A_86, %dma_start3A_87] : memref<208x128xf32, #tpu.memory_space<vmem>> -> memref<16x128xf32, #tpu.memory_space<vmem>>
        tpu.enqueue_dma source(%dma_start3A_88 : memref<16x128xf32, #tpu.memory_space<vmem>>) target(%dma_start3A_85 : memref<16x128xf32, #tpu.memory_space<vmem_shared>>) target_semaphore(%run_scoped3A : memref<!tpu.dma_semaphore, #tpu.memory_space<semaphore_mem>>)
        %dma_wait3A_89 = arith.constant 0 : i32
        %dma_wait3A_90 = arith.constant 0 : i32
        %dma_wait3A_91 = tpu.memref_slice %arg9[%dma_wait3A_89, %dma_wait3A_90] : memref<208x128xf32, #tpu.memory_space<vmem>> -> memref<16x128xf32, #tpu.memory_space<vmem>>
        %dma_wait3A_92 = arith.constant 9984 : i32
        %dma_wait3A_93 = arith.constant 0 : i32
        %dma_wait3A_94 = tpu.memref_slice %arg10[%dma_wait3A_92, %dma_wait3A_93] : memref<10000x128xf32, #tpu.memory_space<vmem_shared>> -> memref<16x128xf32, #tpu.memory_space<vmem_shared>>
        %dma_wait3A_95 = arith.constant 9984 : i32
        %dma_wait3A_96 = arith.constant 0 : i32
        %dma_wait3A_97 = tpu.memref_slice %arg10[%dma_wait3A_95, %dma_wait3A_96] : memref<10000x128xf32, #tpu.memory_space<vmem_shared>> -> memref<16x128xf32, #tpu.memory_space<vmem_shared>>
        %dma_wait3A_98 = arith.constant 0 : i32
        %dma_wait3A_99 = arith.constant 0 : i32
        %dma_wait3A_100 = tpu.memref_slice %arg9[%dma_wait3A_98, %dma_wait3A_99] : memref<208x128xf32, #tpu.memory_space<vmem>> -> memref<16x128xf32, #tpu.memory_space<vmem>>
        tpu.wait_dma2 semaphore(%run_scoped3A : memref<!tpu.dma_semaphore, #tpu.memory_space<semaphore_mem>>) src(%dma_wait3A_100 : memref<16x128xf32, #tpu.memory_space<vmem>>) dst(%dma_wait3A_97 : memref<16x128xf32, #tpu.memory_space<vmem_shared>>)
        tpu.yield
      }) : () -> ()
    } else {
    }
    %barrier3A = arith.constant 0 : index
    tpu.barrier barrier_id(%barrier3A)
    %mul3A_19 = arith.constant 125 : i32
    %mul3A_20 = arith.muli %add3A, %mul3A_19 : i32
    "tpu.region"() ({
      %run_scoped3A = tpu.sem_alloc : memref<!tpu.dma_semaphore, #tpu.memory_space<semaphore_mem>>
      %dma_start3A_77 = arith.constant 0 : i32
      %dma_start3A_78 = arith.constant 0 : i32
      %dma_start3A_79 = tpu.memref_slice %arg3[%mul3A_20, %dma_start3A_77, %dma_start3A_78] : memref<4000x2x80xi32, #tpu.memory_space<hbm>> -> memref<1x2x80xi32, #tpu.memory_space<hbm>>
      %dma_start3A_80 = tpu.memref_squeeze %dma_start3A_79 : memref<1x2x80xi32, #tpu.memory_space<hbm>> -> memref<2x80xi32, #tpu.memory_space<hbm>>
      %dma_start3A_81 = arith.constant 0 : i32
      %dma_start3A_82 = arith.constant 0 : i32
      %dma_start3A_83 = tpu.memref_slice %arg3[%mul3A_20, %dma_start3A_81, %dma_start3A_82] : memref<4000x2x80xi32, #tpu.memory_space<hbm>> -> memref<1x2x80xi32, #tpu.memory_space<hbm>>
      %dma_start3A_84 = tpu.memref_squeeze %dma_start3A_83 : memref<1x2x80xi32, #tpu.memory_space<hbm>> -> memref<2x80xi32, #tpu.memory_space<hbm>>
      tpu.enqueue_dma source(%dma_start3A_84 : memref<2x80xi32, #tpu.memory_space<hbm>>) target(%arg5 : memref<2x80xi32, #tpu.memory_space<vmem>>) target_semaphore(%run_scoped3A : memref<!tpu.dma_semaphore, #tpu.memory_space<semaphore_mem>>)
      %dma_wait3A_85 = arith.constant 0 : i32
      %dma_wait3A_86 = arith.constant 0 : i32
      %dma_wait3A_87 = tpu.memref_slice %arg3[%mul3A_20, %dma_wait3A_85, %dma_wait3A_86] : memref<4000x2x80xi32, #tpu.memory_space<hbm>> -> memref<1x2x80xi32, #tpu.memory_space<hbm>>
      %dma_wait3A_88 = tpu.memref_squeeze %dma_wait3A_87 : memref<1x2x80xi32, #tpu.memory_space<hbm>> -> memref<2x80xi32, #tpu.memory_space<hbm>>
      %dma_wait3A_89 = arith.constant 0 : i32
      %dma_wait3A_90 = arith.constant 0 : i32
      %dma_wait3A_91 = tpu.memref_slice %arg3[%mul3A_20, %dma_wait3A_89, %dma_wait3A_90] : memref<4000x2x80xi32, #tpu.memory_space<hbm>> -> memref<1x2x80xi32, #tpu.memory_space<hbm>>
      %dma_wait3A_92 = tpu.memref_squeeze %dma_wait3A_91 : memref<1x2x80xi32, #tpu.memory_space<hbm>> -> memref<2x80xi32, #tpu.memory_space<hbm>>
      tpu.wait_dma2 semaphore(%run_scoped3A : memref<!tpu.dma_semaphore, #tpu.memory_space<semaphore_mem>>) src(%dma_wait3A_92 : memref<2x80xi32, #tpu.memory_space<hbm>>) dst(%arg5 : memref<2x80xi32, #tpu.memory_space<vmem>>)
      tpu.yield
    }) : () -> ()
    %dma_start3A = arith.constant 0 : i32
    %dma_start3A_21 = arith.constant 0 : i32
    %dma_start3A_22 = tpu.memref_slice %arg5[%dma_start3A, %dma_start3A_21] : memref<2x80xi32, #tpu.memory_space<vmem>> -> memref<1x80xi32, #tpu.memory_space<vmem>>
    %dma_start3A_23 = tpu.memref_squeeze %dma_start3A_22 : memref<1x80xi32, #tpu.memory_space<vmem>> -> memref<80xi32, #tpu.memory_space<vmem>>
    %dma_start3A_24 = arith.constant 0 : i32
    %dma_start3A_25 = arith.constant 0 : i32
    %dma_start3A_26 = tpu.memref_slice %arg2[%dma_start3A_24, %dma_start3A_25] : memref<10000x128xf32, #tpu.memory_space<hbm>> -> memref<10000x128xf32, #tpu.memory_space<hbm>>
    tpu.enqueue_indirect_dma source(%dma_start3A_26 : memref<10000x128xf32, #tpu.memory_space<hbm>>) target(%arg6 : memref<80x128xf32, #tpu.memory_space<vmem>>) offsets(%dma_start3A_23 : memref<80xi32, #tpu.memory_space<vmem>>) semaphore(%arg11 : memref<!tpu.dma_semaphore, #tpu.memory_space<semaphore_mem>>)
    %dma_wait3A = arith.constant 0 : i32
    %dma_wait3A_27 = arith.constant 0 : i32
    %dma_wait3A_28 = tpu.memref_slice %arg5[%dma_wait3A, %dma_wait3A_27] : memref<2x80xi32, #tpu.memory_space<vmem>> -> memref<1x80xi32, #tpu.memory_space<vmem>>
    %dma_wait3A_29 = tpu.memref_squeeze %dma_wait3A_28 : memref<1x80xi32, #tpu.memory_space<vmem>> -> memref<80xi32, #tpu.memory_space<vmem>>
    %dma_wait3A_30 = arith.constant 0 : i32
    %dma_wait3A_31 = arith.constant 0 : i32
    %dma_wait3A_32 = tpu.memref_slice %arg2[%dma_wait3A_30, %dma_wait3A_31] : memref<10000x128xf32, #tpu.memory_space<hbm>> -> memref<10000x128xf32, #tpu.memory_space<hbm>>
    tpu.wait_indirect_dma semaphore(%arg11 : memref<!tpu.dma_semaphore, #tpu.memory_space<semaphore_mem>>) src(%dma_wait3A_32 : memref<10000x128xf32, #tpu.memory_space<hbm>>) dst(%arg6 : memref<80x128xf32, #tpu.memory_space<vmem>>)
    %dma_start3A_33 = arith.constant 1 : i32
    %dma_start3A_34 = arith.constant 0 : i32
    %dma_start3A_35 = tpu.memref_slice %arg5[%dma_start3A_33, %dma_start3A_34] : memref<2x80xi32, #tpu.memory_space<vmem>> -> memref<1x80xi32, #tpu.memory_space<vmem>>
    %dma_start3A_36 = tpu.memref_squeeze %dma_start3A_35 : memref<1x80xi32, #tpu.memory_space<vmem>> -> memref<80xi32, #tpu.memory_space<vmem>>
    %dma_start3A_37 = arith.constant 0 : i32
    %dma_start3A_38 = arith.constant 0 : i32
    %dma_start3A_39 = tpu.memref_slice %arg10[%dma_start3A_37, %dma_start3A_38] : memref<10000x128xf32, #tpu.memory_space<vmem_shared>> -> memref<10000x128xf32, #tpu.memory_space<vmem_shared>>
    tpu.enqueue_indirect_dma source(%arg6 : memref<80x128xf32, #tpu.memory_space<vmem>>) target(%dma_start3A_39 : memref<10000x128xf32, #tpu.memory_space<vmem_shared>>) offsets(%dma_start3A_36 : memref<80xi32, #tpu.memory_space<vmem>>) semaphore(%arg13 : memref<!tpu.dma_semaphore, #tpu.memory_space<semaphore_mem>>) {add = true}
    %add3A_40 = arith.constant 1 : i32
    %add3A_41 = arith.addi %mul3A_20, %add3A_40 : i32
    "tpu.region"() ({
      %run_scoped3A = tpu.sem_alloc : memref<!tpu.dma_semaphore, #tpu.memory_space<semaphore_mem>>
      %dma_start3A_77 = arith.constant 0 : i32
      %dma_start3A_78 = arith.constant 0 : i32
      %dma_start3A_79 = tpu.memref_slice %arg3[%add3A_41, %dma_start3A_77, %dma_start3A_78] : memref<4000x2x80xi32, #tpu.memory_space<hbm>> -> memref<1x2x80xi32, #tpu.memory_space<hbm>>
      %dma_start3A_80 = tpu.memref_squeeze %dma_start3A_79 : memref<1x2x80xi32, #tpu.memory_space<hbm>> -> memref<2x80xi32, #tpu.memory_space<hbm>>
      %dma_start3A_81 = arith.constant 0 : i32
      %dma_start3A_82 = arith.constant 0 : i32
      %dma_start3A_83 = tpu.memref_slice %arg3[%add3A_41, %dma_start3A_81, %dma_start3A_82] : memref<4000x2x80xi32, #tpu.memory_space<hbm>> -> memref<1x2x80xi32, #tpu.memory_space<hbm>>
      %dma_start3A_84 = tpu.memref_squeeze %dma_start3A_83 : memref<1x2x80xi32, #tpu.memory_space<hbm>> -> memref<2x80xi32, #tpu.memory_space<hbm>>
      tpu.enqueue_dma source(%dma_start3A_84 : memref<2x80xi32, #tpu.memory_space<hbm>>) target(%arg7 : memref<2x80xi32, #tpu.memory_space<vmem>>) target_semaphore(%run_scoped3A : memref<!tpu.dma_semaphore, #tpu.memory_space<semaphore_mem>>)
      %dma_wait3A_85 = arith.constant 0 : i32
      %dma_wait3A_86 = arith.constant 0 : i32
      %dma_wait3A_87 = tpu.memref_slice %arg3[%add3A_41, %dma_wait3A_85, %dma_wait3A_86] : memref<4000x2x80xi32, #tpu.memory_space<hbm>> -> memref<1x2x80xi32, #tpu.memory_space<hbm>>
      %dma_wait3A_88 = tpu.memref_squeeze %dma_wait3A_87 : memref<1x2x80xi32, #tpu.memory_space<hbm>> -> memref<2x80xi32, #tpu.memory_space<hbm>>
      %dma_wait3A_89 = arith.constant 0 : i32
      %dma_wait3A_90 = arith.constant 0 : i32
      %dma_wait3A_91 = tpu.memref_slice %arg3[%add3A_41, %dma_wait3A_89, %dma_wait3A_90] : memref<4000x2x80xi32, #tpu.memory_space<hbm>> -> memref<1x2x80xi32, #tpu.memory_space<hbm>>
      %dma_wait3A_92 = tpu.memref_squeeze %dma_wait3A_91 : memref<1x2x80xi32, #tpu.memory_space<hbm>> -> memref<2x80xi32, #tpu.memory_space<hbm>>
      tpu.wait_dma2 semaphore(%run_scoped3A : memref<!tpu.dma_semaphore, #tpu.memory_space<semaphore_mem>>) src(%dma_wait3A_92 : memref<2x80xi32, #tpu.memory_space<hbm>>) dst(%arg7 : memref<2x80xi32, #tpu.memory_space<vmem>>)
      tpu.yield
    }) : () -> ()
    %dma_start3A_42 = arith.constant 0 : i32
    %dma_start3A_43 = arith.constant 0 : i32
    %dma_start3A_44 = tpu.memref_slice %arg7[%dma_start3A_42, %dma_start3A_43] : memref<2x80xi32, #tpu.memory_space<vmem>> -> memref<1x80xi32, #tpu.memory_space<vmem>>
    %dma_start3A_45 = tpu.memref_squeeze %dma_start3A_44 : memref<1x80xi32, #tpu.memory_space<vmem>> -> memref<80xi32, #tpu.memory_space<vmem>>
    %dma_start3A_46 = arith.constant 0 : i32
    %dma_start3A_47 = arith.constant 0 : i32
    %dma_start3A_48 = tpu.memref_slice %arg2[%dma_start3A_46, %dma_start3A_47] : memref<10000x128xf32, #tpu.memory_space<hbm>> -> memref<10000x128xf32, #tpu.memory_space<hbm>>
    tpu.enqueue_indirect_dma source(%dma_start3A_48 : memref<10000x128xf32, #tpu.memory_space<hbm>>) target(%arg8 : memref<80x128xf32, #tpu.memory_space<vmem>>) offsets(%dma_start3A_45 : memref<80xi32, #tpu.memory_space<vmem>>) semaphore(%arg12 : memref<!tpu.dma_semaphore, #tpu.memory_space<semaphore_mem>>)
    %scan3A_49 = arith.constant 0 : i32
    %scan3A_50 = arith.constant 0 : i32
    %scan3A_51 = arith.constant 62 : i32
    %scan3A_52 = arith.addi %scan3A_50, %scan3A_51 : i32
    %scan3A_53 = arith.constant 1 : i32
    %scan3A_54 = scf.for %scan3A_77 = %scan3A_50 to %scan3A_52 step %scan3A_53 iter_args(%scan3A_78 = %scan3A_49) -> (i32)  : i32 {
      %dma_wait3A_79 = arith.constant 0 : i32
      %dma_wait3A_80 = arith.constant 0 : i32
      %dma_wait3A_81 = tpu.memref_slice %arg7[%dma_wait3A_79, %dma_wait3A_80] : memref<2x80xi32, #tpu.memory_space<vmem>> -> memref<1x80xi32, #tpu.memory_space<vmem>>
      %dma_wait3A_82 = tpu.memref_squeeze %dma_wait3A_81 : memref<1x80xi32, #tpu.memory_space<vmem>> -> memref<80xi32, #tpu.memory_space<vmem>>
      %dma_wait3A_83 = arith.constant 0 : i32
      %dma_wait3A_84 = arith.constant 0 : i32
      %dma_wait3A_85 = tpu.memref_slice %arg2[%dma_wait3A_83, %dma_wait3A_84] : memref<10000x128xf32, #tpu.memory_space<hbm>> -> memref<10000x128xf32, #tpu.memory_space<hbm>>
      tpu.wait_indirect_dma semaphore(%arg12 : memref<!tpu.dma_semaphore, #tpu.memory_space<semaphore_mem>>) src(%dma_wait3A_85 : memref<10000x128xf32, #tpu.memory_space<hbm>>) dst(%arg8 : memref<80x128xf32, #tpu.memory_space<vmem>>)
      %dma_start3A_86 = arith.constant 1 : i32
      %dma_start3A_87 = arith.constant 0 : i32
      %dma_start3A_88 = tpu.memref_slice %arg7[%dma_start3A_86, %dma_start3A_87] : memref<2x80xi32, #tpu.memory_space<vmem>> -> memref<1x80xi32, #tpu.memory_space<vmem>>
      %dma_start3A_89 = tpu.memref_squeeze %dma_start3A_88 : memref<1x80xi32, #tpu.memory_space<vmem>> -> memref<80xi32, #tpu.memory_space<vmem>>
      %dma_start3A_90 = arith.constant 0 : i32
      %dma_start3A_91 = arith.constant 0 : i32
      %dma_start3A_92 = tpu.memref_slice %arg10[%dma_start3A_90, %dma_start3A_91] : memref<10000x128xf32, #tpu.memory_space<vmem_shared>> -> memref<10000x128xf32, #tpu.memory_space<vmem_shared>>
      tpu.enqueue_indirect_dma source(%arg8 : memref<80x128xf32, #tpu.memory_space<vmem>>) target(%dma_start3A_92 : memref<10000x128xf32, #tpu.memory_space<vmem_shared>>) offsets(%dma_start3A_89 : memref<80xi32, #tpu.memory_space<vmem>>) semaphore(%arg14 : memref<!tpu.dma_semaphore, #tpu.memory_space<semaphore_mem>>) {add = true}
      %dma_wait3A_93 = arith.constant 1 : i32
      %dma_wait3A_94 = arith.constant 0 : i32
      %dma_wait3A_95 = tpu.memref_slice %arg5[%dma_wait3A_93, %dma_wait3A_94] : memref<2x80xi32, #tpu.memory_space<vmem>> -> memref<1x80xi32, #tpu.memory_space<vmem>>
      %dma_wait3A_96 = tpu.memref_squeeze %dma_wait3A_95 : memref<1x80xi32, #tpu.memory_space<vmem>> -> memref<80xi32, #tpu.memory_space<vmem>>
      %dma_wait3A_97 = arith.constant 0 : i32
      %dma_wait3A_98 = arith.constant 0 : i32
      %dma_wait3A_99 = tpu.memref_slice %arg10[%dma_wait3A_97, %dma_wait3A_98] : memref<10000x128xf32, #tpu.memory_space<vmem_shared>> -> memref<10000x128xf32, #tpu.memory_space<vmem_shared>>
      tpu.wait_indirect_dma semaphore(%arg13 : memref<!tpu.dma_semaphore, #tpu.memory_space<semaphore_mem>>) src(%arg6 : memref<80x128xf32, #tpu.memory_space<vmem>>) dst(%dma_wait3A_99 : memref<10000x128xf32, #tpu.memory_space<vmem_shared>>)
      %mul3A_100 = arith.constant 2 : i32
      %mul3A_101 = arith.muli %mul3A_100, %scan3A_77 : i32
      %add3A_102 = arith.constant 1 : i32
      %add3A_103 = arith.addi %mul3A_101, %add3A_102 : i32
      %add3A_104 = arith.constant 1 : i32
      %add3A_105 = arith.addi %add3A_103, %add3A_104 : i32
      %min3A = arith.constant 124 : i32
      %min3A_106 = arith.minsi %add3A_105, %min3A : i32
      %add3A_107 = arith.addi %mul3A_20, %min3A_106 : i32
      "tpu.region"() ({
        %run_scoped3A = tpu.sem_alloc : memref<!tpu.dma_semaphore, #tpu.memory_space<semaphore_mem>>
        %dma_start3A_153 = arith.constant 0 : i32
        %dma_start3A_154 = arith.constant 0 : i32
        %dma_start3A_155 = tpu.memref_slice %arg3[%add3A_107, %dma_start3A_153, %dma_start3A_154] : memref<4000x2x80xi32, #tpu.memory_space<hbm>> -> memref<1x2x80xi32, #tpu.memory_space<hbm>>
        %dma_start3A_156 = tpu.memref_squeeze %dma_start3A_155 : memref<1x2x80xi32, #tpu.memory_space<hbm>> -> memref<2x80xi32, #tpu.memory_space<hbm>>
        %dma_start3A_157 = arith.constant 0 : i32
        %dma_start3A_158 = arith.constant 0 : i32
        %dma_start3A_159 = tpu.memref_slice %arg3[%add3A_107, %dma_start3A_157, %dma_start3A_158] : memref<4000x2x80xi32, #tpu.memory_space<hbm>> -> memref<1x2x80xi32, #tpu.memory_space<hbm>>
        %dma_start3A_160 = tpu.memref_squeeze %dma_start3A_159 : memref<1x2x80xi32, #tpu.memory_space<hbm>> -> memref<2x80xi32, #tpu.memory_space<hbm>>
        tpu.enqueue_dma source(%dma_start3A_160 : memref<2x80xi32, #tpu.memory_space<hbm>>) target(%arg5 : memref<2x80xi32, #tpu.memory_space<vmem>>) target_semaphore(%run_scoped3A : memref<!tpu.dma_semaphore, #tpu.memory_space<semaphore_mem>>)
        %dma_wait3A_161 = arith.constant 0 : i32
        %dma_wait3A_162 = arith.constant 0 : i32
        %dma_wait3A_163 = tpu.memref_slice %arg3[%add3A_107, %dma_wait3A_161, %dma_wait3A_162] : memref<4000x2x80xi32, #tpu.memory_space<hbm>> -> memref<1x2x80xi32, #tpu.memory_space<hbm>>
        %dma_wait3A_164 = tpu.memref_squeeze %dma_wait3A_163 : memref<1x2x80xi32, #tpu.memory_space<hbm>> -> memref<2x80xi32, #tpu.memory_space<hbm>>
        %dma_wait3A_165 = arith.constant 0 : i32
        %dma_wait3A_166 = arith.constant 0 : i32
        %dma_wait3A_167 = tpu.memref_slice %arg3[%add3A_107, %dma_wait3A_165, %dma_wait3A_166] : memref<4000x2x80xi32, #tpu.memory_space<hbm>> -> memref<1x2x80xi32, #tpu.memory_space<hbm>>
        %dma_wait3A_168 = tpu.memref_squeeze %dma_wait3A_167 : memref<1x2x80xi32, #tpu.memory_space<hbm>> -> memref<2x80xi32, #tpu.memory_space<hbm>>
        tpu.wait_dma2 semaphore(%run_scoped3A : memref<!tpu.dma_semaphore, #tpu.memory_space<semaphore_mem>>) src(%dma_wait3A_168 : memref<2x80xi32, #tpu.memory_space<hbm>>) dst(%arg5 : memref<2x80xi32, #tpu.memory_space<vmem>>)
        tpu.yield
      }) : () -> ()
      %dma_start3A_108 = arith.constant 0 : i32
      %dma_start3A_109 = arith.constant 0 : i32
      %dma_start3A_110 = tpu.memref_slice %arg5[%dma_start3A_108, %dma_start3A_109] : memref<2x80xi32, #tpu.memory_space<vmem>> -> memref<1x80xi32, #tpu.memory_space<vmem>>
      %dma_start3A_111 = tpu.memref_squeeze %dma_start3A_110 : memref<1x80xi32, #tpu.memory_space<vmem>> -> memref<80xi32, #tpu.memory_space<vmem>>
      %dma_start3A_112 = arith.constant 0 : i32
      %dma_start3A_113 = arith.constant 0 : i32
      %dma_start3A_114 = tpu.memref_slice %arg2[%dma_start3A_112, %dma_start3A_113] : memref<10000x128xf32, #tpu.memory_space<hbm>> -> memref<10000x128xf32, #tpu.memory_space<hbm>>
      tpu.enqueue_indirect_dma source(%dma_start3A_114 : memref<10000x128xf32, #tpu.memory_space<hbm>>) target(%arg6 : memref<80x128xf32, #tpu.memory_space<vmem>>) offsets(%dma_start3A_111 : memref<80xi32, #tpu.memory_space<vmem>>) semaphore(%arg11 : memref<!tpu.dma_semaphore, #tpu.memory_space<semaphore_mem>>)
      %dma_wait3A_115 = arith.constant 0 : i32
      %dma_wait3A_116 = arith.constant 0 : i32
      %dma_wait3A_117 = tpu.memref_slice %arg5[%dma_wait3A_115, %dma_wait3A_116] : memref<2x80xi32, #tpu.memory_space<vmem>> -> memref<1x80xi32, #tpu.memory_space<vmem>>
      %dma_wait3A_118 = tpu.memref_squeeze %dma_wait3A_117 : memref<1x80xi32, #tpu.memory_space<vmem>> -> memref<80xi32, #tpu.memory_space<vmem>>
      %dma_wait3A_119 = arith.constant 0 : i32
      %dma_wait3A_120 = arith.constant 0 : i32
      %dma_wait3A_121 = tpu.memref_slice %arg2[%dma_wait3A_119, %dma_wait3A_120] : memref<10000x128xf32, #tpu.memory_space<hbm>> -> memref<10000x128xf32, #tpu.memory_space<hbm>>
      tpu.wait_indirect_dma semaphore(%arg11 : memref<!tpu.dma_semaphore, #tpu.memory_space<semaphore_mem>>) src(%dma_wait3A_121 : memref<10000x128xf32, #tpu.memory_space<hbm>>) dst(%arg6 : memref<80x128xf32, #tpu.memory_space<vmem>>)
      %dma_start3A_122 = arith.constant 1 : i32
      %dma_start3A_123 = arith.constant 0 : i32
      %dma_start3A_124 = tpu.memref_slice %arg5[%dma_start3A_122, %dma_start3A_123] : memref<2x80xi32, #tpu.memory_space<vmem>> -> memref<1x80xi32, #tpu.memory_space<vmem>>
      %dma_start3A_125 = tpu.memref_squeeze %dma_start3A_124 : memref<1x80xi32, #tpu.memory_space<vmem>> -> memref<80xi32, #tpu.memory_space<vmem>>
      %dma_start3A_126 = arith.constant 0 : i32
      %dma_start3A_127 = arith.constant 0 : i32
      %dma_start3A_128 = tpu.memref_slice %arg10[%dma_start3A_126, %dma_start3A_127] : memref<10000x128xf32, #tpu.memory_space<vmem_shared>> -> memref<10000x128xf32, #tpu.memory_space<vmem_shared>>
      tpu.enqueue_indirect_dma source(%arg6 : memref<80x128xf32, #tpu.memory_space<vmem>>) target(%dma_start3A_128 : memref<10000x128xf32, #tpu.memory_space<vmem_shared>>) offsets(%dma_start3A_125 : memref<80xi32, #tpu.memory_space<vmem>>) semaphore(%arg13 : memref<!tpu.dma_semaphore, #tpu.memory_space<semaphore_mem>>) {add = true}
      %dma_wait3A_129 = arith.constant 1 : i32
      %dma_wait3A_130 = arith.constant 0 : i32
      %dma_wait3A_131 = tpu.memref_slice %arg7[%dma_wait3A_129, %dma_wait3A_130] : memref<2x80xi32, #tpu.memory_space<vmem>> -> memref<1x80xi32, #tpu.memory_space<vmem>>
      %dma_wait3A_132 = tpu.memref_squeeze %dma_wait3A_131 : memref<1x80xi32, #tpu.memory_space<vmem>> -> memref<80xi32, #tpu.memory_space<vmem>>
      %dma_wait3A_133 = arith.constant 0 : i32
      %dma_wait3A_134 = arith.constant 0 : i32
      %dma_wait3A_135 = tpu.memref_slice %arg10[%dma_wait3A_133, %dma_wait3A_134] : memref<10000x128xf32, #tpu.memory_space<vmem_shared>> -> memref<10000x128xf32, #tpu.memory_space<vmem_shared>>
      tpu.wait_indirect_dma semaphore(%arg14 : memref<!tpu.dma_semaphore, #tpu.memory_space<semaphore_mem>>) src(%arg8 : memref<80x128xf32, #tpu.memory_space<vmem>>) dst(%dma_wait3A_135 : memref<10000x128xf32, #tpu.memory_space<vmem_shared>>)
      %mul3A_136 = arith.constant 2 : i32
      %mul3A_137 = arith.muli %mul3A_136, %scan3A_77 : i32
      %add3A_138 = arith.constant 2 : i32
      %add3A_139 = arith.addi %mul3A_137, %add3A_138 : i32
      %add3A_140 = arith.constant 1 : i32
      %add3A_141 = arith.addi %add3A_139, %add3A_140 : i32
      %min3A_142 = arith.constant 124 : i32
      %min3A_143 = arith.minsi %add3A_141, %min3A_142 : i32
      %add3A_144 = arith.addi %mul3A_20, %min3A_143 : i32
      "tpu.region"() ({
        %run_scoped3A = tpu.sem_alloc : memref<!tpu.dma_semaphore, #tpu.memory_space<semaphore_mem>>
        %dma_start3A_153 = arith.constant 0 : i32
        %dma_start3A_154 = arith.constant 0 : i32
        %dma_start3A_155 = tpu.memref_slice %arg3[%add3A_144, %dma_start3A_153, %dma_start3A_154] : memref<4000x2x80xi32, #tpu.memory_space<hbm>> -> memref<1x2x80xi32, #tpu.memory_space<hbm>>
        %dma_start3A_156 = tpu.memref_squeeze %dma_start3A_155 : memref<1x2x80xi32, #tpu.memory_space<hbm>> -> memref<2x80xi32, #tpu.memory_space<hbm>>
        %dma_start3A_157 = arith.constant 0 : i32
        %dma_start3A_158 = arith.constant 0 : i32
        %dma_start3A_159 = tpu.memref_slice %arg3[%add3A_144, %dma_start3A_157, %dma_start3A_158] : memref<4000x2x80xi32, #tpu.memory_space<hbm>> -> memref<1x2x80xi32, #tpu.memory_space<hbm>>
        %dma_start3A_160 = tpu.memref_squeeze %dma_start3A_159 : memref<1x2x80xi32, #tpu.memory_space<hbm>> -> memref<2x80xi32, #tpu.memory_space<hbm>>
        tpu.enqueue_dma source(%dma_start3A_160 : memref<2x80xi32, #tpu.memory_space<hbm>>) target(%arg7 : memref<2x80xi32, #tpu.memory_space<vmem>>) target_semaphore(%run_scoped3A : memref<!tpu.dma_semaphore, #tpu.memory_space<semaphore_mem>>)
        %dma_wait3A_161 = arith.constant 0 : i32
        %dma_wait3A_162 = arith.constant 0 : i32
        %dma_wait3A_163 = tpu.memref_slice %arg3[%add3A_144, %dma_wait3A_161, %dma_wait3A_162] : memref<4000x2x80xi32, #tpu.memory_space<hbm>> -> memref<1x2x80xi32, #tpu.memory_space<hbm>>
        %dma_wait3A_164 = tpu.memref_squeeze %dma_wait3A_163 : memref<1x2x80xi32, #tpu.memory_space<hbm>> -> memref<2x80xi32, #tpu.memory_space<hbm>>
        %dma_wait3A_165 = arith.constant 0 : i32
        %dma_wait3A_166 = arith.constant 0 : i32
        %dma_wait3A_167 = tpu.memref_slice %arg3[%add3A_144, %dma_wait3A_165, %dma_wait3A_166] : memref<4000x2x80xi32, #tpu.memory_space<hbm>> -> memref<1x2x80xi32, #tpu.memory_space<hbm>>
        %dma_wait3A_168 = tpu.memref_squeeze %dma_wait3A_167 : memref<1x2x80xi32, #tpu.memory_space<hbm>> -> memref<2x80xi32, #tpu.memory_space<hbm>>
        tpu.wait_dma2 semaphore(%run_scoped3A : memref<!tpu.dma_semaphore, #tpu.memory_space<semaphore_mem>>) src(%dma_wait3A_168 : memref<2x80xi32, #tpu.memory_space<hbm>>) dst(%arg7 : memref<2x80xi32, #tpu.memory_space<vmem>>)
        tpu.yield
      }) : () -> ()
      %dma_start3A_145 = arith.constant 0 : i32
      %dma_start3A_146 = arith.constant 0 : i32
      %dma_start3A_147 = tpu.memref_slice %arg7[%dma_start3A_145, %dma_start3A_146] : memref<2x80xi32, #tpu.memory_space<vmem>> -> memref<1x80xi32, #tpu.memory_space<vmem>>
      %dma_start3A_148 = tpu.memref_squeeze %dma_start3A_147 : memref<1x80xi32, #tpu.memory_space<vmem>> -> memref<80xi32, #tpu.memory_space<vmem>>
      %dma_start3A_149 = arith.constant 0 : i32
      %dma_start3A_150 = arith.constant 0 : i32
      %dma_start3A_151 = tpu.memref_slice %arg2[%dma_start3A_149, %dma_start3A_150] : memref<10000x128xf32, #tpu.memory_space<hbm>> -> memref<10000x128xf32, #tpu.memory_space<hbm>>
      tpu.enqueue_indirect_dma source(%dma_start3A_151 : memref<10000x128xf32, #tpu.memory_space<hbm>>) target(%arg8 : memref<80x128xf32, #tpu.memory_space<vmem>>) offsets(%dma_start3A_148 : memref<80xi32, #tpu.memory_space<vmem>>) semaphore(%arg12 : memref<!tpu.dma_semaphore, #tpu.memory_space<semaphore_mem>>)
      %scan3A_152 = arith.constant 0 : i32
      scf.yield %scan3A_152 : i32
    }
    %scan3A_55 = arith.constant 62 : i32
    %dma_wait3A_56 = arith.constant 1 : i32
    %dma_wait3A_57 = arith.constant 0 : i32
    %dma_wait3A_58 = tpu.memref_slice %arg5[%dma_wait3A_56, %dma_wait3A_57] : memref<2x80xi32, #tpu.memory_space<vmem>> -> memref<1x80xi32, #tpu.memory_space<vmem>>
    %dma_wait3A_59 = tpu.memref_squeeze %dma_wait3A_58 : memref<1x80xi32, #tpu.memory_space<vmem>> -> memref<80xi32, #tpu.memory_space<vmem>>
    %dma_wait3A_60 = arith.constant 0 : i32
    %dma_wait3A_61 = arith.constant 0 : i32
    %dma_wait3A_62 = tpu.memref_slice %arg10[%dma_wait3A_60, %dma_wait3A_61] : memref<10000x128xf32, #tpu.memory_space<vmem_shared>> -> memref<10000x128xf32, #tpu.memory_space<vmem_shared>>
    tpu.wait_indirect_dma semaphore(%arg13 : memref<!tpu.dma_semaphore, #tpu.memory_space<semaphore_mem>>) src(%arg6 : memref<80x128xf32, #tpu.memory_space<vmem>>) dst(%dma_wait3A_62 : memref<10000x128xf32, #tpu.memory_space<vmem_shared>>)
    %dma_wait3A_63 = arith.constant 0 : i32
    %dma_wait3A_64 = arith.constant 0 : i32
    %dma_wait3A_65 = tpu.memref_slice %arg7[%dma_wait3A_63, %dma_wait3A_64] : memref<2x80xi32, #tpu.memory_space<vmem>> -> memref<1x80xi32, #tpu.memory_space<vmem>>
    %dma_wait3A_66 = tpu.memref_squeeze %dma_wait3A_65 : memref<1x80xi32, #tpu.memory_space<vmem>> -> memref<80xi32, #tpu.memory_space<vmem>>
    %dma_wait3A_67 = arith.constant 0 : i32
    %dma_wait3A_68 = arith.constant 0 : i32
    %dma_wait3A_69 = tpu.memref_slice %arg2[%dma_wait3A_67, %dma_wait3A_68] : memref<10000x128xf32, #tpu.memory_space<hbm>> -> memref<10000x128xf32, #tpu.memory_space<hbm>>
    tpu.wait_indirect_dma semaphore(%arg12 : memref<!tpu.dma_semaphore, #tpu.memory_space<semaphore_mem>>) src(%dma_wait3A_69 : memref<10000x128xf32, #tpu.memory_space<hbm>>) dst(%arg8 : memref<80x128xf32, #tpu.memory_space<vmem>>)
    %barrier3A_70 = arith.constant 0 : index
    tpu.barrier barrier_id(%barrier3A_70)
    %mul3A_71 = arith.constant 10000 : i32
    %mul3A_72 = arith.muli %arg0, %mul3A_71 : i32
    %add3A_73 = arith.addi %mul3A_72, %mul3A_9 : i32
    "tpu.region"() ({
      %run_scoped3A = tpu.sem_alloc : memref<!tpu.dma_semaphore, #tpu.memory_space<semaphore_mem>>
      %dma_start3A_77 = arith.constant 0 : i32
      %dma_start3A_78 = tpu.memref_slice %arg4[%add3A_73, %dma_start3A_77] : memref<20000x128xf32, #tpu.memory_space<hbm>> -> memref<624x128xf32, #tpu.memory_space<hbm>>
      %dma_start3A_79 = arith.constant 0 : i32
      %dma_start3A_80 = tpu.memref_slice %arg10[%mul3A_9, %dma_start3A_79] : memref<10000x128xf32, #tpu.memory_space<vmem_shared>> -> memref<624x128xf32, #tpu.memory_space<vmem_shared>>
      tpu.enqueue_dma source(%dma_start3A_80 : memref<624x128xf32, #tpu.memory_space<vmem_shared>>) target(%dma_start3A_78 : memref<624x128xf32, #tpu.memory_space<hbm>>) target_semaphore(%run_scoped3A : memref<!tpu.dma_semaphore, #tpu.memory_space<semaphore_mem>>)
      %dma_wait3A_81 = arith.constant 0 : i32
      %dma_wait3A_82 = tpu.memref_slice %arg4[%add3A_73, %dma_wait3A_81] : memref<20000x128xf32, #tpu.memory_space<hbm>> -> memref<624x128xf32, #tpu.memory_space<hbm>>
      %dma_wait3A_83 = arith.constant 0 : i32
      %dma_wait3A_84 = tpu.memref_slice %arg10[%mul3A_9, %dma_wait3A_83] : memref<10000x128xf32, #tpu.memory_space<vmem_shared>> -> memref<624x128xf32, #tpu.memory_space<vmem_shared>>
      tpu.wait_dma2 semaphore(%run_scoped3A : memref<!tpu.dma_semaphore, #tpu.memory_space<semaphore_mem>>) src(%dma_wait3A_84 : memref<624x128xf32, #tpu.memory_space<vmem_shared>>) dst(%dma_wait3A_82 : memref<624x128xf32, #tpu.memory_space<hbm>>)
      tpu.yield
    }) : () -> ()
    %convert_element_type3A_74 = arith.extui %eq3A_10 : i1 to i32
    %cond3A_75 = arith.constant 0 : i32
    %cond3A_76 = arith.cmpi ne, %convert_element_type3A_74, %cond3A_75 : i32
    scf.if %cond3A_76 {
      %mul3A_77 = arith.constant 10000 : i32
      %mul3A_78 = arith.muli %arg0, %mul3A_77 : i32
      %add3A_79 = arith.constant 9984 : i32
      %add3A_80 = arith.addi %mul3A_78, %add3A_79 : i32
      "tpu.region"() ({
        %run_scoped3A = tpu.sem_alloc : memref<!tpu.dma_semaphore, #tpu.memory_space<semaphore_mem>>
        %dma_start3A_81 = arith.constant 0 : i32
        %dma_start3A_82 = tpu.memref_slice %arg4[%add3A_80, %dma_start3A_81] : memref<20000x128xf32, #tpu.memory_space<hbm>> -> memref<16x128xf32, #tpu.memory_space<hbm>>
        %dma_start3A_83 = arith.constant 9984 : i32
        %dma_start3A_84 = arith.constant 0 : i32
        %dma_start3A_85 = tpu.memref_slice %arg10[%dma_start3A_83, %dma_start3A_84] : memref<10000x128xf32, #tpu.memory_space<vmem_shared>> -> memref<16x128xf32, #tpu.memory_space<vmem_shared>>
        tpu.enqueue_dma source(%dma_start3A_85 : memref<16x128xf32, #tpu.memory_space<vmem_shared>>) target(%dma_start3A_82 : memref<16x128xf32, #tpu.memory_space<hbm>>) target_semaphore(%run_scoped3A : memref<!tpu.dma_semaphore, #tpu.memory_space<semaphore_mem>>)
        %dma_wait3A_86 = arith.constant 0 : i32
        %dma_wait3A_87 = tpu.memref_slice %arg4[%add3A_80, %dma_wait3A_86] : memref<20000x128xf32, #tpu.memory_space<hbm>> -> memref<16x128xf32, #tpu.memory_space<hbm>>
        %dma_wait3A_88 = arith.constant 9984 : i32
        %dma_wait3A_89 = arith.constant 0 : i32
        %dma_wait3A_90 = tpu.memref_slice %arg10[%dma_wait3A_88, %dma_wait3A_89] : memref<10000x128xf32, #tpu.memory_space<vmem_shared>> -> memref<16x128xf32, #tpu.memory_space<vmem_shared>>
        tpu.wait_dma2 semaphore(%run_scoped3A : memref<!tpu.dma_semaphore, #tpu.memory_space<semaphore_mem>>) src(%dma_wait3A_90 : memref<16x128xf32, #tpu.memory_space<vmem_shared>>) dst(%dma_wait3A_87 : memref<16x128xf32, #tpu.memory_space<hbm>>)
        tpu.yield
      }) : () -> ()
    } else {
    }
    return
  }
}

#map = affine_map<(d0, d1) -> (0)>
#map1 = affine_map<(d0, d1) -> (0, 0)>
module attributes {stable_mosaic.version = 14 : i64} {
  func.func @_sc_cnt_body(%arg0: i32, %arg1: i32, %arg2: memref<320000xi32, #tpu.memory_space<hbm>>, %arg3: memref<20000x128xf32, #tpu.memory_space<hbm>>, %arg4: memref<80xi32, #tpu.memory_space<vmem>>, %arg5: memref<80xi32, #tpu.memory_space<vmem>>, %arg6: memref<80x128xf32, #tpu.memory_space<vmem>>, %arg7: memref<208x128xf32, #tpu.memory_space<vmem>>, %arg8: memref<10000x128xf32, #tpu.memory_space<vmem_shared>>, %arg9: memref<!tpu.dma_semaphore, #tpu.memory_space<semaphore_mem>>, %arg10: memref<!tpu.dma_semaphore, #tpu.memory_space<semaphore_mem>>) attributes {dimension_semantics = [#tpu.dimension_semantics<core_parallel>, #tpu.dimension_semantics<subcore_parallel>], iteration_bounds = array<i64: 2, 16>, scalar_prefetch = 0 : i64, scratch_operands = 7 : i64, tpu.core_type = #tpu.core_type<sc_vector_subcore>, window_params = [{transform_indices = #map}, {transform_indices = #map1}]} {
    %mul3A = arith.constant 16 : i32
    %mul3A_0 = arith.muli %arg0, %mul3A : i32
    %add3A = arith.addi %mul3A_0, %arg1 : i32
    %broadcast_in_dim3A = arith.constant 0.000000e+00 : f32
    %broadcast_in_dim3A_1 = vector.broadcast %broadcast_in_dim3A : f32 to vector<16xf32>
    %scan3A = arith.constant 0 : i32
    %scan3A_2 = arith.constant 0 : i32
    %scan3A_3 = arith.constant 208 : i32
    %scan3A_4 = arith.addi %scan3A_2, %scan3A_3 : i32
    %scan3A_5 = arith.constant 1 : i32
    %scan3A_6 = scf.for %scan3A_48 = %scan3A_2 to %scan3A_4 step %scan3A_5 iter_args(%scan3A_49 = %scan3A) -> (i32)  : i32 {
      %scan3A_50 = arith.constant 0 : i32
      %scan3A_51 = arith.constant 0 : i32
      %scan3A_52 = arith.constant 8 : i32
      %scan3A_53 = arith.addi %scan3A_51, %scan3A_52 : i32
      %scan3A_54 = arith.constant 1 : i32
      %scan3A_55 = scf.for %scan3A_57 = %scan3A_51 to %scan3A_53 step %scan3A_54 iter_args(%scan3A_58 = %scan3A_50) -> (i32)  : i32 {
        %mul3A_59 = arith.constant 16 : i32
        %mul3A_60 = arith.muli %scan3A_57, %mul3A_59 : i32
        %swap3A = arith.index_cast %scan3A_48 : i32 to index
        %swap3A_61 = arith.index_cast %mul3A_60 : i32 to index
        %swap3A_62 = tpu.vector_load %arg7[%swap3A, %swap3A_61] {strides = array<i32>} : memref<208x128xf32, #tpu.memory_space<vmem>>, vector<1x16xf32>,
        %swap3A_63 = vector.shape_cast %swap3A_62 : vector<1x16xf32> to vector<16xf32>
        %swap3A_64 = vector.shape_cast %broadcast_in_dim3A_1 : vector<16xf32> to vector<1x16xf32>
        tpu.vector_store %arg7[%swap3A, %swap3A_61], %swap3A_64 {strides = array<i32>} : memref<208x128xf32, #tpu.memory_space<vmem>>, vector<1x16xf32>,
        %scan3A_65 = arith.constant 0 : i32
        scf.yield %scan3A_65 : i32
      }
      %scan3A_56 = arith.constant 8 : i32
      scf.yield %scan3A_55 : i32
    }
    %scan3A_7 = arith.constant 208 : i32
    %mul3A_8 = arith.constant 624 : i32
    %mul3A_9 = arith.muli %arg1, %mul3A_8 : i32
    %eq3A = arith.constant 15 : i32
    %eq3A_10 = arith.cmpi eq, %arg1, %eq3A : i32
    %scan3A_11 = arith.constant 0 : i32
    %scan3A_12 = arith.constant 0 : i32
    %scan3A_13 = arith.constant 3 : i32
    %scan3A_14 = arith.addi %scan3A_12, %scan3A_13 : i32
    %scan3A_15 = arith.constant 1 : i32
    %scan3A_16 = scf.for %scan3A_48 = %scan3A_12 to %scan3A_14 step %scan3A_15 iter_args(%scan3A_49 = %scan3A_11) -> (i32)  : i32 {
      %mul3A_50 = arith.constant 208 : i32
      %mul3A_51 = arith.muli %scan3A_48, %mul3A_50 : i32
      %add3A_52 = arith.addi %mul3A_9, %mul3A_51 : i32
      "tpu.region"() ({
        %run_scoped3A = tpu.sem_alloc : memref<!tpu.dma_semaphore, #tpu.memory_space<semaphore_mem>>
        %dma_start3A_54 = arith.constant 0 : i32
        %dma_start3A_55 = tpu.memref_slice %arg8[%add3A_52, %dma_start3A_54] : memref<10000x128xf32, #tpu.memory_space<vmem_shared>> -> memref<208x128xf32, #tpu.memory_space<vmem_shared>>
        %dma_start3A_56 = arith.constant 0 : i32
        %dma_start3A_57 = tpu.memref_slice %arg8[%add3A_52, %dma_start3A_56] : memref<10000x128xf32, #tpu.memory_space<vmem_shared>> -> memref<208x128xf32, #tpu.memory_space<vmem_shared>>
        tpu.enqueue_dma source(%arg7 : memref<208x128xf32, #tpu.memory_space<vmem>>) target(%dma_start3A_57 : memref<208x128xf32, #tpu.memory_space<vmem_shared>>) target_semaphore(%run_scoped3A : memref<!tpu.dma_semaphore, #tpu.memory_space<semaphore_mem>>)
        %dma_wait3A_58 = arith.constant 0 : i32
        %dma_wait3A_59 = tpu.memref_slice %arg8[%add3A_52, %dma_wait3A_58] : memref<10000x128xf32, #tpu.memory_space<vmem_shared>> -> memref<208x128xf32, #tpu.memory_space<vmem_shared>>
        %dma_wait3A_60 = arith.constant 0 : i32
        %dma_wait3A_61 = tpu.memref_slice %arg8[%add3A_52, %dma_wait3A_60] : memref<10000x128xf32, #tpu.memory_space<vmem_shared>> -> memref<208x128xf32, #tpu.memory_space<vmem_shared>>
        tpu.wait_dma2 semaphore(%run_scoped3A : memref<!tpu.dma_semaphore, #tpu.memory_space<semaphore_mem>>) src(%arg7 : memref<208x128xf32, #tpu.memory_space<vmem>>) dst(%dma_wait3A_61 : memref<208x128xf32, #tpu.memory_space<vmem_shared>>)
        tpu.yield
      }) : () -> ()
      %scan3A_53 = arith.constant 0 : i32
      scf.yield %scan3A_53 : i32
    }
    %scan3A_17 = arith.constant 3 : i32
    %convert_element_type3A = arith.extui %eq3A_10 : i1 to i32
    %cond3A = arith.constant 0 : i32
    %cond3A_18 = arith.cmpi ne, %convert_element_type3A, %cond3A : i32
    scf.if %cond3A_18 {
      "tpu.region"() ({
        %run_scoped3A = tpu.sem_alloc : memref<!tpu.dma_semaphore, #tpu.memory_space<semaphore_mem>>
        %dma_start3A_48 = arith.constant 0 : i32
        %dma_start3A_49 = arith.constant 0 : i32
        %dma_start3A_50 = tpu.memref_slice %arg7[%dma_start3A_48, %dma_start3A_49] : memref<208x128xf32, #tpu.memory_space<vmem>> -> memref<16x128xf32, #tpu.memory_space<vmem>>
        %dma_start3A_51 = arith.constant 9984 : i32
        %dma_start3A_52 = arith.constant 0 : i32
        %dma_start3A_53 = tpu.memref_slice %arg8[%dma_start3A_51, %dma_start3A_52] : memref<10000x128xf32, #tpu.memory_space<vmem_shared>> -> memref<16x128xf32, #tpu.memory_space<vmem_shared>>
        %dma_start3A_54 = arith.constant 9984 : i32
        %dma_start3A_55 = arith.constant 0 : i32
        %dma_start3A_56 = tpu.memref_slice %arg8[%dma_start3A_54, %dma_start3A_55] : memref<10000x128xf32, #tpu.memory_space<vmem_shared>> -> memref<16x128xf32, #tpu.memory_space<vmem_shared>>
        %dma_start3A_57 = arith.constant 0 : i32
        %dma_start3A_58 = arith.constant 0 : i32
        %dma_start3A_59 = tpu.memref_slice %arg7[%dma_start3A_57, %dma_start3A_58] : memref<208x128xf32, #tpu.memory_space<vmem>> -> memref<16x128xf32, #tpu.memory_space<vmem>>
        tpu.enqueue_dma source(%dma_start3A_59 : memref<16x128xf32, #tpu.memory_space<vmem>>) target(%dma_start3A_56 : memref<16x128xf32, #tpu.memory_space<vmem_shared>>) target_semaphore(%run_scoped3A : memref<!tpu.dma_semaphore, #tpu.memory_space<semaphore_mem>>)
        %dma_wait3A_60 = arith.constant 0 : i32
        %dma_wait3A_61 = arith.constant 0 : i32
        %dma_wait3A_62 = tpu.memref_slice %arg7[%dma_wait3A_60, %dma_wait3A_61] : memref<208x128xf32, #tpu.memory_space<vmem>> -> memref<16x128xf32, #tpu.memory_space<vmem>>
        %dma_wait3A_63 = arith.constant 9984 : i32
        %dma_wait3A_64 = arith.constant 0 : i32
        %dma_wait3A_65 = tpu.memref_slice %arg8[%dma_wait3A_63, %dma_wait3A_64] : memref<10000x128xf32, #tpu.memory_space<vmem_shared>> -> memref<16x128xf32, #tpu.memory_space<vmem_shared>>
        %dma_wait3A_66 = arith.constant 9984 : i32
        %dma_wait3A_67 = arith.constant 0 : i32
        %dma_wait3A_68 = tpu.memref_slice %arg8[%dma_wait3A_66, %dma_wait3A_67] : memref<10000x128xf32, #tpu.memory_space<vmem_shared>> -> memref<16x128xf32, #tpu.memory_space<vmem_shared>>
        %dma_wait3A_69 = arith.constant 0 : i32
        %dma_wait3A_70 = arith.constant 0 : i32
        %dma_wait3A_71 = tpu.memref_slice %arg7[%dma_wait3A_69, %dma_wait3A_70] : memref<208x128xf32, #tpu.memory_space<vmem>> -> memref<16x128xf32, #tpu.memory_space<vmem>>
        tpu.wait_dma2 semaphore(%run_scoped3A : memref<!tpu.dma_semaphore, #tpu.memory_space<semaphore_mem>>) src(%dma_wait3A_71 : memref<16x128xf32, #tpu.memory_space<vmem>>) dst(%dma_wait3A_68 : memref<16x128xf32, #tpu.memory_space<vmem_shared>>)
        tpu.yield
      }) : () -> ()
    } else {
    }
    %broadcast_in_dim3A_19 = arith.constant 1.000000e+00 : f32
    %broadcast_in_dim3A_20 = vector.broadcast %broadcast_in_dim3A_19 : f32 to vector<16xf32>
    %scan3A_21 = arith.constant 0 : i32
    %scan3A_22 = arith.constant 0 : i32
    %scan3A_23 = arith.constant 80 : i32
    %scan3A_24 = arith.addi %scan3A_22, %scan3A_23 : i32
    %scan3A_25 = arith.constant 1 : i32
    %scan3A_26 = scf.for %scan3A_48 = %scan3A_22 to %scan3A_24 step %scan3A_25 iter_args(%scan3A_49 = %scan3A_21) -> (i32)  : i32 {
      %scan3A_50 = arith.constant 0 : i32
      %scan3A_51 = arith.constant 0 : i32
      %scan3A_52 = arith.constant 8 : i32
      %scan3A_53 = arith.addi %scan3A_51, %scan3A_52 : i32
      %scan3A_54 = arith.constant 1 : i32
      %scan3A_55 = scf.for %scan3A_57 = %scan3A_51 to %scan3A_53 step %scan3A_54 iter_args(%scan3A_58 = %scan3A_50) -> (i32)  : i32 {
        %mul3A_59 = arith.constant 16 : i32
        %mul3A_60 = arith.muli %scan3A_57, %mul3A_59 : i32
        %swap3A = arith.index_cast %scan3A_48 : i32 to index
        %swap3A_61 = arith.index_cast %mul3A_60 : i32 to index
        %swap3A_62 = tpu.vector_load %arg6[%swap3A, %swap3A_61] {strides = array<i32>} : memref<80x128xf32, #tpu.memory_space<vmem>>, vector<1x16xf32>,
        %swap3A_63 = vector.shape_cast %swap3A_62 : vector<1x16xf32> to vector<16xf32>
        %swap3A_64 = vector.shape_cast %broadcast_in_dim3A_20 : vector<16xf32> to vector<1x16xf32>
        tpu.vector_store %arg6[%swap3A, %swap3A_61], %swap3A_64 {strides = array<i32>} : memref<80x128xf32, #tpu.memory_space<vmem>>, vector<1x16xf32>,
        %scan3A_65 = arith.constant 0 : i32
        scf.yield %scan3A_65 : i32
      }
      %scan3A_56 = arith.constant 8 : i32
      scf.yield %scan3A_55 : i32
    }
    %scan3A_27 = arith.constant 80 : i32
    %barrier3A = arith.constant 0 : index
    tpu.barrier barrier_id(%barrier3A)
    %mul3A_28 = arith.constant 10000 : i32
    %mul3A_29 = arith.muli %add3A, %mul3A_28 : i32
    "tpu.region"() ({
      %run_scoped3A = tpu.sem_alloc : memref<!tpu.dma_semaphore, #tpu.memory_space<semaphore_mem>>
      %dma_start3A_48 = tpu.memref_slice %arg2[%mul3A_29] : memref<320000xi32, #tpu.memory_space<hbm>> -> memref<80xi32, #tpu.memory_space<hbm>>
      %dma_start3A_49 = tpu.memref_slice %arg2[%mul3A_29] : memref<320000xi32, #tpu.memory_space<hbm>> -> memref<80xi32, #tpu.memory_space<hbm>>
      tpu.enqueue_dma source(%dma_start3A_49 : memref<80xi32, #tpu.memory_space<hbm>>) target(%arg4 : memref<80xi32, #tpu.memory_space<vmem>>) target_semaphore(%run_scoped3A : memref<!tpu.dma_semaphore, #tpu.memory_space<semaphore_mem>>)
      %dma_wait3A_50 = tpu.memref_slice %arg2[%mul3A_29] : memref<320000xi32, #tpu.memory_space<hbm>> -> memref<80xi32, #tpu.memory_space<hbm>>
      %dma_wait3A_51 = tpu.memref_slice %arg2[%mul3A_29] : memref<320000xi32, #tpu.memory_space<hbm>> -> memref<80xi32, #tpu.memory_space<hbm>>
      tpu.wait_dma2 semaphore(%run_scoped3A : memref<!tpu.dma_semaphore, #tpu.memory_space<semaphore_mem>>) src(%dma_wait3A_51 : memref<80xi32, #tpu.memory_space<hbm>>) dst(%arg4 : memref<80xi32, #tpu.memory_space<vmem>>)
      tpu.yield
    }) : () -> ()
    %dma_start3A = arith.constant 0 : i32
    %dma_start3A_30 = arith.constant 0 : i32
    %dma_start3A_31 = tpu.memref_slice %arg8[%dma_start3A, %dma_start3A_30] : memref<10000x128xf32, #tpu.memory_space<vmem_shared>> -> memref<10000x128xf32, #tpu.memory_space<vmem_shared>>
    tpu.enqueue_indirect_dma source(%arg6 : memref<80x128xf32, #tpu.memory_space<vmem>>) target(%dma_start3A_31 : memref<10000x128xf32, #tpu.memory_space<vmem_shared>>) offsets(%arg4 : memref<80xi32, #tpu.memory_space<vmem>>) semaphore(%arg9 : memref<!tpu.dma_semaphore, #tpu.memory_space<semaphore_mem>>) {add = true}
    %scan3A_32 = arith.constant 0 : i32
    %scan3A_33 = arith.constant 0 : i32
    %scan3A_34 = arith.constant 62 : i32
    %scan3A_35 = arith.addi %scan3A_33, %scan3A_34 : i32
    %scan3A_36 = arith.constant 1 : i32
    %scan3A_37 = scf.for %scan3A_48 = %scan3A_33 to %scan3A_35 step %scan3A_36 iter_args(%scan3A_49 = %scan3A_32) -> (i32)  : i32 {
      %mul3A_50 = arith.constant 2 : i32
      %mul3A_51 = arith.muli %mul3A_50, %scan3A_48 : i32
      %add3A_52 = arith.constant 1 : i32
      %add3A_53 = arith.addi %mul3A_51, %add3A_52 : i32
      %mul3A_54 = arith.constant 80 : i32
      %mul3A_55 = arith.muli %add3A_53, %mul3A_54 : i32
      %add3A_56 = arith.addi %mul3A_29, %mul3A_55 : i32
      "tpu.region"() ({
        %run_scoped3A = tpu.sem_alloc : memref<!tpu.dma_semaphore, #tpu.memory_space<semaphore_mem>>
        %dma_start3A_77 = tpu.memref_slice %arg2[%add3A_56] : memref<320000xi32, #tpu.memory_space<hbm>> -> memref<80xi32, #tpu.memory_space<hbm>>
        %dma_start3A_78 = tpu.memref_slice %arg2[%add3A_56] : memref<320000xi32, #tpu.memory_space<hbm>> -> memref<80xi32, #tpu.memory_space<hbm>>
        tpu.enqueue_dma source(%dma_start3A_78 : memref<80xi32, #tpu.memory_space<hbm>>) target(%arg5 : memref<80xi32, #tpu.memory_space<vmem>>) target_semaphore(%run_scoped3A : memref<!tpu.dma_semaphore, #tpu.memory_space<semaphore_mem>>)
        %dma_wait3A_79 = tpu.memref_slice %arg2[%add3A_56] : memref<320000xi32, #tpu.memory_space<hbm>> -> memref<80xi32, #tpu.memory_space<hbm>>
        %dma_wait3A_80 = tpu.memref_slice %arg2[%add3A_56] : memref<320000xi32, #tpu.memory_space<hbm>> -> memref<80xi32, #tpu.memory_space<hbm>>
        tpu.wait_dma2 semaphore(%run_scoped3A : memref<!tpu.dma_semaphore, #tpu.memory_space<semaphore_mem>>) src(%dma_wait3A_80 : memref<80xi32, #tpu.memory_space<hbm>>) dst(%arg5 : memref<80xi32, #tpu.memory_space<vmem>>)
        tpu.yield
      }) : () -> ()
      %dma_start3A_57 = arith.constant 0 : i32
      %dma_start3A_58 = arith.constant 0 : i32
      %dma_start3A_59 = tpu.memref_slice %arg8[%dma_start3A_57, %dma_start3A_58] : memref<10000x128xf32, #tpu.memory_space<vmem_shared>> -> memref<10000x128xf32, #tpu.memory_space<vmem_shared>>
      tpu.enqueue_indirect_dma source(%arg6 : memref<80x128xf32, #tpu.memory_space<vmem>>) target(%dma_start3A_59 : memref<10000x128xf32, #tpu.memory_space<vmem_shared>>) offsets(%arg5 : memref<80xi32, #tpu.memory_space<vmem>>) semaphore(%arg10 : memref<!tpu.dma_semaphore, #tpu.memory_space<semaphore_mem>>) {add = true}
      %dma_wait3A_60 = arith.constant 0 : i32
      %dma_wait3A_61 = arith.constant 0 : i32
      %dma_wait3A_62 = tpu.memref_slice %arg8[%dma_wait3A_60, %dma_wait3A_61] : memref<10000x128xf32, #tpu.memory_space<vmem_shared>> -> memref<10000x128xf32, #tpu.memory_space<vmem_shared>>
      tpu.wait_indirect_dma semaphore(%arg9 : memref<!tpu.dma_semaphore, #tpu.memory_space<semaphore_mem>>) src(%arg6 : memref<80x128xf32, #tpu.memory_space<vmem>>) dst(%dma_wait3A_62 : memref<10000x128xf32, #tpu.memory_space<vmem_shared>>)
      %mul3A_63 = arith.constant 2 : i32
      %mul3A_64 = arith.muli %mul3A_63, %scan3A_48 : i32
      %add3A_65 = arith.constant 2 : i32
      %add3A_66 = arith.addi %mul3A_64, %add3A_65 : i32
      %mul3A_67 = arith.constant 80 : i32
      %mul3A_68 = arith.muli %add3A_66, %mul3A_67 : i32
      %add3A_69 = arith.addi %mul3A_29, %mul3A_68 : i32
      "tpu.region"() ({
        %run_scoped3A = tpu.sem_alloc : memref<!tpu.dma_semaphore, #tpu.memory_space<semaphore_mem>>
        %dma_start3A_77 = tpu.memref_slice %arg2[%add3A_69] : memref<320000xi32, #tpu.memory_space<hbm>> -> memref<80xi32, #tpu.memory_space<hbm>>
        %dma_start3A_78 = tpu.memref_slice %arg2[%add3A_69] : memref<320000xi32, #tpu.memory_space<hbm>> -> memref<80xi32, #tpu.memory_space<hbm>>
        tpu.enqueue_dma source(%dma_start3A_78 : memref<80xi32, #tpu.memory_space<hbm>>) target(%arg4 : memref<80xi32, #tpu.memory_space<vmem>>) target_semaphore(%run_scoped3A : memref<!tpu.dma_semaphore, #tpu.memory_space<semaphore_mem>>)
        %dma_wait3A_79 = tpu.memref_slice %arg2[%add3A_69] : memref<320000xi32, #tpu.memory_space<hbm>> -> memref<80xi32, #tpu.memory_space<hbm>>
        %dma_wait3A_80 = tpu.memref_slice %arg2[%add3A_69] : memref<320000xi32, #tpu.memory_space<hbm>> -> memref<80xi32, #tpu.memory_space<hbm>>
        tpu.wait_dma2 semaphore(%run_scoped3A : memref<!tpu.dma_semaphore, #tpu.memory_space<semaphore_mem>>) src(%dma_wait3A_80 : memref<80xi32, #tpu.memory_space<hbm>>) dst(%arg4 : memref<80xi32, #tpu.memory_space<vmem>>)
        tpu.yield
      }) : () -> ()
      %dma_start3A_70 = arith.constant 0 : i32
      %dma_start3A_71 = arith.constant 0 : i32
      %dma_start3A_72 = tpu.memref_slice %arg8[%dma_start3A_70, %dma_start3A_71] : memref<10000x128xf32, #tpu.memory_space<vmem_shared>> -> memref<10000x128xf32, #tpu.memory_space<vmem_shared>>
      tpu.enqueue_indirect_dma source(%arg6 : memref<80x128xf32, #tpu.memory_space<vmem>>) target(%dma_start3A_72 : memref<10000x128xf32, #tpu.memory_space<vmem_shared>>) offsets(%arg4 : memref<80xi32, #tpu.memory_space<vmem>>) semaphore(%arg9 : memref<!tpu.dma_semaphore, #tpu.memory_space<semaphore_mem>>) {add = true}
      %dma_wait3A_73 = arith.constant 0 : i32
      %dma_wait3A_74 = arith.constant 0 : i32
      %dma_wait3A_75 = tpu.memref_slice %arg8[%dma_wait3A_73, %dma_wait3A_74] : memref<10000x128xf32, #tpu.memory_space<vmem_shared>> -> memref<10000x128xf32, #tpu.memory_space<vmem_shared>>
      tpu.wait_indirect_dma semaphore(%arg10 : memref<!tpu.dma_semaphore, #tpu.memory_space<semaphore_mem>>) src(%arg6 : memref<80x128xf32, #tpu.memory_space<vmem>>) dst(%dma_wait3A_75 : memref<10000x128xf32, #tpu.memory_space<vmem_shared>>)
      %scan3A_76 = arith.constant 0 : i32
      scf.yield %scan3A_76 : i32
    }
    %scan3A_38 = arith.constant 62 : i32
    %dma_wait3A = arith.constant 0 : i32
    %dma_wait3A_39 = arith.constant 0 : i32
    %dma_wait3A_40 = tpu.memref_slice %arg8[%dma_wait3A, %dma_wait3A_39] : memref<10000x128xf32, #tpu.memory_space<vmem_shared>> -> memref<10000x128xf32, #tpu.memory_space<vmem_shared>>
    tpu.wait_indirect_dma semaphore(%arg9 : memref<!tpu.dma_semaphore, #tpu.memory_space<semaphore_mem>>) src(%arg6 : memref<80x128xf32, #tpu.memory_space<vmem>>) dst(%dma_wait3A_40 : memref<10000x128xf32, #tpu.memory_space<vmem_shared>>)
    %barrier3A_41 = arith.constant 0 : index
    tpu.barrier barrier_id(%barrier3A_41)
    %mul3A_42 = arith.constant 10000 : i32
    %mul3A_43 = arith.muli %arg0, %mul3A_42 : i32
    %add3A_44 = arith.addi %mul3A_43, %mul3A_9 : i32
    "tpu.region"() ({
      %run_scoped3A = tpu.sem_alloc : memref<!tpu.dma_semaphore, #tpu.memory_space<semaphore_mem>>
      %dma_start3A_48 = arith.constant 0 : i32
      %dma_start3A_49 = tpu.memref_slice %arg3[%add3A_44, %dma_start3A_48] : memref<20000x128xf32, #tpu.memory_space<hbm>> -> memref<624x128xf32, #tpu.memory_space<hbm>>
      %dma_start3A_50 = arith.constant 0 : i32
      %dma_start3A_51 = tpu.memref_slice %arg8[%mul3A_9, %dma_start3A_50] : memref<10000x128xf32, #tpu.memory_space<vmem_shared>> -> memref<624x128xf32, #tpu.memory_space<vmem_shared>>
      tpu.enqueue_dma source(%dma_start3A_51 : memref<624x128xf32, #tpu.memory_space<vmem_shared>>) target(%dma_start3A_49 : memref<624x128xf32, #tpu.memory_space<hbm>>) target_semaphore(%run_scoped3A : memref<!tpu.dma_semaphore, #tpu.memory_space<semaphore_mem>>)
      %dma_wait3A_52 = arith.constant 0 : i32
      %dma_wait3A_53 = tpu.memref_slice %arg3[%add3A_44, %dma_wait3A_52] : memref<20000x128xf32, #tpu.memory_space<hbm>> -> memref<624x128xf32, #tpu.memory_space<hbm>>
      %dma_wait3A_54 = arith.constant 0 : i32
      %dma_wait3A_55 = tpu.memref_slice %arg8[%mul3A_9, %dma_wait3A_54] : memref<10000x128xf32, #tpu.memory_space<vmem_shared>> -> memref<624x128xf32, #tpu.memory_space<vmem_shared>>
      tpu.wait_dma2 semaphore(%run_scoped3A : memref<!tpu.dma_semaphore, #tpu.memory_space<semaphore_mem>>) src(%dma_wait3A_55 : memref<624x128xf32, #tpu.memory_space<vmem_shared>>) dst(%dma_wait3A_53 : memref<624x128xf32, #tpu.memory_space<hbm>>)
      tpu.yield
    }) : () -> ()
    %convert_element_type3A_45 = arith.extui %eq3A_10 : i1 to i32
    %cond3A_46 = arith.constant 0 : i32
    %cond3A_47 = arith.cmpi ne, %convert_element_type3A_45, %cond3A_46 : i32
    scf.if %cond3A_47 {
      %mul3A_48 = arith.constant 10000 : i32
      %mul3A_49 = arith.muli %arg0, %mul3A_48 : i32
      %add3A_50 = arith.constant 9984 : i32
      %add3A_51 = arith.addi %mul3A_49, %add3A_50 : i32
      "tpu.region"() ({
        %run_scoped3A = tpu.sem_alloc : memref<!tpu.dma_semaphore, #tpu.memory_space<semaphore_mem>>
        %dma_start3A_52 = arith.constant 0 : i32
        %dma_start3A_53 = tpu.memref_slice %arg3[%add3A_51, %dma_start3A_52] : memref<20000x128xf32, #tpu.memory_space<hbm>> -> memref<16x128xf32, #tpu.memory_space<hbm>>
        %dma_start3A_54 = arith.constant 9984 : i32
        %dma_start3A_55 = arith.constant 0 : i32
        %dma_start3A_56 = tpu.memref_slice %arg8[%dma_start3A_54, %dma_start3A_55] : memref<10000x128xf32, #tpu.memory_space<vmem_shared>> -> memref<16x128xf32, #tpu.memory_space<vmem_shared>>
        tpu.enqueue_dma source(%dma_start3A_56 : memref<16x128xf32, #tpu.memory_space<vmem_shared>>) target(%dma_start3A_53 : memref<16x128xf32, #tpu.memory_space<hbm>>) target_semaphore(%run_scoped3A : memref<!tpu.dma_semaphore, #tpu.memory_space<semaphore_mem>>)
        %dma_wait3A_57 = arith.constant 0 : i32
        %dma_wait3A_58 = tpu.memref_slice %arg3[%add3A_51, %dma_wait3A_57] : memref<20000x128xf32, #tpu.memory_space<hbm>> -> memref<16x128xf32, #tpu.memory_space<hbm>>
        %dma_wait3A_59 = arith.constant 9984 : i32
        %dma_wait3A_60 = arith.constant 0 : i32
        %dma_wait3A_61 = tpu.memref_slice %arg8[%dma_wait3A_59, %dma_wait3A_60] : memref<10000x128xf32, #tpu.memory_space<vmem_shared>> -> memref<16x128xf32, #tpu.memory_space<vmem_shared>>
        tpu.wait_dma2 semaphore(%run_scoped3A : memref<!tpu.dma_semaphore, #tpu.memory_space<semaphore_mem>>) src(%dma_wait3A_61 : memref<16x128xf32, #tpu.memory_space<vmem_shared>>) dst(%dma_wait3A_58 : memref<16x128xf32, #tpu.memory_space<hbm>>)
        tpu.yield
      }) : () -> ()
    } else {
    }
    return
  }
}

#map = affine_map<(d0, d1) -> (0, 0)>
#map1 = affine_map<(d0, d1) -> (0, 0, 0)>
module attributes {stable_mosaic.version = 14 : i64} {
  func.func @_sc_sum_body(%arg0: i32, %arg1: i32, %arg2: memref<10000x128xf32, #tpu.memory_space<hbm>>, %arg3: memref<4000x2x80xi32, #tpu.memory_space<hbm>>, %arg4: memref<20000x128xf32, #tpu.memory_space<hbm>>, %arg5: memref<2x80xi32, #tpu.memory_space<vmem>>, %arg6: memref<80x128xf32, #tpu.memory_space<vmem>>, %arg7: memref<2x80xi32, #tpu.memory_space<vmem>>, %arg8: memref<80x128xf32, #tpu.memory_space<vmem>>, %arg9: memref<208x128xf32, #tpu.memory_space<vmem>>, %arg10: memref<10000x128xf32, #tpu.memory_space<vmem_shared>>, %arg11: memref<!tpu.dma_semaphore, #tpu.memory_space<semaphore_mem>>, %arg12: memref<!tpu.dma_semaphore, #tpu.memory_space<semaphore_mem>>, %arg13: memref<!tpu.dma_semaphore, #tpu.memory_space<semaphore_mem>>, %arg14: memref<!tpu.dma_semaphore, #tpu.memory_space<semaphore_mem>>) attributes {dimension_semantics = [#tpu.dimension_semantics<core_parallel>, #tpu.dimension_semantics<subcore_parallel>], iteration_bounds = array<i64: 2, 16>, scalar_prefetch = 0 : i64, scratch_operands = 10 : i64, tpu.core_type = #tpu.core_type<sc_vector_subcore>, window_params = [{transform_indices = #map}, {transform_indices = #map1}, {transform_indices = #map}]} {
    %mul3A = arith.constant 16 : i32
    %mul3A_0 = arith.muli %arg0, %mul3A : i32
    %add3A = arith.addi %mul3A_0, %arg1 : i32
    %broadcast_in_dim3A = arith.constant 0.000000e+00 : f32
    %broadcast_in_dim3A_1 = vector.broadcast %broadcast_in_dim3A : f32 to vector<16xf32>
    %scan3A = arith.constant 0 : i32
    %scan3A_2 = arith.constant 0 : i32
    %scan3A_3 = arith.constant 208 : i32
    %scan3A_4 = arith.addi %scan3A_2, %scan3A_3 : i32
    %scan3A_5 = arith.constant 1 : i32
    %scan3A_6 = scf.for %scan3A_77 = %scan3A_2 to %scan3A_4 step %scan3A_5 iter_args(%scan3A_78 = %scan3A) -> (i32)  : i32 {
      %scan3A_79 = arith.constant 0 : i32
      %scan3A_80 = arith.constant 0 : i32
      %scan3A_81 = arith.constant 8 : i32
      %scan3A_82 = arith.addi %scan3A_80, %scan3A_81 : i32
      %scan3A_83 = arith.constant 1 : i32
      %scan3A_84 = scf.for %scan3A_86 = %scan3A_80 to %scan3A_82 step %scan3A_83 iter_args(%scan3A_87 = %scan3A_79) -> (i32)  : i32 {
        %mul3A_88 = arith.constant 16 : i32
        %mul3A_89 = arith.muli %scan3A_86, %mul3A_88 : i32
        %swap3A = arith.index_cast %scan3A_77 : i32 to index
        %swap3A_90 = arith.index_cast %mul3A_89 : i32 to index
        %swap3A_91 = tpu.vector_load %arg9[%swap3A, %swap3A_90] {strides = array<i32>} : memref<208x128xf32, #tpu.memory_space<vmem>>, vector<1x16xf32>,
        %swap3A_92 = vector.shape_cast %swap3A_91 : vector<1x16xf32> to vector<16xf32>
        %swap3A_93 = vector.shape_cast %broadcast_in_dim3A_1 : vector<16xf32> to vector<1x16xf32>
        tpu.vector_store %arg9[%swap3A, %swap3A_90], %swap3A_93 {strides = array<i32>} : memref<208x128xf32, #tpu.memory_space<vmem>>, vector<1x16xf32>,
        %scan3A_94 = arith.constant 0 : i32
        scf.yield %scan3A_94 : i32
      }
      %scan3A_85 = arith.constant 8 : i32
      scf.yield %scan3A_84 : i32
    }
    %scan3A_7 = arith.constant 208 : i32
    %mul3A_8 = arith.constant 624 : i32
    %mul3A_9 = arith.muli %arg1, %mul3A_8 : i32
    %eq3A = arith.constant 15 : i32
    %eq3A_10 = arith.cmpi eq, %arg1, %eq3A : i32
    %scan3A_11 = arith.constant 0 : i32
    %scan3A_12 = arith.constant 0 : i32
    %scan3A_13 = arith.constant 3 : i32
    %scan3A_14 = arith.addi %scan3A_12, %scan3A_13 : i32
    %scan3A_15 = arith.constant 1 : i32
    %scan3A_16 = scf.for %scan3A_77 = %scan3A_12 to %scan3A_14 step %scan3A_15 iter_args(%scan3A_78 = %scan3A_11) -> (i32)  : i32 {
      %mul3A_79 = arith.constant 208 : i32
      %mul3A_80 = arith.muli %scan3A_77, %mul3A_79 : i32
      %add3A_81 = arith.addi %mul3A_9, %mul3A_80 : i32
      "tpu.region"() ({
        %run_scoped3A = tpu.sem_alloc : memref<!tpu.dma_semaphore, #tpu.memory_space<semaphore_mem>>
        %dma_start3A_83 = arith.constant 0 : i32
        %dma_start3A_84 = tpu.memref_slice %arg10[%add3A_81, %dma_start3A_83] : memref<10000x128xf32, #tpu.memory_space<vmem_shared>> -> memref<208x128xf32, #tpu.memory_space<vmem_shared>>
        %dma_start3A_85 = arith.constant 0 : i32
        %dma_start3A_86 = tpu.memref_slice %arg10[%add3A_81, %dma_start3A_85] : memref<10000x128xf32, #tpu.memory_space<vmem_shared>> -> memref<208x128xf32, #tpu.memory_space<vmem_shared>>
        tpu.enqueue_dma source(%arg9 : memref<208x128xf32, #tpu.memory_space<vmem>>) target(%dma_start3A_86 : memref<208x128xf32, #tpu.memory_space<vmem_shared>>) target_semaphore(%run_scoped3A : memref<!tpu.dma_semaphore, #tpu.memory_space<semaphore_mem>>)
        %dma_wait3A_87 = arith.constant 0 : i32
        %dma_wait3A_88 = tpu.memref_slice %arg10[%add3A_81, %dma_wait3A_87] : memref<10000x128xf32, #tpu.memory_space<vmem_shared>> -> memref<208x128xf32, #tpu.memory_space<vmem_shared>>
        %dma_wait3A_89 = arith.constant 0 : i32
        %dma_wait3A_90 = tpu.memref_slice %arg10[%add3A_81, %dma_wait3A_89] : memref<10000x128xf32, #tpu.memory_space<vmem_shared>> -> memref<208x128xf32, #tpu.memory_space<vmem_shared>>
        tpu.wait_dma2 semaphore(%run_scoped3A : memref<!tpu.dma_semaphore, #tpu.memory_space<semaphore_mem>>) src(%arg9 : memref<208x128xf32, #tpu.memory_space<vmem>>) dst(%dma_wait3A_90 : memref<208x128xf32, #tpu.memory_space<vmem_shared>>)
        tpu.yield
      }) : () -> ()
      %scan3A_82 = arith.constant 0 : i32
      scf.yield %scan3A_82 : i32
    }
    %scan3A_17 = arith.constant 3 : i32
    %convert_element_type3A = arith.extui %eq3A_10 : i1 to i32
    %cond3A = arith.constant 0 : i32
    %cond3A_18 = arith.cmpi ne, %convert_element_type3A, %cond3A : i32
    scf.if %cond3A_18 {
      "tpu.region"() ({
        %run_scoped3A = tpu.sem_alloc : memref<!tpu.dma_semaphore, #tpu.memory_space<semaphore_mem>>
        %dma_start3A_77 = arith.constant 0 : i32
        %dma_start3A_78 = arith.constant 0 : i32
        %dma_start3A_79 = tpu.memref_slice %arg9[%dma_start3A_77, %dma_start3A_78] : memref<208x128xf32, #tpu.memory_space<vmem>> -> memref<16x128xf32, #tpu.memory_space<vmem>>
        %dma_start3A_80 = arith.constant 9984 : i32
        %dma_start3A_81 = arith.constant 0 : i32
        %dma_start3A_82 = tpu.memref_slice %arg10[%dma_start3A_80, %dma_start3A_81] : memref<10000x128xf32, #tpu.memory_space<vmem_shared>> -> memref<16x128xf32, #tpu.memory_space<vmem_shared>>
        %dma_start3A_83 = arith.constant 9984 : i32
        %dma_start3A_84 = arith.constant 0 : i32
        %dma_start3A_85 = tpu.memref_slice %arg10[%dma_start3A_83, %dma_start3A_84] : memref<10000x128xf32, #tpu.memory_space<vmem_shared>> -> memref<16x128xf32, #tpu.memory_space<vmem_shared>>
        %dma_start3A_86 = arith.constant 0 : i32
        %dma_start3A_87 = arith.constant 0 : i32
        %dma_start3A_88 = tpu.memref_slice %arg9[%dma_start3A_86, %dma_start3A_87] : memref<208x128xf32, #tpu.memory_space<vmem>> -> memref<16x128xf32, #tpu.memory_space<vmem>>
        tpu.enqueue_dma source(%dma_start3A_88 : memref<16x128xf32, #tpu.memory_space<vmem>>) target(%dma_start3A_85 : memref<16x128xf32, #tpu.memory_space<vmem_shared>>) target_semaphore(%run_scoped3A : memref<!tpu.dma_semaphore, #tpu.memory_space<semaphore_mem>>)
        %dma_wait3A_89 = arith.constant 0 : i32
        %dma_wait3A_90 = arith.constant 0 : i32
        %dma_wait3A_91 = tpu.memref_slice %arg9[%dma_wait3A_89, %dma_wait3A_90] : memref<208x128xf32, #tpu.memory_space<vmem>> -> memref<16x128xf32, #tpu.memory_space<vmem>>
        %dma_wait3A_92 = arith.constant 9984 : i32
        %dma_wait3A_93 = arith.constant 0 : i32
        %dma_wait3A_94 = tpu.memref_slice %arg10[%dma_wait3A_92, %dma_wait3A_93] : memref<10000x128xf32, #tpu.memory_space<vmem_shared>> -> memref<16x128xf32, #tpu.memory_space<vmem_shared>>
        %dma_wait3A_95 = arith.constant 9984 : i32
        %dma_wait3A_96 = arith.constant 0 : i32
        %dma_wait3A_97 = tpu.memref_slice %arg10[%dma_wait3A_95, %dma_wait3A_96] : memref<10000x128xf32, #tpu.memory_space<vmem_shared>> -> memref<16x128xf32, #tpu.memory_space<vmem_shared>>
        %dma_wait3A_98 = arith.constant 0 : i32
        %dma_wait3A_99 = arith.constant 0 : i32
        %dma_wait3A_100 = tpu.memref_slice %arg9[%dma_wait3A_98, %dma_wait3A_99] : memref<208x128xf32, #tpu.memory_space<vmem>> -> memref<16x128xf32, #tpu.memory_space<vmem>>
        tpu.wait_dma2 semaphore(%run_scoped3A : memref<!tpu.dma_semaphore, #tpu.memory_space<semaphore_mem>>) src(%dma_wait3A_100 : memref<16x128xf32, #tpu.memory_space<vmem>>) dst(%dma_wait3A_97 : memref<16x128xf32, #tpu.memory_space<vmem_shared>>)
        tpu.yield
      }) : () -> ()
    } else {
    }
    %barrier3A = arith.constant 0 : index
    tpu.barrier barrier_id(%barrier3A)
    %mul3A_19 = arith.constant 125 : i32
    %mul3A_20 = arith.muli %add3A, %mul3A_19 : i32
    "tpu.region"() ({
      %run_scoped3A = tpu.sem_alloc : memref<!tpu.dma_semaphore, #tpu.memory_space<semaphore_mem>>
      %dma_start3A_77 = arith.constant 0 : i32
      %dma_start3A_78 = arith.constant 0 : i32
      %dma_start3A_79 = tpu.memref_slice %arg3[%mul3A_20, %dma_start3A_77, %dma_start3A_78] : memref<4000x2x80xi32, #tpu.memory_space<hbm>> -> memref<1x2x80xi32, #tpu.memory_space<hbm>>
      %dma_start3A_80 = tpu.memref_squeeze %dma_start3A_79 : memref<1x2x80xi32, #tpu.memory_space<hbm>> -> memref<2x80xi32, #tpu.memory_space<hbm>>
      %dma_start3A_81 = arith.constant 0 : i32
      %dma_start3A_82 = arith.constant 0 : i32
      %dma_start3A_83 = tpu.memref_slice %arg3[%mul3A_20, %dma_start3A_81, %dma_start3A_82] : memref<4000x2x80xi32, #tpu.memory_space<hbm>> -> memref<1x2x80xi32, #tpu.memory_space<hbm>>
      %dma_start3A_84 = tpu.memref_squeeze %dma_start3A_83 : memref<1x2x80xi32, #tpu.memory_space<hbm>> -> memref<2x80xi32, #tpu.memory_space<hbm>>
      tpu.enqueue_dma source(%dma_start3A_84 : memref<2x80xi32, #tpu.memory_space<hbm>>) target(%arg5 : memref<2x80xi32, #tpu.memory_space<vmem>>) target_semaphore(%run_scoped3A : memref<!tpu.dma_semaphore, #tpu.memory_space<semaphore_mem>>)
      %dma_wait3A_85 = arith.constant 0 : i32
      %dma_wait3A_86 = arith.constant 0 : i32
      %dma_wait3A_87 = tpu.memref_slice %arg3[%mul3A_20, %dma_wait3A_85, %dma_wait3A_86] : memref<4000x2x80xi32, #tpu.memory_space<hbm>> -> memref<1x2x80xi32, #tpu.memory_space<hbm>>
      %dma_wait3A_88 = tpu.memref_squeeze %dma_wait3A_87 : memref<1x2x80xi32, #tpu.memory_space<hbm>> -> memref<2x80xi32, #tpu.memory_space<hbm>>
      %dma_wait3A_89 = arith.constant 0 : i32
      %dma_wait3A_90 = arith.constant 0 : i32
      %dma_wait3A_91 = tpu.memref_slice %arg3[%mul3A_20, %dma_wait3A_89, %dma_wait3A_90] : memref<4000x2x80xi32, #tpu.memory_space<hbm>> -> memref<1x2x80xi32, #tpu.memory_space<hbm>>
      %dma_wait3A_92 = tpu.memref_squeeze %dma_wait3A_91 : memref<1x2x80xi32, #tpu.memory_space<hbm>> -> memref<2x80xi32, #tpu.memory_space<hbm>>
      tpu.wait_dma2 semaphore(%run_scoped3A : memref<!tpu.dma_semaphore, #tpu.memory_space<semaphore_mem>>) src(%dma_wait3A_92 : memref<2x80xi32, #tpu.memory_space<hbm>>) dst(%arg5 : memref<2x80xi32, #tpu.memory_space<vmem>>)
      tpu.yield
    }) : () -> ()
    %dma_start3A = arith.constant 0 : i32
    %dma_start3A_21 = arith.constant 0 : i32
    %dma_start3A_22 = tpu.memref_slice %arg5[%dma_start3A, %dma_start3A_21] : memref<2x80xi32, #tpu.memory_space<vmem>> -> memref<1x80xi32, #tpu.memory_space<vmem>>
    %dma_start3A_23 = tpu.memref_squeeze %dma_start3A_22 : memref<1x80xi32, #tpu.memory_space<vmem>> -> memref<80xi32, #tpu.memory_space<vmem>>
    %dma_start3A_24 = arith.constant 0 : i32
    %dma_start3A_25 = arith.constant 0 : i32
    %dma_start3A_26 = tpu.memref_slice %arg2[%dma_start3A_24, %dma_start3A_25] : memref<10000x128xf32, #tpu.memory_space<hbm>> -> memref<10000x128xf32, #tpu.memory_space<hbm>>
    tpu.enqueue_indirect_dma source(%dma_start3A_26 : memref<10000x128xf32, #tpu.memory_space<hbm>>) target(%arg6 : memref<80x128xf32, #tpu.memory_space<vmem>>) offsets(%dma_start3A_23 : memref<80xi32, #tpu.memory_space<vmem>>) semaphore(%arg11 : memref<!tpu.dma_semaphore, #tpu.memory_space<semaphore_mem>>)
    %dma_wait3A = arith.constant 0 : i32
    %dma_wait3A_27 = arith.constant 0 : i32
    %dma_wait3A_28 = tpu.memref_slice %arg5[%dma_wait3A, %dma_wait3A_27] : memref<2x80xi32, #tpu.memory_space<vmem>> -> memref<1x80xi32, #tpu.memory_space<vmem>>
    %dma_wait3A_29 = tpu.memref_squeeze %dma_wait3A_28 : memref<1x80xi32, #tpu.memory_space<vmem>> -> memref<80xi32, #tpu.memory_space<vmem>>
    %dma_wait3A_30 = arith.constant 0 : i32
    %dma_wait3A_31 = arith.constant 0 : i32
    %dma_wait3A_32 = tpu.memref_slice %arg2[%dma_wait3A_30, %dma_wait3A_31] : memref<10000x128xf32, #tpu.memory_space<hbm>> -> memref<10000x128xf32, #tpu.memory_space<hbm>>
    tpu.wait_indirect_dma semaphore(%arg11 : memref<!tpu.dma_semaphore, #tpu.memory_space<semaphore_mem>>) src(%dma_wait3A_32 : memref<10000x128xf32, #tpu.memory_space<hbm>>) dst(%arg6 : memref<80x128xf32, #tpu.memory_space<vmem>>)
    %dma_start3A_33 = arith.constant 1 : i32
    %dma_start3A_34 = arith.constant 0 : i32
    %dma_start3A_35 = tpu.memref_slice %arg5[%dma_start3A_33, %dma_start3A_34] : memref<2x80xi32, #tpu.memory_space<vmem>> -> memref<1x80xi32, #tpu.memory_space<vmem>>
    %dma_start3A_36 = tpu.memref_squeeze %dma_start3A_35 : memref<1x80xi32, #tpu.memory_space<vmem>> -> memref<80xi32, #tpu.memory_space<vmem>>
    %dma_start3A_37 = arith.constant 0 : i32
    %dma_start3A_38 = arith.constant 0 : i32
    %dma_start3A_39 = tpu.memref_slice %arg10[%dma_start3A_37, %dma_start3A_38] : memref<10000x128xf32, #tpu.memory_space<vmem_shared>> -> memref<10000x128xf32, #tpu.memory_space<vmem_shared>>
    tpu.enqueue_indirect_dma source(%arg6 : memref<80x128xf32, #tpu.memory_space<vmem>>) target(%dma_start3A_39 : memref<10000x128xf32, #tpu.memory_space<vmem_shared>>) offsets(%dma_start3A_36 : memref<80xi32, #tpu.memory_space<vmem>>) semaphore(%arg13 : memref<!tpu.dma_semaphore, #tpu.memory_space<semaphore_mem>>) {add = true}
    %add3A_40 = arith.constant 1 : i32
    %add3A_41 = arith.addi %mul3A_20, %add3A_40 : i32
    "tpu.region"() ({
      %run_scoped3A = tpu.sem_alloc : memref<!tpu.dma_semaphore, #tpu.memory_space<semaphore_mem>>
      %dma_start3A_77 = arith.constant 0 : i32
      %dma_start3A_78 = arith.constant 0 : i32
      %dma_start3A_79 = tpu.memref_slice %arg3[%add3A_41, %dma_start3A_77, %dma_start3A_78] : memref<4000x2x80xi32, #tpu.memory_space<hbm>> -> memref<1x2x80xi32, #tpu.memory_space<hbm>>
      %dma_start3A_80 = tpu.memref_squeeze %dma_start3A_79 : memref<1x2x80xi32, #tpu.memory_space<hbm>> -> memref<2x80xi32, #tpu.memory_space<hbm>>
      %dma_start3A_81 = arith.constant 0 : i32
      %dma_start3A_82 = arith.constant 0 : i32
      %dma_start3A_83 = tpu.memref_slice %arg3[%add3A_41, %dma_start3A_81, %dma_start3A_82] : memref<4000x2x80xi32, #tpu.memory_space<hbm>> -> memref<1x2x80xi32, #tpu.memory_space<hbm>>
      %dma_start3A_84 = tpu.memref_squeeze %dma_start3A_83 : memref<1x2x80xi32, #tpu.memory_space<hbm>> -> memref<2x80xi32, #tpu.memory_space<hbm>>
      tpu.enqueue_dma source(%dma_start3A_84 : memref<2x80xi32, #tpu.memory_space<hbm>>) target(%arg7 : memref<2x80xi32, #tpu.memory_space<vmem>>) target_semaphore(%run_scoped3A : memref<!tpu.dma_semaphore, #tpu.memory_space<semaphore_mem>>)
      %dma_wait3A_85 = arith.constant 0 : i32
      %dma_wait3A_86 = arith.constant 0 : i32
      %dma_wait3A_87 = tpu.memref_slice %arg3[%add3A_41, %dma_wait3A_85, %dma_wait3A_86] : memref<4000x2x80xi32, #tpu.memory_space<hbm>> -> memref<1x2x80xi32, #tpu.memory_space<hbm>>
      %dma_wait3A_88 = tpu.memref_squeeze %dma_wait3A_87 : memref<1x2x80xi32, #tpu.memory_space<hbm>> -> memref<2x80xi32, #tpu.memory_space<hbm>>
      %dma_wait3A_89 = arith.constant 0 : i32
      %dma_wait3A_90 = arith.constant 0 : i32
      %dma_wait3A_91 = tpu.memref_slice %arg3[%add3A_41, %dma_wait3A_89, %dma_wait3A_90] : memref<4000x2x80xi32, #tpu.memory_space<hbm>> -> memref<1x2x80xi32, #tpu.memory_space<hbm>>
      %dma_wait3A_92 = tpu.memref_squeeze %dma_wait3A_91 : memref<1x2x80xi32, #tpu.memory_space<hbm>> -> memref<2x80xi32, #tpu.memory_space<hbm>>
      tpu.wait_dma2 semaphore(%run_scoped3A : memref<!tpu.dma_semaphore, #tpu.memory_space<semaphore_mem>>) src(%dma_wait3A_92 : memref<2x80xi32, #tpu.memory_space<hbm>>) dst(%arg7 : memref<2x80xi32, #tpu.memory_space<vmem>>)
      tpu.yield
    }) : () -> ()
    %dma_start3A_42 = arith.constant 0 : i32
    %dma_start3A_43 = arith.constant 0 : i32
    %dma_start3A_44 = tpu.memref_slice %arg7[%dma_start3A_42, %dma_start3A_43] : memref<2x80xi32, #tpu.memory_space<vmem>> -> memref<1x80xi32, #tpu.memory_space<vmem>>
    %dma_start3A_45 = tpu.memref_squeeze %dma_start3A_44 : memref<1x80xi32, #tpu.memory_space<vmem>> -> memref<80xi32, #tpu.memory_space<vmem>>
    %dma_start3A_46 = arith.constant 0 : i32
    %dma_start3A_47 = arith.constant 0 : i32
    %dma_start3A_48 = tpu.memref_slice %arg2[%dma_start3A_46, %dma_start3A_47] : memref<10000x128xf32, #tpu.memory_space<hbm>> -> memref<10000x128xf32, #tpu.memory_space<hbm>>
    tpu.enqueue_indirect_dma source(%dma_start3A_48 : memref<10000x128xf32, #tpu.memory_space<hbm>>) target(%arg8 : memref<80x128xf32, #tpu.memory_space<vmem>>) offsets(%dma_start3A_45 : memref<80xi32, #tpu.memory_space<vmem>>) semaphore(%arg12 : memref<!tpu.dma_semaphore, #tpu.memory_space<semaphore_mem>>)
    %scan3A_49 = arith.constant 0 : i32
    %scan3A_50 = arith.constant 0 : i32
    %scan3A_51 = arith.constant 62 : i32
    %scan3A_52 = arith.addi %scan3A_50, %scan3A_51 : i32
    %scan3A_53 = arith.constant 1 : i32
    %scan3A_54 = scf.for %scan3A_77 = %scan3A_50 to %scan3A_52 step %scan3A_53 iter_args(%scan3A_78 = %scan3A_49) -> (i32)  : i32 {
      %dma_wait3A_79 = arith.constant 0 : i32
      %dma_wait3A_80 = arith.constant 0 : i32
      %dma_wait3A_81 = tpu.memref_slice %arg7[%dma_wait3A_79, %dma_wait3A_80] : memref<2x80xi32, #tpu.memory_space<vmem>> -> memref<1x80xi32, #tpu.memory_space<vmem>>
      %dma_wait3A_82 = tpu.memref_squeeze %dma_wait3A_81 : memref<1x80xi32, #tpu.memory_space<vmem>> -> memref<80xi32, #tpu.memory_space<vmem>>
      %dma_wait3A_83 = arith.constant 0 : i32
      %dma_wait3A_84 = arith.constant 0 : i32
      %dma_wait3A_85 = tpu.memref_slice %arg2[%dma_wait3A_83, %dma_wait3A_84] : memref<10000x128xf32, #tpu.memory_space<hbm>> -> memref<10000x128xf32, #tpu.memory_space<hbm>>
      tpu.wait_indirect_dma semaphore(%arg12 : memref<!tpu.dma_semaphore, #tpu.memory_space<semaphore_mem>>) src(%dma_wait3A_85 : memref<10000x128xf32, #tpu.memory_space<hbm>>) dst(%arg8 : memref<80x128xf32, #tpu.memory_space<vmem>>)
      %dma_start3A_86 = arith.constant 1 : i32
      %dma_start3A_87 = arith.constant 0 : i32
      %dma_start3A_88 = tpu.memref_slice %arg7[%dma_start3A_86, %dma_start3A_87] : memref<2x80xi32, #tpu.memory_space<vmem>> -> memref<1x80xi32, #tpu.memory_space<vmem>>
      %dma_start3A_89 = tpu.memref_squeeze %dma_start3A_88 : memref<1x80xi32, #tpu.memory_space<vmem>> -> memref<80xi32, #tpu.memory_space<vmem>>
      %dma_start3A_90 = arith.constant 0 : i32
      %dma_start3A_91 = arith.constant 0 : i32
      %dma_start3A_92 = tpu.memref_slice %arg10[%dma_start3A_90, %dma_start3A_91] : memref<10000x128xf32, #tpu.memory_space<vmem_shared>> -> memref<10000x128xf32, #tpu.memory_space<vmem_shared>>
      tpu.enqueue_indirect_dma source(%arg8 : memref<80x128xf32, #tpu.memory_space<vmem>>) target(%dma_start3A_92 : memref<10000x128xf32, #tpu.memory_space<vmem_shared>>) offsets(%dma_start3A_89 : memref<80xi32, #tpu.memory_space<vmem>>) semaphore(%arg14 : memref<!tpu.dma_semaphore, #tpu.memory_space<semaphore_mem>>) {add = true}
      %dma_wait3A_93 = arith.constant 1 : i32
      %dma_wait3A_94 = arith.constant 0 : i32
      %dma_wait3A_95 = tpu.memref_slice %arg5[%dma_wait3A_93, %dma_wait3A_94] : memref<2x80xi32, #tpu.memory_space<vmem>> -> memref<1x80xi32, #tpu.memory_space<vmem>>
      %dma_wait3A_96 = tpu.memref_squeeze %dma_wait3A_95 : memref<1x80xi32, #tpu.memory_space<vmem>> -> memref<80xi32, #tpu.memory_space<vmem>>
      %dma_wait3A_97 = arith.constant 0 : i32
      %dma_wait3A_98 = arith.constant 0 : i32
      %dma_wait3A_99 = tpu.memref_slice %arg10[%dma_wait3A_97, %dma_wait3A_98] : memref<10000x128xf32, #tpu.memory_space<vmem_shared>> -> memref<10000x128xf32, #tpu.memory_space<vmem_shared>>
      tpu.wait_indirect_dma semaphore(%arg13 : memref<!tpu.dma_semaphore, #tpu.memory_space<semaphore_mem>>) src(%arg6 : memref<80x128xf32, #tpu.memory_space<vmem>>) dst(%dma_wait3A_99 : memref<10000x128xf32, #tpu.memory_space<vmem_shared>>)
      %mul3A_100 = arith.constant 2 : i32
      %mul3A_101 = arith.muli %mul3A_100, %scan3A_77 : i32
      %add3A_102 = arith.constant 1 : i32
      %add3A_103 = arith.addi %mul3A_101, %add3A_102 : i32
      %add3A_104 = arith.constant 1 : i32
      %add3A_105 = arith.addi %add3A_103, %add3A_104 : i32
      %min3A = arith.constant 124 : i32
      %min3A_106 = arith.minsi %add3A_105, %min3A : i32
      %add3A_107 = arith.addi %mul3A_20, %min3A_106 : i32
      "tpu.region"() ({
        %run_scoped3A = tpu.sem_alloc : memref<!tpu.dma_semaphore, #tpu.memory_space<semaphore_mem>>
        %dma_start3A_153 = arith.constant 0 : i32
        %dma_start3A_154 = arith.constant 0 : i32
        %dma_start3A_155 = tpu.memref_slice %arg3[%add3A_107, %dma_start3A_153, %dma_start3A_154] : memref<4000x2x80xi32, #tpu.memory_space<hbm>> -> memref<1x2x80xi32, #tpu.memory_space<hbm>>
        %dma_start3A_156 = tpu.memref_squeeze %dma_start3A_155 : memref<1x2x80xi32, #tpu.memory_space<hbm>> -> memref<2x80xi32, #tpu.memory_space<hbm>>
        %dma_start3A_157 = arith.constant 0 : i32
        %dma_start3A_158 = arith.constant 0 : i32
        %dma_start3A_159 = tpu.memref_slice %arg3[%add3A_107, %dma_start3A_157, %dma_start3A_158] : memref<4000x2x80xi32, #tpu.memory_space<hbm>> -> memref<1x2x80xi32, #tpu.memory_space<hbm>>
        %dma_start3A_160 = tpu.memref_squeeze %dma_start3A_159 : memref<1x2x80xi32, #tpu.memory_space<hbm>> -> memref<2x80xi32, #tpu.memory_space<hbm>>
        tpu.enqueue_dma source(%dma_start3A_160 : memref<2x80xi32, #tpu.memory_space<hbm>>) target(%arg5 : memref<2x80xi32, #tpu.memory_space<vmem>>) target_semaphore(%run_scoped3A : memref<!tpu.dma_semaphore, #tpu.memory_space<semaphore_mem>>)
        %dma_wait3A_161 = arith.constant 0 : i32
        %dma_wait3A_162 = arith.constant 0 : i32
        %dma_wait3A_163 = tpu.memref_slice %arg3[%add3A_107, %dma_wait3A_161, %dma_wait3A_162] : memref<4000x2x80xi32, #tpu.memory_space<hbm>> -> memref<1x2x80xi32, #tpu.memory_space<hbm>>
        %dma_wait3A_164 = tpu.memref_squeeze %dma_wait3A_163 : memref<1x2x80xi32, #tpu.memory_space<hbm>> -> memref<2x80xi32, #tpu.memory_space<hbm>>
        %dma_wait3A_165 = arith.constant 0 : i32
        %dma_wait3A_166 = arith.constant 0 : i32
        %dma_wait3A_167 = tpu.memref_slice %arg3[%add3A_107, %dma_wait3A_165, %dma_wait3A_166] : memref<4000x2x80xi32, #tpu.memory_space<hbm>> -> memref<1x2x80xi32, #tpu.memory_space<hbm>>
        %dma_wait3A_168 = tpu.memref_squeeze %dma_wait3A_167 : memref<1x2x80xi32, #tpu.memory_space<hbm>> -> memref<2x80xi32, #tpu.memory_space<hbm>>
        tpu.wait_dma2 semaphore(%run_scoped3A : memref<!tpu.dma_semaphore, #tpu.memory_space<semaphore_mem>>) src(%dma_wait3A_168 : memref<2x80xi32, #tpu.memory_space<hbm>>) dst(%arg5 : memref<2x80xi32, #tpu.memory_space<vmem>>)
        tpu.yield
      }) : () -> ()
      %dma_start3A_108 = arith.constant 0 : i32
      %dma_start3A_109 = arith.constant 0 : i32
      %dma_start3A_110 = tpu.memref_slice %arg5[%dma_start3A_108, %dma_start3A_109] : memref<2x80xi32, #tpu.memory_space<vmem>> -> memref<1x80xi32, #tpu.memory_space<vmem>>
      %dma_start3A_111 = tpu.memref_squeeze %dma_start3A_110 : memref<1x80xi32, #tpu.memory_space<vmem>> -> memref<80xi32, #tpu.memory_space<vmem>>
      %dma_start3A_112 = arith.constant 0 : i32
      %dma_start3A_113 = arith.constant 0 : i32
      %dma_start3A_114 = tpu.memref_slice %arg2[%dma_start3A_112, %dma_start3A_113] : memref<10000x128xf32, #tpu.memory_space<hbm>> -> memref<10000x128xf32, #tpu.memory_space<hbm>>
      tpu.enqueue_indirect_dma source(%dma_start3A_114 : memref<10000x128xf32, #tpu.memory_space<hbm>>) target(%arg6 : memref<80x128xf32, #tpu.memory_space<vmem>>) offsets(%dma_start3A_111 : memref<80xi32, #tpu.memory_space<vmem>>) semaphore(%arg11 : memref<!tpu.dma_semaphore, #tpu.memory_space<semaphore_mem>>)
      %dma_wait3A_115 = arith.constant 0 : i32
      %dma_wait3A_116 = arith.constant 0 : i32
      %dma_wait3A_117 = tpu.memref_slice %arg5[%dma_wait3A_115, %dma_wait3A_116] : memref<2x80xi32, #tpu.memory_space<vmem>> -> memref<1x80xi32, #tpu.memory_space<vmem>>
      %dma_wait3A_118 = tpu.memref_squeeze %dma_wait3A_117 : memref<1x80xi32, #tpu.memory_space<vmem>> -> memref<80xi32, #tpu.memory_space<vmem>>
      %dma_wait3A_119 = arith.constant 0 : i32
      %dma_wait3A_120 = arith.constant 0 : i32
      %dma_wait3A_121 = tpu.memref_slice %arg2[%dma_wait3A_119, %dma_wait3A_120] : memref<10000x128xf32, #tpu.memory_space<hbm>> -> memref<10000x128xf32, #tpu.memory_space<hbm>>
      tpu.wait_indirect_dma semaphore(%arg11 : memref<!tpu.dma_semaphore, #tpu.memory_space<semaphore_mem>>) src(%dma_wait3A_121 : memref<10000x128xf32, #tpu.memory_space<hbm>>) dst(%arg6 : memref<80x128xf32, #tpu.memory_space<vmem>>)
      %dma_start3A_122 = arith.constant 1 : i32
      %dma_start3A_123 = arith.constant 0 : i32
      %dma_start3A_124 = tpu.memref_slice %arg5[%dma_start3A_122, %dma_start3A_123] : memref<2x80xi32, #tpu.memory_space<vmem>> -> memref<1x80xi32, #tpu.memory_space<vmem>>
      %dma_start3A_125 = tpu.memref_squeeze %dma_start3A_124 : memref<1x80xi32, #tpu.memory_space<vmem>> -> memref<80xi32, #tpu.memory_space<vmem>>
      %dma_start3A_126 = arith.constant 0 : i32
      %dma_start3A_127 = arith.constant 0 : i32
      %dma_start3A_128 = tpu.memref_slice %arg10[%dma_start3A_126, %dma_start3A_127] : memref<10000x128xf32, #tpu.memory_space<vmem_shared>> -> memref<10000x128xf32, #tpu.memory_space<vmem_shared>>
      tpu.enqueue_indirect_dma source(%arg6 : memref<80x128xf32, #tpu.memory_space<vmem>>) target(%dma_start3A_128 : memref<10000x128xf32, #tpu.memory_space<vmem_shared>>) offsets(%dma_start3A_125 : memref<80xi32, #tpu.memory_space<vmem>>) semaphore(%arg13 : memref<!tpu.dma_semaphore, #tpu.memory_space<semaphore_mem>>) {add = true}
      %dma_wait3A_129 = arith.constant 1 : i32
      %dma_wait3A_130 = arith.constant 0 : i32
      %dma_wait3A_131 = tpu.memref_slice %arg7[%dma_wait3A_129, %dma_wait3A_130] : memref<2x80xi32, #tpu.memory_space<vmem>> -> memref<1x80xi32, #tpu.memory_space<vmem>>
      %dma_wait3A_132 = tpu.memref_squeeze %dma_wait3A_131 : memref<1x80xi32, #tpu.memory_space<vmem>> -> memref<80xi32, #tpu.memory_space<vmem>>
      %dma_wait3A_133 = arith.constant 0 : i32
      %dma_wait3A_134 = arith.constant 0 : i32
      %dma_wait3A_135 = tpu.memref_slice %arg10[%dma_wait3A_133, %dma_wait3A_134] : memref<10000x128xf32, #tpu.memory_space<vmem_shared>> -> memref<10000x128xf32, #tpu.memory_space<vmem_shared>>
      tpu.wait_indirect_dma semaphore(%arg14 : memref<!tpu.dma_semaphore, #tpu.memory_space<semaphore_mem>>) src(%arg8 : memref<80x128xf32, #tpu.memory_space<vmem>>) dst(%dma_wait3A_135 : memref<10000x128xf32, #tpu.memory_space<vmem_shared>>)
      %mul3A_136 = arith.constant 2 : i32
      %mul3A_137 = arith.muli %mul3A_136, %scan3A_77 : i32
      %add3A_138 = arith.constant 2 : i32
      %add3A_139 = arith.addi %mul3A_137, %add3A_138 : i32
      %add3A_140 = arith.constant 1 : i32
      %add3A_141 = arith.addi %add3A_139, %add3A_140 : i32
      %min3A_142 = arith.constant 124 : i32
      %min3A_143 = arith.minsi %add3A_141, %min3A_142 : i32
      %add3A_144 = arith.addi %mul3A_20, %min3A_143 : i32
      "tpu.region"() ({
        %run_scoped3A = tpu.sem_alloc : memref<!tpu.dma_semaphore, #tpu.memory_space<semaphore_mem>>
        %dma_start3A_153 = arith.constant 0 : i32
        %dma_start3A_154 = arith.constant 0 : i32
        %dma_start3A_155 = tpu.memref_slice %arg3[%add3A_144, %dma_start3A_153, %dma_start3A_154] : memref<4000x2x80xi32, #tpu.memory_space<hbm>> -> memref<1x2x80xi32, #tpu.memory_space<hbm>>
        %dma_start3A_156 = tpu.memref_squeeze %dma_start3A_155 : memref<1x2x80xi32, #tpu.memory_space<hbm>> -> memref<2x80xi32, #tpu.memory_space<hbm>>
        %dma_start3A_157 = arith.constant 0 : i32
        %dma_start3A_158 = arith.constant 0 : i32
        %dma_start3A_159 = tpu.memref_slice %arg3[%add3A_144, %dma_start3A_157, %dma_start3A_158] : memref<4000x2x80xi32, #tpu.memory_space<hbm>> -> memref<1x2x80xi32, #tpu.memory_space<hbm>>
        %dma_start3A_160 = tpu.memref_squeeze %dma_start3A_159 : memref<1x2x80xi32, #tpu.memory_space<hbm>> -> memref<2x80xi32, #tpu.memory_space<hbm>>
        tpu.enqueue_dma source(%dma_start3A_160 : memref<2x80xi32, #tpu.memory_space<hbm>>) target(%arg7 : memref<2x80xi32, #tpu.memory_space<vmem>>) target_semaphore(%run_scoped3A : memref<!tpu.dma_semaphore, #tpu.memory_space<semaphore_mem>>)
        %dma_wait3A_161 = arith.constant 0 : i32
        %dma_wait3A_162 = arith.constant 0 : i32
        %dma_wait3A_163 = tpu.memref_slice %arg3[%add3A_144, %dma_wait3A_161, %dma_wait3A_162] : memref<4000x2x80xi32, #tpu.memory_space<hbm>> -> memref<1x2x80xi32, #tpu.memory_space<hbm>>
        %dma_wait3A_164 = tpu.memref_squeeze %dma_wait3A_163 : memref<1x2x80xi32, #tpu.memory_space<hbm>> -> memref<2x80xi32, #tpu.memory_space<hbm>>
        %dma_wait3A_165 = arith.constant 0 : i32
        %dma_wait3A_166 = arith.constant 0 : i32
        %dma_wait3A_167 = tpu.memref_slice %arg3[%add3A_144, %dma_wait3A_165, %dma_wait3A_166] : memref<4000x2x80xi32, #tpu.memory_space<hbm>> -> memref<1x2x80xi32, #tpu.memory_space<hbm>>
        %dma_wait3A_168 = tpu.memref_squeeze %dma_wait3A_167 : memref<1x2x80xi32, #tpu.memory_space<hbm>> -> memref<2x80xi32, #tpu.memory_space<hbm>>
        tpu.wait_dma2 semaphore(%run_scoped3A : memref<!tpu.dma_semaphore, #tpu.memory_space<semaphore_mem>>) src(%dma_wait3A_168 : memref<2x80xi32, #tpu.memory_space<hbm>>) dst(%arg7 : memref<2x80xi32, #tpu.memory_space<vmem>>)
        tpu.yield
      }) : () -> ()
      %dma_start3A_145 = arith.constant 0 : i32
      %dma_start3A_146 = arith.constant 0 : i32
      %dma_start3A_147 = tpu.memref_slice %arg7[%dma_start3A_145, %dma_start3A_146] : memref<2x80xi32, #tpu.memory_space<vmem>> -> memref<1x80xi32, #tpu.memory_space<vmem>>
      %dma_start3A_148 = tpu.memref_squeeze %dma_start3A_147 : memref<1x80xi32, #tpu.memory_space<vmem>> -> memref<80xi32, #tpu.memory_space<vmem>>
      %dma_start3A_149 = arith.constant 0 : i32
      %dma_start3A_150 = arith.constant 0 : i32
      %dma_start3A_151 = tpu.memref_slice %arg2[%dma_start3A_149, %dma_start3A_150] : memref<10000x128xf32, #tpu.memory_space<hbm>> -> memref<10000x128xf32, #tpu.memory_space<hbm>>
      tpu.enqueue_indirect_dma source(%dma_start3A_151 : memref<10000x128xf32, #tpu.memory_space<hbm>>) target(%arg8 : memref<80x128xf32, #tpu.memory_space<vmem>>) offsets(%dma_start3A_148 : memref<80xi32, #tpu.memory_space<vmem>>) semaphore(%arg12 : memref<!tpu.dma_semaphore, #tpu.memory_space<semaphore_mem>>)
      %scan3A_152 = arith.constant 0 : i32
      scf.yield %scan3A_152 : i32
    }
    %scan3A_55 = arith.constant 62 : i32
    %dma_wait3A_56 = arith.constant 1 : i32
    %dma_wait3A_57 = arith.constant 0 : i32
    %dma_wait3A_58 = tpu.memref_slice %arg5[%dma_wait3A_56, %dma_wait3A_57] : memref<2x80xi32, #tpu.memory_space<vmem>> -> memref<1x80xi32, #tpu.memory_space<vmem>>
    %dma_wait3A_59 = tpu.memref_squeeze %dma_wait3A_58 : memref<1x80xi32, #tpu.memory_space<vmem>> -> memref<80xi32, #tpu.memory_space<vmem>>
    %dma_wait3A_60 = arith.constant 0 : i32
    %dma_wait3A_61 = arith.constant 0 : i32
    %dma_wait3A_62 = tpu.memref_slice %arg10[%dma_wait3A_60, %dma_wait3A_61] : memref<10000x128xf32, #tpu.memory_space<vmem_shared>> -> memref<10000x128xf32, #tpu.memory_space<vmem_shared>>
    tpu.wait_indirect_dma semaphore(%arg13 : memref<!tpu.dma_semaphore, #tpu.memory_space<semaphore_mem>>) src(%arg6 : memref<80x128xf32, #tpu.memory_space<vmem>>) dst(%dma_wait3A_62 : memref<10000x128xf32, #tpu.memory_space<vmem_shared>>)
    %dma_wait3A_63 = arith.constant 0 : i32
    %dma_wait3A_64 = arith.constant 0 : i32
    %dma_wait3A_65 = tpu.memref_slice %arg7[%dma_wait3A_63, %dma_wait3A_64] : memref<2x80xi32, #tpu.memory_space<vmem>> -> memref<1x80xi32, #tpu.memory_space<vmem>>
    %dma_wait3A_66 = tpu.memref_squeeze %dma_wait3A_65 : memref<1x80xi32, #tpu.memory_space<vmem>> -> memref<80xi32, #tpu.memory_space<vmem>>
    %dma_wait3A_67 = arith.constant 0 : i32
    %dma_wait3A_68 = arith.constant 0 : i32
    %dma_wait3A_69 = tpu.memref_slice %arg2[%dma_wait3A_67, %dma_wait3A_68] : memref<10000x128xf32, #tpu.memory_space<hbm>> -> memref<10000x128xf32, #tpu.memory_space<hbm>>
    tpu.wait_indirect_dma semaphore(%arg12 : memref<!tpu.dma_semaphore, #tpu.memory_space<semaphore_mem>>) src(%dma_wait3A_69 : memref<10000x128xf32, #tpu.memory_space<hbm>>) dst(%arg8 : memref<80x128xf32, #tpu.memory_space<vmem>>)
    %barrier3A_70 = arith.constant 0 : index
    tpu.barrier barrier_id(%barrier3A_70)
    %mul3A_71 = arith.constant 10000 : i32
    %mul3A_72 = arith.muli %arg0, %mul3A_71 : i32
    %add3A_73 = arith.addi %mul3A_72, %mul3A_9 : i32
    "tpu.region"() ({
      %run_scoped3A = tpu.sem_alloc : memref<!tpu.dma_semaphore, #tpu.memory_space<semaphore_mem>>
      %dma_start3A_77 = arith.constant 0 : i32
      %dma_start3A_78 = tpu.memref_slice %arg4[%add3A_73, %dma_start3A_77] : memref<20000x128xf32, #tpu.memory_space<hbm>> -> memref<624x128xf32, #tpu.memory_space<hbm>>
      %dma_start3A_79 = arith.constant 0 : i32
      %dma_start3A_80 = tpu.memref_slice %arg10[%mul3A_9, %dma_start3A_79] : memref<10000x128xf32, #tpu.memory_space<vmem_shared>> -> memref<624x128xf32, #tpu.memory_space<vmem_shared>>
      tpu.enqueue_dma source(%dma_start3A_80 : memref<624x128xf32, #tpu.memory_space<vmem_shared>>) target(%dma_start3A_78 : memref<624x128xf32, #tpu.memory_space<hbm>>) target_semaphore(%run_scoped3A : memref<!tpu.dma_semaphore, #tpu.memory_space<semaphore_mem>>)
      %dma_wait3A_81 = arith.constant 0 : i32
      %dma_wait3A_82 = tpu.memref_slice %arg4[%add3A_73, %dma_wait3A_81] : memref<20000x128xf32, #tpu.memory_space<hbm>> -> memref<624x128xf32, #tpu.memory_space<hbm>>
      %dma_wait3A_83 = arith.constant 0 : i32
      %dma_wait3A_84 = tpu.memref_slice %arg10[%mul3A_9, %dma_wait3A_83] : memref<10000x128xf32, #tpu.memory_space<vmem_shared>> -> memref<624x128xf32, #tpu.memory_space<vmem_shared>>
      tpu.wait_dma2 semaphore(%run_scoped3A : memref<!tpu.dma_semaphore, #tpu.memory_space<semaphore_mem>>) src(%dma_wait3A_84 : memref<624x128xf32, #tpu.memory_space<vmem_shared>>) dst(%dma_wait3A_82 : memref<624x128xf32, #tpu.memory_space<hbm>>)
      tpu.yield
    }) : () -> ()
    %convert_element_type3A_74 = arith.extui %eq3A_10 : i1 to i32
    %cond3A_75 = arith.constant 0 : i32
    %cond3A_76 = arith.cmpi ne, %convert_element_type3A_74, %cond3A_75 : i32
    scf.if %cond3A_76 {
      %mul3A_77 = arith.constant 10000 : i32
      %mul3A_78 = arith.muli %arg0, %mul3A_77 : i32
      %add3A_79 = arith.constant 9984 : i32
      %add3A_80 = arith.addi %mul3A_78, %add3A_79 : i32
      "tpu.region"() ({
        %run_scoped3A = tpu.sem_alloc : memref<!tpu.dma_semaphore, #tpu.memory_space<semaphore_mem>>
        %dma_start3A_81 = arith.constant 0 : i32
        %dma_start3A_82 = tpu.memref_slice %arg4[%add3A_80, %dma_start3A_81] : memref<20000x128xf32, #tpu.memory_space<hbm>> -> memref<16x128xf32, #tpu.memory_space<hbm>>
        %dma_start3A_83 = arith.constant 9984 : i32
        %dma_start3A_84 = arith.constant 0 : i32
        %dma_start3A_85 = tpu.memref_slice %arg10[%dma_start3A_83, %dma_start3A_84] : memref<10000x128xf32, #tpu.memory_space<vmem_shared>> -> memref<16x128xf32, #tpu.memory_space<vmem_shared>>
        tpu.enqueue_dma source(%dma_start3A_85 : memref<16x128xf32, #tpu.memory_space<vmem_shared>>) target(%dma_start3A_82 : memref<16x128xf32, #tpu.memory_space<hbm>>) target_semaphore(%run_scoped3A : memref<!tpu.dma_semaphore, #tpu.memory_space<semaphore_mem>>)
        %dma_wait3A_86 = arith.constant 0 : i32
        %dma_wait3A_87 = tpu.memref_slice %arg4[%add3A_80, %dma_wait3A_86] : memref<20000x128xf32, #tpu.memory_space<hbm>> -> memref<16x128xf32, #tpu.memory_space<hbm>>
        %dma_wait3A_88 = arith.constant 9984 : i32
        %dma_wait3A_89 = arith.constant 0 : i32
        %dma_wait3A_90 = tpu.memref_slice %arg10[%dma_wait3A_88, %dma_wait3A_89] : memref<10000x128xf32, #tpu.memory_space<vmem_shared>> -> memref<16x128xf32, #tpu.memory_space<vmem_shared>>
        tpu.wait_dma2 semaphore(%run_scoped3A : memref<!tpu.dma_semaphore, #tpu.memory_space<semaphore_mem>>) src(%dma_wait3A_90 : memref<16x128xf32, #tpu.memory_space<vmem_shared>>) dst(%dma_wait3A_87 : memref<16x128xf32, #tpu.memory_space<hbm>>)
        tpu.yield
      }) : () -> ()
    } else {
    }
    return
  }
}

module attributes {stable_mosaic.version = 14 : i64} {
  func.func @_tc_body(%arg0: i32, %arg1: memref<400x128xf32, #tpu.memory_space<vmem>>, %arg2: memref<400x128xf32, #tpu.memory_space<vmem>>, %arg3: memref<400x8xf32, #tpu.memory_space<vmem>>, %arg4: memref<400x8xf32, #tpu.memory_space<vmem>>, %arg5: memref<400x128xf32, #tpu.memory_space<vmem>>, %arg6: memref<128x128xf32, #tpu.memory_space<vmem>>, %arg7: memref<128x128xf32, #tpu.memory_space<vmem>>, %arg8: memref<1x128xf32, #tpu.memory_space<vmem>>, %arg9: memref<400x128xf32, #tpu.memory_space<vmem>>) attributes {dimension_semantics = [#tpu.dimension_semantics<arbitrary>], iteration_bounds = array<i64: 25>, scalar_prefetch = 0 : i64, scratch_operands = 0 : i64, tpu.core_type = #tpu.core_type<tc>, window_params = [{transform_indices = @transform_0, window_bounds = array<i64: 400, 128>}, {transform_indices = @transform_1, window_bounds = array<i64: 400, 128>}, {transform_indices = @transform_2, window_bounds = array<i64: 400, 8>}, {transform_indices = @transform_3, window_bounds = array<i64: 400, 8>}, {transform_indices = @transform_4, window_bounds = array<i64: 400, 128>}, {pipeline_mode = #tpu.pipeline_mode<synchronous>, transform_indices = @transform_5, window_bounds = array<i64: 128, 128>}, {pipeline_mode = #tpu.pipeline_mode<synchronous>, transform_indices = @transform_6, window_bounds = array<i64: 128, 128>}, {pipeline_mode = #tpu.pipeline_mode<synchronous>, transform_indices = @transform_7, window_bounds = array<i64: 1, 128>}, {transform_indices = @transform_8, window_bounds = array<i64: 400, 128>}]} {
    %get3A = arith.constant 0 : index
    %get3A_0 = arith.constant 0 : index
    %get3A_1 = vector.load %arg1[%get3A, %get3A_0] : memref<400x128xf32, #tpu.memory_space<vmem>>, vector<400x128xf32>
    %get3A_2 = arith.constant 0 : index
    %get3A_3 = arith.constant 0 : index
    %get3A_4 = vector.load %arg2[%get3A_2, %get3A_3] : memref<400x128xf32, #tpu.memory_space<vmem>>, vector<400x128xf32>
    %add3A = arith.addf %get3A_1, %get3A_4 : vector<400x128xf32>
    %get3A_5 = arith.constant 0 : index
    %get3A_6 = arith.constant 0 : index
    %get3A_7 = vector.load %arg3[%get3A_5, %get3A_6] : memref<400x8xf32, #tpu.memory_space<vmem>>, vector<400x1xf32>
    %get3A_8 = arith.constant 0 : index
    %get3A_9 = arith.constant 0 : index
    %get3A_10 = vector.load %arg4[%get3A_8, %get3A_9] : memref<400x8xf32, #tpu.memory_space<vmem>>, vector<400x1xf32>
    %add3A_11 = arith.addf %get3A_7, %get3A_10 : vector<400x1xf32>
    %max3A = arith.constant 1.000000e+00 : f32
    %max3A_12 = vector.broadcast %max3A : f32 to vector<400x1xf32>
    %max3A_13 = arith.maximumf %add3A_11, %max3A_12 : vector<400x1xf32>
    %div3A = arith.constant 1.000000e+00 : f32
    %div3A_14 = vector.broadcast %div3A : f32 to vector<400x1xf32>
    %div3A_15 = arith.divf %div3A_14, %max3A_13 : vector<400x1xf32>
    %mul3A = vector.broadcast %div3A_15 : vector<400x1xf32> to vector<400x128xf32>
    %mul3A_16 = arith.mulf %add3A, %mul3A : vector<400x128xf32>
    %get3A_17 = arith.constant 0 : index
    %get3A_18 = arith.constant 0 : index
    %get3A_19 = vector.load %arg6[%get3A_17, %get3A_18] : memref<128x128xf32, #tpu.memory_space<vmem>>, vector<128x128xf32>
    %dot_general3A = arith.constant dense<0.000000e+00> : vector<400x128xf32>
    %dot_general3A_20 = tpu.matmul %mul3A_16, %get3A_19, %dot_general3A {dimension_numbers = #tpu.dot_dimension_numbers<[1], [0], [0], [1], [0, 0, 1, 1], [], []>, transpose_lhs_hint = false} : vector<400x128xf32>, vector<128x128xf32>, vector<400x128xf32> -> vector<400x128xf32>
    %get3A_21 = arith.constant 0 : index
    %get3A_22 = arith.constant 0 : index
    %get3A_23 = vector.load %arg5[%get3A_21, %get3A_22] : memref<400x128xf32, #tpu.memory_space<vmem>>, vector<400x128xf32>
    %get3A_24 = arith.constant 0 : index
    %get3A_25 = arith.constant 0 : index
    %get3A_26 = vector.load %arg7[%get3A_24, %get3A_25] : memref<128x128xf32, #tpu.memory_space<vmem>>, vector<128x128xf32>
    %dot_general3A_27 = arith.constant dense<0.000000e+00> : vector<400x128xf32>
    %dot_general3A_28 = tpu.matmul %get3A_23, %get3A_26, %dot_general3A_27 {dimension_numbers = #tpu.dot_dimension_numbers<[1], [0], [0], [1], [0, 0, 1, 1], [], []>, transpose_lhs_hint = false} : vector<400x128xf32>, vector<128x128xf32>, vector<400x128xf32> -> vector<400x128xf32>
    %add3A_29 = arith.addf %dot_general3A_20, %dot_general3A_28 : vector<400x128xf32>
    %get3A_30 = arith.constant 0 : index
    %get3A_31 = arith.constant 0 : index
    %get3A_32 = vector.load %arg8[%get3A_30, %get3A_31] : memref<1x128xf32, #tpu.memory_space<vmem>>, vector<1x128xf32>
    %add3A_33 = vector.broadcast %get3A_32 : vector<1x128xf32> to vector<400x128xf32>
    %add3A_34 = arith.addf %add3A_29, %add3A_33 : vector<400x128xf32>
    %gt3A = arith.constant 0.000000e+00 : f32
    %gt3A_35 = vector.broadcast %gt3A : f32 to vector<400x128xf32>
    %gt3A_36 = arith.cmpf ogt, %add3A_34, %gt3A_35 : vector<400x128xf32>
    %exp3A = math.exp %add3A_34 : vector<400x128xf32>
    %sub3A = arith.constant 1.000000e+00 : f32
    %sub3A_37 = vector.broadcast %sub3A : f32 to vector<400x128xf32>
    %sub3A_38 = arith.subf %exp3A, %sub3A_37 : vector<400x128xf32>
    %select_n3A = arith.select %gt3A_36, %add3A_34, %sub3A_38 : vector<400x128xi1>, vector<400x128xf32>
    %swap3A = arith.constant 0 : index
    %swap3A_39 = arith.constant 0 : index
    %swap3A_40 = vector.load %arg9[%swap3A, %swap3A_39] : memref<400x128xf32, #tpu.memory_space<vmem>>, vector<400x128xf32>
    tpu.vector_store %arg9[%swap3A, %swap3A_39], %select_n3A {strides = array<i32>} : memref<400x128xf32, #tpu.memory_space<vmem>>, vector<400x128xf32>,
    return
  }
  func.func @transform_0(%arg0: i32) -> (i32, i32) {
    %c0_i32 = arith.constant 0 : i32
    %c0_i32_0 = arith.constant 0 : i32
    return %arg0, %c0_i32 : i32, i32
  }
  func.func @transform_1(%arg0: i32) -> (i32, i32) {
    %add3A = arith.constant 25 : i32
    %add3A_0 = arith.addi %arg0, %add3A : i32
    %c0_i32 = arith.constant 0 : i32
    %c0_i32_1 = arith.constant 0 : i32
    return %add3A_0, %c0_i32 : i32, i32
  }
  func.func @transform_2(%arg0: i32) -> (i32, i32) {
    %c0_i32 = arith.constant 0 : i32
    %c0_i32_0 = arith.constant 0 : i32
    return %arg0, %c0_i32 : i32, i32
  }
  func.func @transform_3(%arg0: i32) -> (i32, i32) {
    %add3A = arith.constant 25 : i32
    %add3A_0 = arith.addi %arg0, %add3A : i32
    %c0_i32 = arith.constant 0 : i32
    %c0_i32_1 = arith.constant 0 : i32
    return %add3A_0, %c0_i32 : i32, i32
  }
  func.func @transform_4(%arg0: i32) -> (i32, i32) {
    %c0_i32 = arith.constant 0 : i32
    %c0_i32_0 = arith.constant 0 : i32
    return %arg0, %c0_i32 : i32, i32
  }
  func.func @transform_5(%arg0: i32) -> (i32, i32) {
    %c0_i32 = arith.constant 0 : i32
    %c0_i32_0 = arith.constant 0 : i32
    %c0_i32_1 = arith.constant 0 : i32
    return %c0_i32, %c0_i32_0 : i32, i32
  }
  func.func @transform_6(%arg0: i32) -> (i32, i32) {
    %c0_i32 = arith.constant 0 : i32
    %c0_i32_0 = arith.constant 0 : i32
    %c0_i32_1 = arith.constant 0 : i32
    return %c0_i32, %c0_i32_0 : i32, i32
  }
  func.func @transform_7(%arg0: i32) -> (i32, i32) {
    %c0_i32 = arith.constant 0 : i32
    %c0_i32_0 = arith.constant 0 : i32
    %c0_i32_1 = arith.constant 0 : i32
    return %c0_i32, %c0_i32_0 : i32, i32
  }
  func.func @transform_8(%arg0: i32) -> (i32, i32) {
    %c0_i32 = arith.constant 0 : i32
    %c0_i32_0 = arith.constant 0 : i32
    return %arg0, %c0_i32 : i32, i32
  }
}

module attributes {stable_mosaic.version = 14 : i64} {
  func.func @_tc_body(%arg0: i32, %arg1: memref<400x128xf32, #tpu.memory_space<vmem>>, %arg2: memref<400x128xf32, #tpu.memory_space<vmem>>, %arg3: memref<400x8xf32, #tpu.memory_space<vmem>>, %arg4: memref<400x8xf32, #tpu.memory_space<vmem>>, %arg5: memref<400x128xf32, #tpu.memory_space<vmem>>, %arg6: memref<128x128xf32, #tpu.memory_space<vmem>>, %arg7: memref<128x128xf32, #tpu.memory_space<vmem>>, %arg8: memref<1x128xf32, #tpu.memory_space<vmem>>, %arg9: memref<400x128xf32, #tpu.memory_space<vmem>>) attributes {dimension_semantics = [#tpu.dimension_semantics<arbitrary>], iteration_bounds = array<i64: 25>, scalar_prefetch = 0 : i64, scratch_operands = 0 : i64, tpu.core_type = #tpu.core_type<tc>, window_params = [{transform_indices = @transform_0, window_bounds = array<i64: 400, 128>}, {transform_indices = @transform_1, window_bounds = array<i64: 400, 128>}, {transform_indices = @transform_2, window_bounds = array<i64: 400, 8>}, {transform_indices = @transform_3, window_bounds = array<i64: 400, 8>}, {transform_indices = @transform_4, window_bounds = array<i64: 400, 128>}, {pipeline_mode = #tpu.pipeline_mode<synchronous>, transform_indices = @transform_5, window_bounds = array<i64: 128, 128>}, {pipeline_mode = #tpu.pipeline_mode<synchronous>, transform_indices = @transform_6, window_bounds = array<i64: 128, 128>}, {pipeline_mode = #tpu.pipeline_mode<synchronous>, transform_indices = @transform_7, window_bounds = array<i64: 1, 128>}, {transform_indices = @transform_8, window_bounds = array<i64: 400, 128>}]} {
    %get3A = arith.constant 0 : index
    %get3A_0 = arith.constant 0 : index
    %get3A_1 = vector.load %arg1[%get3A, %get3A_0] : memref<400x128xf32, #tpu.memory_space<vmem>>, vector<400x128xf32>
    %get3A_2 = arith.constant 0 : index
    %get3A_3 = arith.constant 0 : index
    %get3A_4 = vector.load %arg2[%get3A_2, %get3A_3] : memref<400x128xf32, #tpu.memory_space<vmem>>, vector<400x128xf32>
    %add3A = arith.addf %get3A_1, %get3A_4 : vector<400x128xf32>
    %get3A_5 = arith.constant 0 : index
    %get3A_6 = arith.constant 0 : index
    %get3A_7 = vector.load %arg3[%get3A_5, %get3A_6] : memref<400x8xf32, #tpu.memory_space<vmem>>, vector<400x1xf32>
    %get3A_8 = arith.constant 0 : index
    %get3A_9 = arith.constant 0 : index
    %get3A_10 = vector.load %arg4[%get3A_8, %get3A_9] : memref<400x8xf32, #tpu.memory_space<vmem>>, vector<400x1xf32>
    %add3A_11 = arith.addf %get3A_7, %get3A_10 : vector<400x1xf32>
    %max3A = arith.constant 1.000000e+00 : f32
    %max3A_12 = vector.broadcast %max3A : f32 to vector<400x1xf32>
    %max3A_13 = arith.maximumf %add3A_11, %max3A_12 : vector<400x1xf32>
    %div3A = arith.constant 1.000000e+00 : f32
    %div3A_14 = vector.broadcast %div3A : f32 to vector<400x1xf32>
    %div3A_15 = arith.divf %div3A_14, %max3A_13 : vector<400x1xf32>
    %mul3A = vector.broadcast %div3A_15 : vector<400x1xf32> to vector<400x128xf32>
    %mul3A_16 = arith.mulf %add3A, %mul3A : vector<400x128xf32>
    %get3A_17 = arith.constant 0 : index
    %get3A_18 = arith.constant 0 : index
    %get3A_19 = vector.load %arg6[%get3A_17, %get3A_18] : memref<128x128xf32, #tpu.memory_space<vmem>>, vector<128x128xf32>
    %dot_general3A = arith.constant dense<0.000000e+00> : vector<400x128xf32>
    %dot_general3A_20 = tpu.matmul %mul3A_16, %get3A_19, %dot_general3A {dimension_numbers = #tpu.dot_dimension_numbers<[1], [0], [0], [1], [0, 0, 1, 1], [], []>, transpose_lhs_hint = false} : vector<400x128xf32>, vector<128x128xf32>, vector<400x128xf32> -> vector<400x128xf32>
    %get3A_21 = arith.constant 0 : index
    %get3A_22 = arith.constant 0 : index
    %get3A_23 = vector.load %arg5[%get3A_21, %get3A_22] : memref<400x128xf32, #tpu.memory_space<vmem>>, vector<400x128xf32>
    %get3A_24 = arith.constant 0 : index
    %get3A_25 = arith.constant 0 : index
    %get3A_26 = vector.load %arg7[%get3A_24, %get3A_25] : memref<128x128xf32, #tpu.memory_space<vmem>>, vector<128x128xf32>
    %dot_general3A_27 = arith.constant dense<0.000000e+00> : vector<400x128xf32>
    %dot_general3A_28 = tpu.matmul %get3A_23, %get3A_26, %dot_general3A_27 {dimension_numbers = #tpu.dot_dimension_numbers<[1], [0], [0], [1], [0, 0, 1, 1], [], []>, transpose_lhs_hint = false} : vector<400x128xf32>, vector<128x128xf32>, vector<400x128xf32> -> vector<400x128xf32>
    %add3A_29 = arith.addf %dot_general3A_20, %dot_general3A_28 : vector<400x128xf32>
    %get3A_30 = arith.constant 0 : index
    %get3A_31 = arith.constant 0 : index
    %get3A_32 = vector.load %arg8[%get3A_30, %get3A_31] : memref<1x128xf32, #tpu.memory_space<vmem>>, vector<1x128xf32>
    %add3A_33 = vector.broadcast %get3A_32 : vector<1x128xf32> to vector<400x128xf32>
    %add3A_34 = arith.addf %add3A_29, %add3A_33 : vector<400x128xf32>
    %gt3A = arith.constant 0.000000e+00 : f32
    %gt3A_35 = vector.broadcast %gt3A : f32 to vector<400x128xf32>
    %gt3A_36 = arith.cmpf ogt, %add3A_34, %gt3A_35 : vector<400x128xf32>
    %exp3A = math.exp %add3A_34 : vector<400x128xf32>
    %sub3A = arith.constant 1.000000e+00 : f32
    %sub3A_37 = vector.broadcast %sub3A : f32 to vector<400x128xf32>
    %sub3A_38 = arith.subf %exp3A, %sub3A_37 : vector<400x128xf32>
    %select_n3A = arith.select %gt3A_36, %add3A_34, %sub3A_38 : vector<400x128xi1>, vector<400x128xf32>
    %swap3A = arith.constant 0 : index
    %swap3A_39 = arith.constant 0 : index
    %swap3A_40 = vector.load %arg9[%swap3A, %swap3A_39] : memref<400x128xf32, #tpu.memory_space<vmem>>, vector<400x128xf32>
    tpu.vector_store %arg9[%swap3A, %swap3A_39], %select_n3A {strides = array<i32>} : memref<400x128xf32, #tpu.memory_space<vmem>>, vector<400x128xf32>,
    return
  }
  func.func @transform_0(%arg0: i32) -> (i32, i32) {
    %c0_i32 = arith.constant 0 : i32
    %c0_i32_0 = arith.constant 0 : i32
    return %arg0, %c0_i32 : i32, i32
  }
  func.func @transform_1(%arg0: i32) -> (i32, i32) {
    %add3A = arith.constant 25 : i32
    %add3A_0 = arith.addi %arg0, %add3A : i32
    %c0_i32 = arith.constant 0 : i32
    %c0_i32_1 = arith.constant 0 : i32
    return %add3A_0, %c0_i32 : i32, i32
  }
  func.func @transform_2(%arg0: i32) -> (i32, i32) {
    %c0_i32 = arith.constant 0 : i32
    %c0_i32_0 = arith.constant 0 : i32
    return %arg0, %c0_i32 : i32, i32
  }
  func.func @transform_3(%arg0: i32) -> (i32, i32) {
    %add3A = arith.constant 25 : i32
    %add3A_0 = arith.addi %arg0, %add3A : i32
    %c0_i32 = arith.constant 0 : i32
    %c0_i32_1 = arith.constant 0 : i32
    return %add3A_0, %c0_i32 : i32, i32
  }
  func.func @transform_4(%arg0: i32) -> (i32, i32) {
    %c0_i32 = arith.constant 0 : i32
    %c0_i32_0 = arith.constant 0 : i32
    return %arg0, %c0_i32 : i32, i32
  }
  func.func @transform_5(%arg0: i32) -> (i32, i32) {
    %c0_i32 = arith.constant 0 : i32
    %c0_i32_0 = arith.constant 0 : i32
    %c0_i32_1 = arith.constant 0 : i32
    return %c0_i32, %c0_i32_0 : i32, i32
  }
  func.func @transform_6(%arg0: i32) -> (i32, i32) {
    %c0_i32 = arith.constant 0 : i32
    %c0_i32_0 = arith.constant 0 : i32
    %c0_i32_1 = arith.constant 0 : i32
    return %c0_i32, %c0_i32_0 : i32, i32
  }
  func.func @transform_7(%arg0: i32) -> (i32, i32) {
    %c0_i32 = arith.constant 0 : i32
    %c0_i32_0 = arith.constant 0 : i32
    %c0_i32_1 = arith.constant 0 : i32
    return %c0_i32, %c0_i32_0 : i32, i32
  }
  func.func @transform_8(%arg0: i32) -> (i32, i32) {
    %c0_i32 = arith.constant 0 : i32
    %c0_i32_0 = arith.constant 0 : i32
    return %arg0, %c0_i32 : i32, i32
  }
}

</mosaic_0001>

<sc_bundles>
// kernel: kernel.12.cloned.1.call-start
scs
__scs_entry_jumppad:
0x0: {  	(pc) =	sbr.rel $0x88, $3  }
0x1: {  	(tag) =	ssettag $0x0;
	lr =	simm.s32 $0x1  }
0x2: {  	[smem:$0x3F96] =	sst lr;
	_ =	strace $0xD0000000  }
0x3: {  	_ = 	snop  }
0x4: {  	_ = 	snop  }
0x5: {  	_ = 	snop  }
0x6: {  	_ = 	snop  }
0x7: {  	_ = 	snop  }
__scs_overlays_trampoline_lowered:
0x8: {  	[smem:$0x3FA5] =	sst s0  }
0x9: {  	[smem:$0x3FA6] =	sst s1  }
0xa: {  	[smem:$0x3FA7] =	sst s2  }
0xb: {  	[smem:$0x3FA8] =	sst s3  }
0xc: {  	[smem:$0x3FA9] =	sst s4  }
0xd: {  	[smem:$0x3FAA] =	sst s5  }
0xe: {  	[smem:$0x3FAB] =	sst s6  }
0xf: {  	[smem:$0x3FAC] =	sst s7  }
0x10: {  	[smem:$0x3FAD] =	sst s8  }
0x11: {  	[smem:$0x3FAE] =	sst s9;
	s0 =	simm.s32 @!p0 $0x0  }
0x12: {  	s1 =	sld [smem:$0x3F94];
	s0 =	simm.s32 @p0 $0x1  }
0x13: {  	[smem:$0x3FAF] =	sst s0;
	s0 =	simm.s32 @!p1 $0x0  }
0x14: {  	s2 =	sld [smem:$0x3F93];
	s0 =	simm.s32 @p1 $0x1  }
0x15: {  	[smem:$0x3FB0] =	sst s0;
	s0 =	simm.s32 @!p2 $0x0  }
0x16: {  	s3 =	sld [smem:$0x3FDB];
	s0 =	simm.s32 @p2 $0x1  }
0x17: {  	s4 =	simm.s32 $0x1BF5;
	[smem:$0x3FB2] =	sst s0  }
0x18: {  	s0 =	sld [smem:$0x3F95];
	_ =	swait.ge [sflag:s4], $0x0  }
0x19: {  	s7 =	sld [smem:$0x3F96]  }
0x1a: {  	s8 =	sadd.s32 $0xFFFFE003, lr  }
0x1b: {  	s9 =	sadd.s32 $0xFFFFFEF7, lr;
	s5 =	simm.s32 $0xFFFFFFFF;
	p2 =	slt.u32 s8, $0xFFFFF086  }
0x1c: {  	p1 =	slt.u32 s9, $0xF7A;
	s5 =	simm.s32 @!p2 $0x0  }
0x1d: {  	s5 =	simm.s32 @p1 $0x1;
	p0 =	seq.s32 s7, s2  }
0x1e: {  	s7 =	smul.u32 @!p0 $0xF7A, s2;
	p2 =	seq.s32 @!p0 s5, $0x0  }
0x1f: {  	s9 =	smul.u32 $0xF7A, s1;
	s8 =	simm.s32 @!p0 $0x1BF5;
	p2 =	por !p2, p0  }
0x20: {  	[sflag:s8] =	ssyncset.s32 @!p0 $0xFFFFF086;
	s6 =	sadd.s32 @!p0 s3, s7;
	s7 =	simm.s32 @!p0 $0x108  }
0x21: {  	s3 =	sadd.s32 s3, s9;
	s6 =	sadd.s32 @!p0 $0x88, s6;
	s7 =	simm.s32 @p2 $0x1082  }
0x22: {  	[simem:s7], [sflag:s8] =	dma.local @!p0 [hbm:s6], $0xF7A  }
0x23: {  	s9 =	sor.u32 $0xD0000000, s2;
	s6 =	simm.s32 $0x108;
	_ =	swait.ge @!p0 [sflag:s8], $0x0  }
0x24: {  	s3 =	sadd.s32 $0x88, s3;
	s6 =	simm.s32 @!p1 $0x1082;
	[sflag:s4] =	ssyncset.s32 $0xFFFFF086  }
0x25: {  	[simem:s6], [sflag:s4] =	dma.local [hbm:s3], $0xF7A  }
0x26: {  	[smem:$0x3F96] =	sst s1;
	(tag) =	ssettag s2;
	_ =	strace s9  }
0x27: {  	s1 =	sld [smem:$0x3FA6]  }
0x28: {  	s2 =	sld [smem:$0x3FA7]  }
0x29: {  	s4 =	sld [smem:$0x3FA9]  }
0x2a: {  	p0 =	seq.s32 s5, $0x0;
	s5 =	sld [smem:$0x3FAA]  }
0x2b: {  	s6 =	sld [smem:$0x3FAB]  }
0x2c: {  	s7 =	sld [smem:$0x3FAC]  }
0x2d: {  	s3 =	simm.s32 $0x108;
	s8 =	sld [smem:$0x3FAD]  }
0x2e: {  	s3 =	simm.s32 @!p0 $0x1082;
	s9 =	sld [smem:$0x3FAE]  }
0x2f: {  	lr =	sadd.s32 s0, s3;
	s0 =	sld [smem:$0x3FA5]  }
0x30: {  	s3 =	sld [smem:$0x3FA8]  }
0x31: {  	[smem:$0x3FB1] =	sst s10  }
0x32: {  	s10 =	sld [smem:$0x3FAF];
	_ =	sdelay $0x3  }
0x33: {  	p0 =	seq.s32 s10, $0x1;
	s10 =	sld [smem:$0x3FB1];
	_ =	sdelay $0x3  }
0x34: {  	[smem:$0x3FB1] =	sst s10  }
0x35: {  	s10 =	sld [smem:$0x3FB0];
	_ =	sdelay $0x3  }
0x36: {  	p1 =	seq.s32 s10, $0x1;
	s10 =	sld [smem:$0x3FB1];
	_ =	sdelay $0x3  }
0x37: {  	[smem:$0x3FB1] =	sst s10  }
0x38: {  	s10 =	sld [smem:$0x3FB2]  }
0x39: {  	_ = 	snop;
	(pc) =	sbr.ind lr, $3  }
0x3a: {  	_ = 	snop  }
0x3b: {  	_ = 	snop  }
0x3c: {  	p2 =	seq.s32 s10, $0x1;
	s10 =	sld [smem:$0x3FB1]  }
0x3d: {  	_ =	shalt  }
0x3e: {  	_ =	shalt  }
0x3f: {  	_ =	shalt  }
0x40: {  	_ =	shalt  }
0x41: {  	_ =	shalt  }
0x42: {  	_ =	shalt  }
0x43: {  	_ =	shalt  }
0x44: {  	_ =	shalt  }
0x45: {  	_ =	shalt  }
0x46: {  	_ =	shalt  }
0x47: {  	_ =	shalt  }
0x48: {  	_ =	shalt  }
0x49: {  	_ =	shalt  }
0x4a: {  	_ =	shalt  }
0x4b: {  	_ =	shalt  }
0x4c: {  	_ =	shalt  }
0x4d: {  	_ =	shalt  }
0x4e: {  	_ =	shalt  }
0x4f: {  	_ =	shalt  }
0x50: {  	_ =	shalt  }
0x51: {  	_ =	shalt  }
0x52: {  	_ =	shalt  }
0x53: {  	_ =	shalt  }
0x54: {  	_ =	shalt  }
0x55: {  	_ =	shalt  }
0x56: {  	_ =	shalt  }
0x57: {  	_ =	shalt  }
0x58: {  	_ =	shalt  }
0x59: {  	_ =	shalt  }
0x5a: {  	_ =	shalt  }
0x5b: {  	_ =	shalt  }
0x5c: {  	_ =	shalt  }
0x5d: {  	_ =	shalt  }
0x5e: {  	_ =	shalt  }
0x5f: {  	_ =	shalt  }
0x60: {  	_ =	shalt  }
0x61: {  	_ =	shalt  }
0x62: {  	_ =	shalt  }
0x63: {  	_ =	shalt  }
0x64: {  	_ =	shalt  }
0x65: {  	_ =	shalt  }
0x66: {  	_ =	shalt  }
0x67: {  	_ =	shalt  }
0x68: {  	_ =	shalt  }
0x69: {  	_ =	shalt  }
0x6a: {  	_ =	shalt  }
0x6b: {  	_ =	shalt  }
0x6c: {  	_ =	shalt  }
0x6d: {  	_ =	shalt  }
0x6e: {  	_ =	shalt  }
0x6f: {  	_ =	shalt  }
0x70: {  	_ =	shalt  }
0x71: {  	_ =	shalt  }
0x72: {  	_ =	shalt  }
0x73: {  	_ =	shalt  }
0x74: {  	_ =	shalt  }
0x75: {  	_ =	shalt  }
0x76: {  	_ =	shalt  }
0x77: {  	_ =	shalt  }
0x78: {  	_ =	shalt  }
0x79: {  	_ =	shalt  }
0x7a: {  	_ =	shalt  }
0x7b: {  	_ =	shalt  }
0x7c: {  	_ =	shalt  }
0x7d: {  	_ =	shalt  }
0x7e: {  	_ =	shalt  }
0x7f: {  	_ =	shalt  }
0x80: {  	_ =	shalt  }
0x81: {  	_ =	shalt  }
0x82: {  	_ =	shalt  }
0x83: {  	_ =	shalt  }
0x84: {  	_ =	shalt  }
0x85: {  	_ =	shalt  }
0x86: {  	_ =	shalt  }
0x87: {  	_ =	shalt  }
.Lfunc_end0:
.L_simem_size_0:
called_computation.1_lowered:
.L_overlay_start_0:
0x88: {  	s2 =	sld [smem:$0x3FD9]  }
0x89: {  	s3 =	sld [smem:$0x3FFE];
	_ =	sdelay $0x1  }
0x8a: {  	s1 =	srdreg.scid  }
0x8b: {  	s0 =	sand.u32 $0x1, s1  }
0x8c: {  	s17 =	sshll.u32 s0, $0xA;
	s2 =	sadd.s32 s3, s2  }
0x8d: {  	s2 =	sadd.s32 s2, s17  }
0x8e: {  	[smem:$0x3FBD] =	sst s2  }
0x8f: {  	_ = 	snop  }
0x90: {  	s2 =	sld [smem:$0x3FC9];
	(tm) =	ssettm $0x1  }
0x91: {  	s18 =	sld [smem:$0x3FFB];
	_ =	sdelay $0x3  }
0x92: {  	_ =	strace s18  }
0x93: {  	s3 =	sld [smem:$0x3FFC];
	_ =	sdelay $0x3  }
0x94: {  	_ =	strace s3  }
0x95: {  	s3 =	sld [smem:$0x3FFD];
	_ =	sdelay $0x3  }
0x96: {  	_ =	strace s3  }
0x97: {  	_ =	strace $0x8FFFFFFF  }
0x98: {  	s19 =	sld [smem:$0x3FDB];
	_ =	sdelay $0x1  }
0x99: {  	s4 =	simm.s32 $_scs_section_size  }
0x9a: {  	s5 =	simm.s32 $_size__tile_overlayer_lowered;
	s6 =	simm.s32 $_tile_overlayer_lowered  }
0x9b: {  	s22 =	simm.s32 $0x1BFF;
	s21 =	sshll.u32 s6, $0x1;
	s3 =	sadd.s32 s4, s19  }
0x9c: {  	s7 =	simm.s32 $0x0;
	s20 =	sshll.u32 s5, $0x1;
	s5 =	sadd.s32 s21, s3  }
0x9d: {  	[timem:s7], [sflag:s22] =	dma.local [hbm:s5], s20  }
0x9e: {  	_ =	swait.ge [sflag:s22], s20  }
0x9f: {  	s4 =	ssub.s32 $0x0, s20;
	[sflag:s22] =	ssyncset.done $0x0  }
0xa0: {  	[sflag:s22] =	ssyncadd.s32 s4;
	_ =	sdelay $0x1  }
0xa1: {  	s23 =	simm.s32 $0x1B8B  }
0xa2: {  	_ =	swait.ge [sflag:s23], $0x1  }
0xa3: {  	[sflag:s23] =	ssyncset.done $0x0  }
0xa4: {  	s25 =	simm.s32 $0x1B8E;
	s24 =	sld [smem:$0x3FFE];
	[sflag:s23] =	ssyncadd.s32 $0xFFFFFFFF  }
0xa5: {  	s26 =	simm.s32 $execute0_lowered;
	[smem:$0x3FD2] =	sst s25  }
0xa6: {  	s5 =	sshll.u32 s26, $0x1;
	_ =	strace $0x80000046;
	[dreg:$0x1] =	wrdreg $0xFFFFFFFF  }
0xa7: {  	s28 =	simm.s32 $_size_execute0_lowered;
	s3 =	sadd.s32 s3, s5;
	[dreg:$0x0] =	wrdreg $0x0  }
0xa8: {  	s5 =	sshll.u32 s28, $0x1;
	[dreg:$0x2] =	wrdreg s3  }
0xa9: {  	[dreg:$0x3] =	wrdreg s5  }
0xaa: {  	[dreg:$0x4] =	wrdreg $0xC0  }
0xab: {  	_ =	task [dreg:s7], $0x5FFFF  }
0xac: {  	[dreg:$0x1] =	wrdreg $0xFFFFFFFF  }
0xad: {  	[dreg:$0x0] =	wrdreg $0x60  }
0xae: {  	[dreg:$0x2] =	wrdreg s2  }
0xaf: {  	[dreg:$0x3] =	wrdreg s24  }
0xb0: {  	[dreg:$0x4] =	wrdreg $0xBA000  }
0xb1: {  	[dreg:$0x5] =	wrdreg $0xA  }
0xb2: {  	_ =	task.clear_ibuf [dreg:s7], $0x6FFFF;
	_ =	strace $0x90000046  }
0xb3: {  	s29 =	simm.s32 $0xA;
	_ =	strace $0x80000048  }
0xb4: {  	_ =	swait.ge [sflag:s29], $0x1  }
0xb5: {  	[sflag:s29] =	ssyncadd.s32 $0xFFFFFFFF  }
0xb6: {  	_ =	strace $0x90000048  }
0xb7: {  	_ =	sfence  }
0xb8: {  	s30 =	sld [smem:$0x0];
	_ =	sdelay $0x2  }
0xb9: {  	s31 =	sshll.u32 s1, $0xD;
	s1 =	sshrl.u32 s1, $0x2  }
0xba: {  	s3 =	sand.u32 $0x4000, s31;
	s1 =	sadd.s32 s1, s30  }
0xbb: {  	s0 =	sor.u32 s3, s0;
	s1 =	sshll.u32 s1, $0x11  }
0xbc: {  	s0 =	sor.u32 s1, s0  }
0xbd: {  	s0 =	sadd.s32 $0x8F2B, s0  }
0xbe: {  	[sflag:s0] =	ssyncadd.remote.s32 $0x1  }
0xbf: {  	_ =	sfence.sel $0xFFFF  }
0xc0: {  	[dreg:$0x0] =	wrdreg $0xFFFFFFFF;
	(pc) =	sbr.abs _section_cstart, $3  }
0xc1: {  	[dreg:$0x1] =	wrdreg $0xFFFFFFFF  }
0xc2: {  	_ =	task.clear_ibuf [dreg:s7], $0x2FFFF;
	_ =	strace $0x9FFFFFFF  }
0xc3: {  	(tm) =	ssettm $0x7FFFFFFF  }
tec
execute0_lowered:
.L_overlay_start_1:
0x0: {  	(tag) =	ssettag $0x1  }
0x1: {  	s1 =	rddreg [dreg:$0x0]  }
0x2: {  	s0 =	rddreg [dreg:$0x1];
	s2 =	srdreg.scid  }
0x3: {  	s3 =	rddreg [dreg:$0x2];
	s21 =	stileid.u32;
	s4 =	simm.s32 $0x0  }
0x4: {  	s17 =	simm.s32 $0x5200;
	s18 =	simm.s32 $0x5;
	s19 =	simm.s32 $0x50  }
0x5: {  	s20 =	simm.s32 $0x100;
	s28 =	simm.s32 $0x3;
	s9 =	smul.u32 $0x270, s21  }
0x6: {  	s29 =	simm.s32 $0x4;
	s30 =	simm.s32 $0x0;
	s11 =	smul.u32 $0x4E000, s21  }
0x7: {  	s7 =	sand.u32 $0x1, s2;
	[smem:$0x7FF] =	sst s4;
	s26 =	smul.u32 $0x7D, s21  }
0x8: {  	s13 =	sadd.s32 $0x3600, s0;
	s0 =	sadd.s32 $0x22A00, s0;
	s14 =	smul.u32 $0x2710, s7  }
0x9: {  	p0 =	sne.s32 s21, $0xF;
	s5 =	sshll.u32 s7, $0x4;
	s24 =	smul.u32 $0x138800, s7  }
0xa: {  	s8 =	ssub.s32 $0x2, s7;
	s15 =	smul.u32 $0x7D0, s7;
	s5 =	sor.u32 s21, s5  }
0xb: {  	_ =	strace $0x80000047;
	s22 =	sshrl.u32 s8, $0x1;
	s6 =	smul.u32 $0xFA0, s5  }
0xc: {  	s25 =	sshrl.u32 s11, $0x2;
	s21 =	simm.s32 $0x1;
	s10 =	smul.u32 $0x7D00, s5  }
0xd: {  	s12 =	ssub.s32 s8, s22;
	s5 =	sadd.s32 $0x138000, s3;
	s9 =	sadd.s32 s9, s14  }
0xe: {  	s11 =	sadd.s32 s26, s15;
	s22 =	simm.s32 $0x80;
	s26 =	simm.s32 $0x2980  }
0xf: {  	s9 =	sshll.u32 s9, $0x4;
	s31 =	sshll.u32 s11, $0x5;
	s11 =	smax.u32 s12, $0x1  }
0x10: {  	s23 =	sshrl.u32 s10, $0x3;
	s6 =	sadd.s32 s13, s6;
	s10 =	sshrl.u32 s24, $0x3  }
0x11: {  	s9 =	sadd.s32 s0, s9;
	s24 =	simm.s32 $0x2A00;
	s8 =	sadd.s32 s13, s23  }
0x12: {  	s10 =	sadd.s32 s0, s10;
	s0 =	sadd.s32 s31, s13;
	s14 =	sadd.s32 $0xF80, s6  }
0x13: {  	s23 =	simm.s32 $0x2900;
	s7 =	sadd.s32 $0x20, s8;
	s8 =	sadd.s32 s25, s3  }
0x14: {  	s10 =	sadd.s32 $0x27000, s10;
	s15 =	sadd.s32 $0x40, s0;
	s16 =	sadd.s32 $0x60, s0  }
0x15: {  	v0 =	vimm.f32 $0.0e+00;
	s25 =	simm.s32 $0x2;
	s12 =	sadd.s32 $0x6800, s8;
	s13 =	sadd.s32 $0xD000, s8  }
.LBB2_1:
0x16: {  	s31 =	simm.s32 $0x70;
	s0 =	simm.s32 $0x3C0  }
.LBB2_2:
0x17: {  	p1 =	sne.s32 s0, $0x19FC0;
	[tilespmem:s31+$0x5200] =	vst v0  }
0x18: {  	[tilespmem:s31+$0x5190] =	vst v0  }
0x19: {  	[tilespmem:s31+$0x51A0] =	vst v0  }
.Ltmp0:
0x1a: {  	[tilespmem:s31+$0x51B0] =	vst v0;
	(pc) =	sbr.rel @p1 .LBB2_2-.Ltmp0, $4  }
0x1b: {  	[tilespmem:s31+$0x51C0] =	vst v0  }
0x1c: {  	[tilespmem:s31+$0x51D0] =	vst v0  }
0x1d: {  	[tilespmem:s31+$0x51E0] =	vst v0  }
0x1e: {  	[tilespmem:s31+$0x51F0] =	vst v0;
	s31 =	sshra.s32 s0, $0x2;
	s0 =	sadd.s32 $0x200, s0  }
0x1f: {  	[tilespmem:s31+$0x5200] =	vst v0  }
0x20: {  	[tilespmem:s31+$0x5190] =	vst v0  }
0x21: {  	[tilespmem:s31+$0x51A0] =	vst v0  }
0x22: {  	[tilespmem:s31+$0x51B0] =	vst v0  }
0x23: {  	[tilespmem:s31+$0x51C0] =	vst v0  }
0x24: {  	[tilespmem:s31+$0x51D0] =	vst v0  }
0x25: {  	[tilespmem:s31+$0x51E0] =	vst v0  }
0x26: {  	[tilespmem:s31+$0x51F0] =	vst v0  }
0x27: {  	[spmem:s8] =	stream.linear.scatter [tilespmem:s17], [sflag:$0x5], $0x6800, $0x38;
	[tilespmem:$0x1F280] =	vst v63  }
0x28: {  	_ =	swait.ge [sflag:s18], $0x6800  }
0x29: {  	[sflag:s18] =	ssyncset.done $0x0  }
0x2a: {  	[sflag:s18] =	ssyncadd.s32 $0xFFFF9800  }
0x2b: {  	[spmem:s12] =	stream.linear.scatter [tilespmem:s17], [sflag:$0x5], $0x6800, $0x38;
	[tilespmem:$0x1F280] =	vst v63  }
0x2c: {  	_ =	swait.ge [sflag:s18], $0x6800  }
0x2d: {  	[sflag:s18] =	ssyncset.done $0x0  }
0x2e: {  	[sflag:s18] =	ssyncadd.s32 $0xFFFF9800  }
0x2f: {  	[spmem:s13] =	stream.linear.scatter [tilespmem:s17], [sflag:$0x5], $0x6800, $0x38;
	[tilespmem:$0x1F280] =	vst v63  }
0x30: {  	_ =	swait.ge [sflag:s18], $0x6800  }
0x31: {  	[sflag:s18] =	ssyncset.done $0x0  }
0x32: {  	s0 =	simm.s32 @!p0 $0x5200;
	[sflag:s18] =	ssyncadd.s32 $0xFFFF9800  }
0x33: {  	[spmem:s5] =	stream.linear.scatter @!p0 [tilespmem:s0], [sflag:$0x5], $0x800, $0x38;
	[tilespmem:$0x1F280] =	vst v63  }
0x34: {  	s0 =	simm.s32 @!p0 $0x5  }
0x35: {  	_ =	swait.ge @!p0 [sflag:s0], $0x800  }
0x36: {  	[sflag:s0] =	ssyncset.done @!p0 $0x0  }
0x37: {  	[sflag:s0] =	ssyncadd.s32 @!p0 $0xFFFFF800  }
0x38: {  	s2 =	simm.s32 $0x0;
	[bflag:$0x0] =	sbarrier.arrive $0xFFFF  }
0x39: {  	[tilespmem:s2], [sflag:$0x5] =	stream.linear.gather [hbm4b:s6+s2], $0x100, $0x38;
	[tilespmem:$0x1F280] =	vst v63  }
0x3a: {  	_ =	swait.ge [sflag:s18], $0x100  }
0x3b: {  	[sflag:s18] =	ssyncset.done $0x0  }
0x3c: {  	[sflag:s18] =	ssyncadd.s32 $0xFFFFFF00  }
0x3d: {  	[tilespmem:s20], [sflag:$0x1] =	stream.indirect.gather [hbm4b:s1+s19], $0x80, s2, s19, $0xb8;
	[tilespmem:$0x1F280] =	vst v63  }
0x3e: {  	_ =	swait.ge [sflag:s21], $0x2800  }
0x3f: {  	[sflag:s21] =	ssyncset.done $0x0  }
0x40: {  	[sflag:s21] =	ssyncadd.s32 $0xFFFFD800  }
0x41: {  	[spmem:s3] =	stream.indirect.scatter.add.f32 [tilespmem:s20], [sflag:$0x3], $0x80, s22, s19, $0xb8;
	[tilespmem:$0x1F280] =	vst v63  }
0x42: {  	_ = 	snop  }
0x43: {  	[tilespmem:s23], [sflag:$0x5] =	stream.linear.gather [hbm4b:s7+s2], $0x100, $0x38;
	[tilespmem:$0x1F280] =	vst v63  }
0x44: {  	_ =	swait.ge [sflag:s18], $0x100  }
0x45: {  	[sflag:s18] =	ssyncset.done $0x0  }
0x46: {  	[sflag:s18] =	ssyncadd.s32 $0xFFFFFF00  }
0x47: {  	[tilespmem:s24], [sflag:$0x2] =	stream.indirect.gather [hbm4b:s1+s19], $0x80, s23, s19, $0xb8;
	[tilespmem:$0x1F280] =	vst v63  }
0x48: {  	_ =	swait.ge [sflag:s25], $0x2800  }
0x49: {  	[sflag:s25] =	ssyncset.done $0x0  }
0x4a: {  	[sflag:s25] =	ssyncadd.s32 $0xFFFFD800  }
0x4b: {  	[spmem:s3] =	stream.indirect.scatter.add.f32 [tilespmem:s24], [sflag:$0x4], $0x80, s26, s19, $0xb8;
	[tilespmem:$0x1F280] =	vst v63  }
0x4c: {  	_ =	swait.ge [sflag:s28], $0x2800  }
0x4d: {  	[sflag:s28] =	ssyncset.done $0x0  }
0x4e: {  	s2 =	sadd.s32 $0x0, s15;
	[sflag:s28] =	ssyncadd.s32 $0xFFFFD800  }
0x4f: {  	[tilespmem:s4], [sflag:$0x5] =	stream.linear.gather [hbm4b:s2+s4], $0x100, $0x38;
	[tilespmem:$0x1F280] =	vst v63  }
0x50: {  	_ =	swait.ge [sflag:s18], $0x100  }
0x51: {  	[sflag:s18] =	ssyncset.done $0x0  }
0x52: {  	[sflag:s18] =	ssyncadd.s32 $0xFFFFFF00  }
0x53: {  	[tilespmem:s20], [sflag:$0x1] =	stream.indirect.gather [hbm4b:s1+s19], $0x80, s4, s19, $0xb8;
	[tilespmem:$0x1F280] =	vst v63  }
0x54: {  	_ =	swait.ge [sflag:s21], $0x2800  }
0x55: {  	[sflag:s21] =	ssyncset.done $0x0  }
0x56: {  	[sflag:s21] =	ssyncadd.s32 $0xFFFFD800  }
0x57: {  	[spmem:s3] =	stream.indirect.scatter.add.f32 [tilespmem:s20], [sflag:$0x3], $0x80, s22, s19, $0xb8;
	[tilespmem:$0x1F280] =	vst v63  }
0x58: {  	_ =	swait.ge [sflag:s29], $0x2800  }
0x59: {  	[sflag:s29] =	ssyncset.done $0x0  }
0x5a: {  	s2 =	sadd.s32 $0x0, s16;
	[sflag:s29] =	ssyncadd.s32 $0xFFFFD800  }
0x5b: {  	[tilespmem:s23], [sflag:$0x5] =	stream.linear.gather [hbm4b:s2+s4], $0x100, $0x38;
	[tilespmem:$0x1F280] =	vst v63  }
0x5c: {  	_ =	swait.ge [sflag:s18], $0x100  }
0x5d: {  	[sflag:s18] =	ssyncset.done $0x0  }
0x5e: {  	s31 =	simm.s32 $0x40;
	[sflag:s18] =	ssyncadd.s32 $0xFFFFFF00  }
.LBB2_4:
0x5f: {  	[tilespmem:s24], [sflag:$0x2] =	stream.indirect.gather [hbm4b:s1+s19], $0x80, s23, s19, $0xb8;
	[tilespmem:$0x1F280] =	vst v63  }
0x60: {  	s0 =	smov.u32 s31  }
0x61: {  	p1 =	sne.s32 s31, $0xF00;
	s31 =	sadd.s32 $0x40, s31;
	_ =	swait.ge [sflag:s25], $0x2800  }
0x62: {  	[sflag:s25] =	ssyncset.done $0x0  }
0x63: {  	[sflag:s25] =	ssyncadd.s32 $0xFFFFD800  }
0x64: {  	[spmem:s3] =	stream.indirect.scatter.add.f32 [tilespmem:s24], [sflag:$0x4], $0x80, s26, s19, $0xb8;
	[tilespmem:$0x1F280] =	vst v63  }
0x65: {  	_ =	swait.ge [sflag:s28], $0x2800  }
0x66: {  	[sflag:s28] =	ssyncset.done $0x0  }
0x67: {  	s2 =	sadd.s32 s0, s15;
	[sflag:s28] =	ssyncadd.s32 $0xFFFFD800  }
0x68: {  	[tilespmem:s4], [sflag:$0x5] =	stream.linear.gather [hbm4b:s2+s4], $0x100, $0x38;
	[tilespmem:$0x1F280] =	vst v63  }
0x69: {  	_ =	swait.ge [sflag:s18], $0x100  }
0x6a: {  	[sflag:s18] =	ssyncset.done $0x0  }
0x6b: {  	[sflag:s18] =	ssyncadd.s32 $0xFFFFFF00  }
0x6c: {  	[tilespmem:s20], [sflag:$0x1] =	stream.indirect.gather [hbm4b:s1+s19], $0x80, s4, s19, $0xb8;
	[tilespmem:$0x1F280] =	vst v63  }
0x6d: {  	_ =	swait.ge [sflag:s21], $0x2800  }
0x6e: {  	[sflag:s21] =	ssyncset.done $0x0  }
0x6f: {  	[sflag:s21] =	ssyncadd.s32 $0xFFFFD800  }
0x70: {  	[spmem:s3] =	stream.indirect.scatter.add.f32 [tilespmem:s20], [sflag:$0x3], $0x80, s22, s19, $0xb8;
	[tilespmem:$0x1F280] =	vst v63  }
0x71: {  	_ =	swait.ge [sflag:s29], $0x2800  }
0x72: {  	[sflag:s29] =	ssyncset.done $0x0  }
.Ltmp1:
0x73: {  	s0 =	sadd.s32 s0, s16;
	[sflag:s29] =	ssyncadd.s32 $0xFFFFD800;
	(pc) =	sbr.rel @p1 .LBB2_4-.Ltmp1, $4  }
0x74: {  	[tilespmem:s23], [sflag:$0x5] =	stream.linear.gather [hbm4b:s0+s4], $0x100, $0x38;
	[tilespmem:$0x1F280] =	vst v63  }
0x75: {  	_ =	swait.ge [sflag:s18], $0x100  }
0x76: {  	[sflag:s18] =	ssyncset.done $0x0  }
0x77: {  	[sflag:s18] =	ssyncadd.s32 $0xFFFFFF00  }
0x78: {  	[tilespmem:s24], [sflag:$0x2] =	stream.indirect.gather [hbm4b:s1+s19], $0x80, s23, s19, $0xb8;
	[tilespmem:$0x1F280] =	vst v63  }
0x79: {  	_ =	swait.ge [sflag:s25], $0x2800  }
0x7a: {  	[sflag:s25] =	ssyncset.done $0x0  }
0x7b: {  	[sflag:s25] =	ssyncadd.s32 $0xFFFFD800  }
0x7c: {  	[spmem:s3] =	stream.indirect.scatter.add.f32 [tilespmem:s24], [sflag:$0x4], $0x80, s26, s19, $0xb8;
	[tilespmem:$0x1F280] =	vst v63  }
0x7d: {  	_ =	swait.ge [sflag:s28], $0x2800  }
0x7e: {  	[sflag:s28] =	ssyncset.done $0x0  }
0x7f: {  	[sflag:s28] =	ssyncadd.s32 $0xFFFFD800  }
0x80: {  	[tilespmem:s4], [sflag:$0x5] =	stream.linear.gather [hbm4b:s14+s4], $0x100, $0x38;
	[tilespmem:$0x1F280] =	vst v63  }
0x81: {  	_ =	swait.ge [sflag:s18], $0x100  }
0x82: {  	[sflag:s18] =	ssyncset.done $0x0  }
0x83: {  	[sflag:s18] =	ssyncadd.s32 $0xFFFFFF00  }
0x84: {  	[tilespmem:s20], [sflag:$0x1] =	stream.indirect.gather [hbm4b:s1+s19], $0x80, s4, s19, $0xb8;
	[tilespmem:$0x1F280] =	vst v63  }
0x85: {  	_ =	swait.ge [sflag:s21], $0x2800  }
0x86: {  	[sflag:s21] =	ssyncset.done $0x0  }
0x87: {  	[sflag:s21] =	ssyncadd.s32 $0xFFFFD800  }
0x88: {  	[spmem:s3] =	stream.indirect.scatter.add.f32 [tilespmem:s20], [sflag:$0x3], $0x80, s22, s19, $0xb8;
	[tilespmem:$0x1F280] =	vst v63  }
0x89: {  	_ =	swait.ge [sflag:s29], $0x2800  }
0x8a: {  	[sflag:s29] =	ssyncset.done $0x0  }
0x8b: {  	[sflag:s29] =	ssyncadd.s32 $0xFFFFD800  }
0x8c: {  	[tilespmem:s23], [sflag:$0x5] =	stream.linear.gather [hbm4b:s14+s4], $0x100, $0x38;
	[tilespmem:$0x1F280] =	vst v63  }
0x8d: {  	_ =	swait.ge [sflag:s18], $0x100  }
0x8e: {  	[sflag:s18] =	ssyncset.done $0x0  }
0x8f: {  	[sflag:s18] =	ssyncadd.s32 $0xFFFFFF00  }
0x90: {  	[tilespmem:s24], [sflag:$0x2] =	stream.indirect.gather [hbm4b:s1+s19], $0x80, s23, s19, $0xb8;
	[tilespmem:$0x1F280] =	vst v63  }
0x91: {  	_ =	swait.ge [sflag:s28], $0x2800  }
0x92: {  	[sflag:s28] =	ssyncset.done $0x0  }
0x93: {  	[sflag:s28] =	ssyncadd.s32 $0xFFFFD800  }
0x94: {  	_ =	swait.ge [sflag:s25], $0x2800  }
0x95: {  	s0 =	stileid.u32;
	[sflag:s25] =	ssyncset.done $0x0  }
0x96: {  	s0 =	sshll.u32 s0, $0x6;
	[sflag:s25] =	ssyncadd.s32 $0xFFFFD800  }
0x97: {  	s2 =	sshrl.u32 s8, $0x3;
	s0 =	sor.u32 $0x1C05, s0;
	[bflag:$0x0] =	sbarrier.arrive $0xFFFF  }
0x98: {  	[hbm:s9], [sflag:s0] =	dma.local [spmem:s2], $0x2700  }
0x99: {  	_ =	swait.ge [sflag:s18], $0x2700  }
0x9a: {  	s30 =	sadd.s32 $0x1, s30;
	[sflag:s18] =	ssyncset.done $0x0  }
0x9b: {  	p1 =	sne.s32 s30, s11;
	s2 =	sshrl.u32 @!p0 s5, $0x3;
	[sflag:s18] =	ssyncadd.s32 $0xFFFFD900  }
0x9c: {  	[hbm:s10], [sflag:s0] =	dma.local @!p0 [spmem:s2], $0x100  }
.Ltmp2:
0x9d: {  	_ = 	snop;
	(pc) =	sbr.rel @p1 .LBB2_1-.Ltmp2, $4  }
0x9e: {  	s0 =	simm.s32 @!p0 $0x5  }
0x9f: {  	_ =	swait.ge @!p0 [sflag:s0], $0x100  }
0xa0: {  	[sflag:s0] =	ssyncset.done @!p0 $0x0  }
0xa1: {  	[sflag:s0] =	ssyncadd.s32 @!p0 $0xFFFFFF00  }
0xa2: {  	_ =	sfence.sel $0x180000  }
0xa3: {  	[bflag:$0x0] =	sbarrier.arrive $0xFFFF  }
0xa4: {  	_ =	strace $0x90000047  }
0xa5: {  	s0 =	stileid.u32;
	[bflag:$0x2] =	sbarrier.arrive $0xFFFF  }
0xa6: {  	p0 =	sne.s32 s0, $0x0;
	s0 =	rddreg [dreg:$0x3]  }
0xa7: {  	s0 =	sadd.s32 @!p0 $0x100000, s0  }
0xa8: {  	[sflag:s0] =	ssyncadd.tile.s32 @!p0 $0x1;
	_ =	shalt  }
.Lfunc_end2:
_tile_overlayer_lowered:
.L_overlay_start_2:
0xa9: {  	(tag) =	ssettag $0x2  }
0xaa: {  	s0 =	rddreg [dreg:$0x0];
	s2 =	stileid.u32  }
0xab: {  	s1 =	rddreg [dreg:$0x1];
	p0 =	sne.s32 s2, $0x0  }
0xac: {  	s3 =	rddreg [dreg:$0x2];
	[bflag:$0x3] =	sbarrier.arrive $0xFFFF;
	s2 =	simm.s32 @!p0 $0x1C05  }
0xad: {  	[timem:s3], [sflag:s2] =	dma.local @!p0 [hbm:s0], s1  }
0xae: {  	s0 =	simm.s32 @!p0 $0x5  }
0xaf: {  	_ =	swait.ge @!p0 [sflag:s0], s1  }
0xb0: {  	s1 =	ssub.s32 @!p0 $0x0, s1;
	[sflag:s0] =	ssyncset.done @!p0 $0x0  }
0xb1: {  	[sflag:s0] =	ssyncadd.s32 @!p0 s1  }
0xb2: {  	[bflag:$0x3] =	sbarrier.arrive $0xFFFF  }
0xb3: {  	_ =	shalt  }

// kernel: kernel.15.cloned.1.call-start
scs
__scs_entry_jumppad:
0x0: {  	(pc) =	sbr.rel $0x88, $3  }
0x1: {  	(tag) =	ssettag $0x0;
	lr =	simm.s32 $0x1  }
0x2: {  	[smem:$0x3F96] =	sst lr;
	_ =	strace $0xD0000000  }
0x3: {  	_ = 	snop  }
0x4: {  	_ = 	snop  }
0x5: {  	_ = 	snop  }
0x6: {  	_ = 	snop  }
0x7: {  	_ = 	snop  }
__scs_overlays_trampoline_lowered:
0x8: {  	[smem:$0x3FA5] =	sst s0  }
0x9: {  	[smem:$0x3FA6] =	sst s1  }
0xa: {  	[smem:$0x3FA7] =	sst s2  }
0xb: {  	[smem:$0x3FA8] =	sst s3  }
0xc: {  	[smem:$0x3FA9] =	sst s4  }
0xd: {  	[smem:$0x3FAA] =	sst s5  }
0xe: {  	[smem:$0x3FAB] =	sst s6  }
0xf: {  	[smem:$0x3FAC] =	sst s7  }
0x10: {  	[smem:$0x3FAD] =	sst s8  }
0x11: {  	[smem:$0x3FAE] =	sst s9;
	s0 =	simm.s32 @!p0 $0x0  }
0x12: {  	s1 =	sld [smem:$0x3F94];
	s0 =	simm.s32 @p0 $0x1  }
0x13: {  	[smem:$0x3FAF] =	sst s0;
	s0 =	simm.s32 @!p1 $0x0  }
0x14: {  	s2 =	sld [smem:$0x3F93];
	s0 =	simm.s32 @p1 $0x1  }
0x15: {  	[smem:$0x3FB0] =	sst s0;
	s0 =	simm.s32 @!p2 $0x0  }
0x16: {  	s3 =	sld [smem:$0x3FDB];
	s0 =	simm.s32 @p2 $0x1  }
0x17: {  	s4 =	simm.s32 $0x1BF5;
	[smem:$0x3FB2] =	sst s0  }
0x18: {  	s0 =	sld [smem:$0x3F95];
	_ =	swait.ge [sflag:s4], $0x0  }
0x19: {  	s7 =	sld [smem:$0x3F96]  }
0x1a: {  	s8 =	sadd.s32 $0xFFFFE003, lr  }
0x1b: {  	s9 =	sadd.s32 $0xFFFFFEF7, lr;
	s5 =	simm.s32 $0xFFFFFFFF;
	p2 =	slt.u32 s8, $0xFFFFF086  }
0x1c: {  	p1 =	slt.u32 s9, $0xF7A;
	s5 =	simm.s32 @!p2 $0x0  }
0x1d: {  	s5 =	simm.s32 @p1 $0x1;
	p0 =	seq.s32 s7, s2  }
0x1e: {  	s7 =	smul.u32 @!p0 $0xF7A, s2;
	p2 =	seq.s32 @!p0 s5, $0x0  }
0x1f: {  	s9 =	smul.u32 $0xF7A, s1;
	s8 =	simm.s32 @!p0 $0x1BF5;
	p2 =	por !p2, p0  }
0x20: {  	[sflag:s8] =	ssyncset.s32 @!p0 $0xFFFFF086;
	s6 =	sadd.s32 @!p0 s3, s7;
	s7 =	simm.s32 @!p0 $0x108  }
0x21: {  	s3 =	sadd.s32 s3, s9;
	s6 =	sadd.s32 @!p0 $0x88, s6;
	s7 =	simm.s32 @p2 $0x1082  }
0x22: {  	[simem:s7], [sflag:s8] =	dma.local @!p0 [hbm:s6], $0xF7A  }
0x23: {  	s9 =	sor.u32 $0xD0000000, s2;
	s6 =	simm.s32 $0x108;
	_ =	swait.ge @!p0 [sflag:s8], $0x0  }
0x24: {  	s3 =	sadd.s32 $0x88, s3;
	s6 =	simm.s32 @!p1 $0x1082;
	[sflag:s4] =	ssyncset.s32 $0xFFFFF086  }
0x25: {  	[simem:s6], [sflag:s4] =	dma.local [hbm:s3], $0xF7A  }
0x26: {  	[smem:$0x3F96] =	sst s1;
	(tag) =	ssettag s2;
	_ =	strace s9  }
0x27: {  	s1 =	sld [smem:$0x3FA6]  }
0x28: {  	s2 =	sld [smem:$0x3FA7]  }
0x29: {  	s4 =	sld [smem:$0x3FA9]  }
0x2a: {  	p0 =	seq.s32 s5, $0x0;
	s5 =	sld [smem:$0x3FAA]  }
0x2b: {  	s6 =	sld [smem:$0x3FAB]  }
0x2c: {  	s7 =	sld [smem:$0x3FAC]  }
0x2d: {  	s3 =	simm.s32 $0x108;
	s8 =	sld [smem:$0x3FAD]  }
0x2e: {  	s3 =	simm.s32 @!p0 $0x1082;
	s9 =	sld [smem:$0x3FAE]  }
0x2f: {  	lr =	sadd.s32 s0, s3;
	s0 =	sld [smem:$0x3FA5]  }
0x30: {  	s3 =	sld [smem:$0x3FA8]  }
0x31: {  	[smem:$0x3FB1] =	sst s10  }
0x32: {  	s10 =	sld [smem:$0x3FAF];
	_ =	sdelay $0x3  }
0x33: {  	p0 =	seq.s32 s10, $0x1;
	s10 =	sld [smem:$0x3FB1];
	_ =	sdelay $0x3  }
0x34: {  	[smem:$0x3FB1] =	sst s10  }
0x35: {  	s10 =	sld [smem:$0x3FB0];
	_ =	sdelay $0x3  }
0x36: {  	p1 =	seq.s32 s10, $0x1;
	s10 =	sld [smem:$0x3FB1];
	_ =	sdelay $0x3  }
0x37: {  	[smem:$0x3FB1] =	sst s10  }
0x38: {  	s10 =	sld [smem:$0x3FB2]  }
0x39: {  	_ = 	snop;
	(pc) =	sbr.ind lr, $3  }
0x3a: {  	_ = 	snop  }
0x3b: {  	_ = 	snop  }
0x3c: {  	p2 =	seq.s32 s10, $0x1;
	s10 =	sld [smem:$0x3FB1]  }
0x3d: {  	_ =	shalt  }
0x3e: {  	_ =	shalt  }
0x3f: {  	_ =	shalt  }
0x40: {  	_ =	shalt  }
0x41: {  	_ =	shalt  }
0x42: {  	_ =	shalt  }
0x43: {  	_ =	shalt  }
0x44: {  	_ =	shalt  }
0x45: {  	_ =	shalt  }
0x46: {  	_ =	shalt  }
0x47: {  	_ =	shalt  }
0x48: {  	_ =	shalt  }
0x49: {  	_ =	shalt  }
0x4a: {  	_ =	shalt  }
0x4b: {  	_ =	shalt  }
0x4c: {  	_ =	shalt  }
0x4d: {  	_ =	shalt  }
0x4e: {  	_ =	shalt  }
0x4f: {  	_ =	shalt  }
0x50: {  	_ =	shalt  }
0x51: {  	_ =	shalt  }
0x52: {  	_ =	shalt  }
0x53: {  	_ =	shalt  }
0x54: {  	_ =	shalt  }
0x55: {  	_ =	shalt  }
0x56: {  	_ =	shalt  }
0x57: {  	_ =	shalt  }
0x58: {  	_ =	shalt  }
0x59: {  	_ =	shalt  }
0x5a: {  	_ =	shalt  }
0x5b: {  	_ =	shalt  }
0x5c: {  	_ =	shalt  }
0x5d: {  	_ =	shalt  }
0x5e: {  	_ =	shalt  }
0x5f: {  	_ =	shalt  }
0x60: {  	_ =	shalt  }
0x61: {  	_ =	shalt  }
0x62: {  	_ =	shalt  }
0x63: {  	_ =	shalt  }
0x64: {  	_ =	shalt  }
0x65: {  	_ =	shalt  }
0x66: {  	_ =	shalt  }
0x67: {  	_ =	shalt  }
0x68: {  	_ =	shalt  }
0x69: {  	_ =	shalt  }
0x6a: {  	_ =	shalt  }
0x6b: {  	_ =	shalt  }
0x6c: {  	_ =	shalt  }
0x6d: {  	_ =	shalt  }
0x6e: {  	_ =	shalt  }
0x6f: {  	_ =	shalt  }
0x70: {  	_ =	shalt  }
0x71: {  	_ =	shalt  }
0x72: {  	_ =	shalt  }
0x73: {  	_ =	shalt  }
0x74: {  	_ =	shalt  }
0x75: {  	_ =	shalt  }
0x76: {  	_ =	shalt  }
0x77: {  	_ =	shalt  }
0x78: {  	_ =	shalt  }
0x79: {  	_ =	shalt  }
0x7a: {  	_ =	shalt  }
0x7b: {  	_ =	shalt  }
0x7c: {  	_ =	shalt  }
0x7d: {  	_ =	shalt  }
0x7e: {  	_ =	shalt  }
0x7f: {  	_ =	shalt  }
0x80: {  	_ =	shalt  }
0x81: {  	_ =	shalt  }
0x82: {  	_ =	shalt  }
0x83: {  	_ =	shalt  }
0x84: {  	_ =	shalt  }
0x85: {  	_ =	shalt  }
0x86: {  	_ =	shalt  }
0x87: {  	_ =	shalt  }
.Lfunc_end0:
.L_simem_size_0:
called_computation.2_lowered:
.L_overlay_start_0:
0x88: {  	s2 =	sld [smem:$0x3FD9]  }
0x89: {  	s3 =	sld [smem:$0x3FFE];
	_ =	sdelay $0x1  }
0x8a: {  	s1 =	srdreg.scid  }
0x8b: {  	s0 =	sand.u32 $0x1, s1  }
0x8c: {  	s17 =	sshll.u32 s0, $0xA;
	s2 =	sadd.s32 s3, s2  }
0x8d: {  	s2 =	sadd.s32 s2, s17  }
0x8e: {  	[smem:$0x3FBD] =	sst s2  }
0x8f: {  	_ = 	snop  }
0x90: {  	s2 =	sld [smem:$0x3FD0];
	(tm) =	ssettm $0x1  }
0x91: {  	s18 =	sld [smem:$0x3FFB];
	_ =	sdelay $0x3  }
0x92: {  	_ =	strace s18  }
0x93: {  	s3 =	sld [smem:$0x3FFC];
	_ =	sdelay $0x3  }
0x94: {  	_ =	strace s3  }
0x95: {  	s3 =	sld [smem:$0x3FFD];
	_ =	sdelay $0x3  }
0x96: {  	_ =	strace s3  }
0x97: {  	_ =	strace $0x8FFFFFFF  }
0x98: {  	s19 =	sld [smem:$0x3FDB];
	_ =	sdelay $0x1  }
0x99: {  	s4 =	simm.s32 $_scs_section_size  }
0x9a: {  	s5 =	simm.s32 $_size__tile_overlayer_lowered;
	s6 =	simm.s32 $_tile_overlayer_lowered  }
0x9b: {  	s22 =	simm.s32 $0x1BFF;
	s21 =	sshll.u32 s6, $0x1;
	s3 =	sadd.s32 s4, s19  }
0x9c: {  	s7 =	simm.s32 $0x0;
	s20 =	sshll.u32 s5, $0x1;
	s5 =	sadd.s32 s21, s3  }
0x9d: {  	[timem:s7], [sflag:s22] =	dma.local [hbm:s5], s20  }
0x9e: {  	_ =	swait.ge [sflag:s22], s20  }
0x9f: {  	s4 =	ssub.s32 $0x0, s20;
	[sflag:s22] =	ssyncset.done $0x0  }
0xa0: {  	[sflag:s22] =	ssyncadd.s32 s4;
	_ =	sdelay $0x1  }
0xa1: {  	s23 =	simm.s32 $0x1B8B  }
0xa2: {  	_ =	swait.ge [sflag:s23], $0x1  }
0xa3: {  	[sflag:s23] =	ssyncset.done $0x0  }
0xa4: {  	s25 =	simm.s32 $0x1B8E;
	s24 =	sld [smem:$0x3FFE];
	[sflag:s23] =	ssyncadd.s32 $0xFFFFFFFF  }
0xa5: {  	s26 =	simm.s32 $execute0_lowered;
	[smem:$0x3FD2] =	sst s25  }
0xa6: {  	s5 =	sshll.u32 s26, $0x1;
	_ =	strace $0x8000004C;
	[dreg:$0x1] =	wrdreg $0xFFFFFFFF  }
0xa7: {  	s28 =	simm.s32 $_size_execute0_lowered;
	s3 =	sadd.s32 s3, s5;
	[dreg:$0x0] =	wrdreg $0x0  }
0xa8: {  	s5 =	sshll.u32 s28, $0x1;
	[dreg:$0x2] =	wrdreg s3  }
0xa9: {  	[dreg:$0x3] =	wrdreg s5  }
0xaa: {  	[dreg:$0x4] =	wrdreg $0xC0  }
0xab: {  	_ =	task [dreg:s7], $0x5FFFF  }
0xac: {  	[dreg:$0x1] =	wrdreg $0xFFFFFFFF  }
0xad: {  	[dreg:$0x0] =	wrdreg $0x60  }
0xae: {  	[dreg:$0x2] =	wrdreg s2  }
0xaf: {  	[dreg:$0x3] =	wrdreg s24  }
0xb0: {  	[dreg:$0x4] =	wrdreg $0xBA000  }
0xb1: {  	[dreg:$0x5] =	wrdreg $0x9  }
0xb2: {  	_ =	task.clear_ibuf [dreg:s7], $0x6FFFF;
	_ =	strace $0x9000004C  }
0xb3: {  	s29 =	simm.s32 $0x9;
	_ =	strace $0x8000004E  }
0xb4: {  	_ =	swait.ge [sflag:s29], $0x1  }
0xb5: {  	[sflag:s29] =	ssyncadd.s32 $0xFFFFFFFF  }
0xb6: {  	_ =	strace $0x9000004E  }
0xb7: {  	_ =	sfence  }
0xb8: {  	s30 =	sld [smem:$0x0];
	_ =	sdelay $0x2  }
0xb9: {  	s31 =	sshll.u32 s1, $0xD;
	s1 =	sshrl.u32 s1, $0x2  }
0xba: {  	s3 =	sand.u32 $0x4000, s31;
	s1 =	sadd.s32 s1, s30  }
0xbb: {  	s0 =	sor.u32 s3, s0;
	s1 =	sshll.u32 s1, $0x11  }
0xbc: {  	s0 =	sor.u32 s1, s0  }
0xbd: {  	s0 =	sadd.s32 $0x8F2B, s0  }
0xbe: {  	[sflag:s0] =	ssyncadd.remote.s32 $0x1  }
0xbf: {  	_ =	sfence.sel $0xFFFF  }
0xc0: {  	[dreg:$0x0] =	wrdreg $0xFFFFFFFF;
	(pc) =	sbr.abs _section_cstart, $3  }
0xc1: {  	[dreg:$0x1] =	wrdreg $0xFFFFFFFF  }
0xc2: {  	_ =	task.clear_ibuf [dreg:s7], $0x2FFFF;
	_ =	strace $0x9FFFFFFF  }
0xc3: {  	(tm) =	ssettm $0x7FFFFFFF  }
tec
execute0_lowered:
.L_overlay_start_1:
0x0: {  	(tag) =	ssettag $0x1  }
0x1: {  	s1 =	rddreg [dreg:$0x0]  }
0x2: {  	s0 =	rddreg [dreg:$0x1];
	s2 =	srdreg.scid  }
0x3: {  	s3 =	rddreg [dreg:$0x2];
	s21 =	stileid.u32;
	s4 =	simm.s32 $0x0  }
0x4: {  	s17 =	simm.s32 $0x5200;
	s18 =	simm.s32 $0x5;
	s19 =	simm.s32 $0x50  }
0x5: {  	s20 =	simm.s32 $0x100;
	s28 =	simm.s32 $0x3;
	s9 =	smul.u32 $0x270, s21  }
0x6: {  	s29 =	simm.s32 $0x4;
	s30 =	simm.s32 $0x0;
	s11 =	smul.u32 $0x4E000, s21  }
0x7: {  	s7 =	sand.u32 $0x1, s2;
	[smem:$0x7FF] =	sst s4;
	s26 =	smul.u32 $0x7D, s21  }
0x8: {  	s13 =	sadd.s32 $0x3600, s0;
	s0 =	sadd.s32 $0x22A00, s0;
	s14 =	smul.u32 $0x2710, s7  }
0x9: {  	p0 =	sne.s32 s21, $0xF;
	s5 =	sshll.u32 s7, $0x4;
	s24 =	smul.u32 $0x138800, s7  }
0xa: {  	s8 =	ssub.s32 $0x2, s7;
	s15 =	smul.u32 $0x7D0, s7;
	s5 =	sor.u32 s21, s5  }
0xb: {  	_ =	strace $0x8000004D;
	s22 =	sshrl.u32 s8, $0x1;
	s6 =	smul.u32 $0xFA0, s5  }
0xc: {  	s25 =	sshrl.u32 s11, $0x2;
	s21 =	simm.s32 $0x1;
	s10 =	smul.u32 $0x7D00, s5  }
0xd: {  	s12 =	ssub.s32 s8, s22;
	s5 =	sadd.s32 $0x138000, s3;
	s9 =	sadd.s32 s9, s14  }
0xe: {  	s11 =	sadd.s32 s26, s15;
	s22 =	simm.s32 $0x80;
	s26 =	simm.s32 $0x2980  }
0xf: {  	s9 =	sshll.u32 s9, $0x4;
	s31 =	sshll.u32 s11, $0x5;
	s11 =	smax.u32 s12, $0x1  }
0x10: {  	s23 =	sshrl.u32 s10, $0x3;
	s6 =	sadd.s32 s13, s6;
	s10 =	sshrl.u32 s24, $0x3  }
0x11: {  	s9 =	sadd.s32 s0, s9;
	s24 =	simm.s32 $0x2A00;
	s8 =	sadd.s32 s13, s23  }
0x12: {  	s10 =	sadd.s32 s0, s10;
	s0 =	sadd.s32 s31, s13;
	s14 =	sadd.s32 $0xF80, s6  }
0x13: {  	s23 =	simm.s32 $0x2900;
	s7 =	sadd.s32 $0x20, s8;
	s8 =	sadd.s32 s25, s3  }
0x14: {  	s10 =	sadd.s32 $0x27000, s10;
	s15 =	sadd.s32 $0x40, s0;
	s16 =	sadd.s32 $0x60, s0  }
0x15: {  	v0 =	vimm.f32 $0.0e+00;
	s25 =	simm.s32 $0x2;
	s12 =	sadd.s32 $0x6800, s8;
	s13 =	sadd.s32 $0xD000, s8  }
.LBB2_1:
0x16: {  	s31 =	simm.s32 $0x70;
	s0 =	simm.s32 $0x3C0  }
.LBB2_2:
0x17: {  	p1 =	sne.s32 s0, $0x19FC0;
	[tilespmem:s31+$0x5200] =	vst v0  }
0x18: {  	[tilespmem:s31+$0x5190] =	vst v0  }
0x19: {  	[tilespmem:s31+$0x51A0] =	vst v0  }
.Ltmp0:
0x1a: {  	[tilespmem:s31+$0x51B0] =	vst v0;
	(pc) =	sbr.rel @p1 .LBB2_2-.Ltmp0, $4  }
0x1b: {  	[tilespmem:s31+$0x51C0] =	vst v0  }
0x1c: {  	[tilespmem:s31+$0x51D0] =	vst v0  }
0x1d: {  	[tilespmem:s31+$0x51E0] =	vst v0  }
0x1e: {  	[tilespmem:s31+$0x51F0] =	vst v0;
	s31 =	sshra.s32 s0, $0x2;
	s0 =	sadd.s32 $0x200, s0  }
0x1f: {  	[tilespmem:s31+$0x5200] =	vst v0  }
0x20: {  	[tilespmem:s31+$0x5190] =	vst v0  }
0x21: {  	[tilespmem:s31+$0x51A0] =	vst v0  }
0x22: {  	[tilespmem:s31+$0x51B0] =	vst v0  }
0x23: {  	[tilespmem:s31+$0x51C0] =	vst v0  }
0x24: {  	[tilespmem:s31+$0x51D0] =	vst v0  }
0x25: {  	[tilespmem:s31+$0x51E0] =	vst v0  }
0x26: {  	[tilespmem:s31+$0x51F0] =	vst v0  }
0x27: {  	[spmem:s8] =	stream.linear.scatter [tilespmem:s17], [sflag:$0x5], $0x6800, $0x38;
	[tilespmem:$0x1F280] =	vst v63  }
0x28: {  	_ =	swait.ge [sflag:s18], $0x6800  }
0x29: {  	[sflag:s18] =	ssyncset.done $0x0  }
0x2a: {  	[sflag:s18] =	ssyncadd.s32 $0xFFFF9800  }
0x2b: {  	[spmem:s12] =	stream.linear.scatter [tilespmem:s17], [sflag:$0x5], $0x6800, $0x38;
	[tilespmem:$0x1F280] =	vst v63  }
0x2c: {  	_ =	swait.ge [sflag:s18], $0x6800  }
0x2d: {  	[sflag:s18] =	ssyncset.done $0x0  }
0x2e: {  	[sflag:s18] =	ssyncadd.s32 $0xFFFF9800  }
0x2f: {  	[spmem:s13] =	stream.linear.scatter [tilespmem:s17], [sflag:$0x5], $0x6800, $0x38;
	[tilespmem:$0x1F280] =	vst v63  }
0x30: {  	_ =	swait.ge [sflag:s18], $0x6800  }
0x31: {  	[sflag:s18] =	ssyncset.done $0x0  }
0x32: {  	s0 =	simm.s32 @!p0 $0x5200;
	[sflag:s18] =	ssyncadd.s32 $0xFFFF9800  }
0x33: {  	[spmem:s5] =	stream.linear.scatter @!p0 [tilespmem:s0], [sflag:$0x5], $0x800, $0x38;
	[tilespmem:$0x1F280] =	vst v63  }
0x34: {  	s0 =	simm.s32 @!p0 $0x5  }
0x35: {  	_ =	swait.ge @!p0 [sflag:s0], $0x800  }
0x36: {  	[sflag:s0] =	ssyncset.done @!p0 $0x0  }
0x37: {  	[sflag:s0] =	ssyncadd.s32 @!p0 $0xFFFFF800  }
0x38: {  	s2 =	simm.s32 $0x0;
	[bflag:$0x0] =	sbarrier.arrive $0xFFFF  }
0x39: {  	[tilespmem:s2], [sflag:$0x5] =	stream.linear.gather [hbm4b:s6+s2], $0x100, $0x38;
	[tilespmem:$0x1F280] =	vst v63  }
0x3a: {  	_ =	swait.ge [sflag:s18], $0x100  }
0x3b: {  	[sflag:s18] =	ssyncset.done $0x0  }
0x3c: {  	[sflag:s18] =	ssyncadd.s32 $0xFFFFFF00  }
0x3d: {  	[tilespmem:s20], [sflag:$0x1] =	stream.indirect.gather [hbm4b:s1+s19], $0x80, s2, s19, $0xb8;
	[tilespmem:$0x1F280] =	vst v63  }
0x3e: {  	_ =	swait.ge [sflag:s21], $0x2800  }
0x3f: {  	[sflag:s21] =	ssyncset.done $0x0  }
0x40: {  	[sflag:s21] =	ssyncadd.s32 $0xFFFFD800  }
0x41: {  	[spmem:s3] =	stream.indirect.scatter.add.f32 [tilespmem:s20], [sflag:$0x3], $0x80, s22, s19, $0xb8;
	[tilespmem:$0x1F280] =	vst v63  }
0x42: {  	_ = 	snop  }
0x43: {  	[tilespmem:s23], [sflag:$0x5] =	stream.linear.gather [hbm4b:s7+s2], $0x100, $0x38;
	[tilespmem:$0x1F280] =	vst v63  }
0x44: {  	_ =	swait.ge [sflag:s18], $0x100  }
0x45: {  	[sflag:s18] =	ssyncset.done $0x0  }
0x46: {  	[sflag:s18] =	ssyncadd.s32 $0xFFFFFF00  }
0x47: {  	[tilespmem:s24], [sflag:$0x2] =	stream.indirect.gather [hbm4b:s1+s19], $0x80, s23, s19, $0xb8;
	[tilespmem:$0x1F280] =	vst v63  }
0x48: {  	_ =	swait.ge [sflag:s25], $0x2800  }
0x49: {  	[sflag:s25] =	ssyncset.done $0x0  }
0x4a: {  	[sflag:s25] =	ssyncadd.s32 $0xFFFFD800  }
0x4b: {  	[spmem:s3] =	stream.indirect.scatter.add.f32 [tilespmem:s24], [sflag:$0x4], $0x80, s26, s19, $0xb8;
	[tilespmem:$0x1F280] =	vst v63  }
0x4c: {  	_ =	swait.ge [sflag:s28], $0x2800  }
0x4d: {  	[sflag:s28] =	ssyncset.done $0x0  }
0x4e: {  	s2 =	sadd.s32 $0x0, s15;
	[sflag:s28] =	ssyncadd.s32 $0xFFFFD800  }
0x4f: {  	[tilespmem:s4], [sflag:$0x5] =	stream.linear.gather [hbm4b:s2+s4], $0x100, $0x38;
	[tilespmem:$0x1F280] =	vst v63  }
0x50: {  	_ =	swait.ge [sflag:s18], $0x100  }
0x51: {  	[sflag:s18] =	ssyncset.done $0x0  }
0x52: {  	[sflag:s18] =	ssyncadd.s32 $0xFFFFFF00  }
0x53: {  	[tilespmem:s20], [sflag:$0x1] =	stream.indirect.gather [hbm4b:s1+s19], $0x80, s4, s19, $0xb8;
	[tilespmem:$0x1F280] =	vst v63  }
0x54: {  	_ =	swait.ge [sflag:s21], $0x2800  }
0x55: {  	[sflag:s21] =	ssyncset.done $0x0  }
0x56: {  	[sflag:s21] =	ssyncadd.s32 $0xFFFFD800  }
0x57: {  	[spmem:s3] =	stream.indirect.scatter.add.f32 [tilespmem:s20], [sflag:$0x3], $0x80, s22, s19, $0xb8;
	[tilespmem:$0x1F280] =	vst v63  }
0x58: {  	_ =	swait.ge [sflag:s29], $0x2800  }
0x59: {  	[sflag:s29] =	ssyncset.done $0x0  }
0x5a: {  	s2 =	sadd.s32 $0x0, s16;
	[sflag:s29] =	ssyncadd.s32 $0xFFFFD800  }
0x5b: {  	[tilespmem:s23], [sflag:$0x5] =	stream.linear.gather [hbm4b:s2+s4], $0x100, $0x38;
	[tilespmem:$0x1F280] =	vst v63  }
0x5c: {  	_ =	swait.ge [sflag:s18], $0x100  }
0x5d: {  	[sflag:s18] =	ssyncset.done $0x0  }
0x5e: {  	s31 =	simm.s32 $0x40;
	[sflag:s18] =	ssyncadd.s32 $0xFFFFFF00  }
.LBB2_4:
0x5f: {  	[tilespmem:s24], [sflag:$0x2] =	stream.indirect.gather [hbm4b:s1+s19], $0x80, s23, s19, $0xb8;
	[tilespmem:$0x1F280] =	vst v63  }
0x60: {  	s0 =	smov.u32 s31  }
0x61: {  	p1 =	sne.s32 s31, $0xF00;
	s31 =	sadd.s32 $0x40, s31;
	_ =	swait.ge [sflag:s25], $0x2800  }
0x62: {  	[sflag:s25] =	ssyncset.done $0x0  }
0x63: {  	[sflag:s25] =	ssyncadd.s32 $0xFFFFD800  }
0x64: {  	[spmem:s3] =	stream.indirect.scatter.add.f32 [tilespmem:s24], [sflag:$0x4], $0x80, s26, s19, $0xb8;
	[tilespmem:$0x1F280] =	vst v63  }
0x65: {  	_ =	swait.ge [sflag:s28], $0x2800  }
0x66: {  	[sflag:s28] =	ssyncset.done $0x0  }
0x67: {  	s2 =	sadd.s32 s0, s15;
	[sflag:s28] =	ssyncadd.s32 $0xFFFFD800  }
0x68: {  	[tilespmem:s4], [sflag:$0x5] =	stream.linear.gather [hbm4b:s2+s4], $0x100, $0x38;
	[tilespmem:$0x1F280] =	vst v63  }
0x69: {  	_ =	swait.ge [sflag:s18], $0x100  }
0x6a: {  	[sflag:s18] =	ssyncset.done $0x0  }
0x6b: {  	[sflag:s18] =	ssyncadd.s32 $0xFFFFFF00  }
0x6c: {  	[tilespmem:s20], [sflag:$0x1] =	stream.indirect.gather [hbm4b:s1+s19], $0x80, s4, s19, $0xb8;
	[tilespmem:$0x1F280] =	vst v63  }
0x6d: {  	_ =	swait.ge [sflag:s21], $0x2800  }
0x6e: {  	[sflag:s21] =	ssyncset.done $0x0  }
0x6f: {  	[sflag:s21] =	ssyncadd.s32 $0xFFFFD800  }
0x70: {  	[spmem:s3] =	stream.indirect.scatter.add.f32 [tilespmem:s20], [sflag:$0x3], $0x80, s22, s19, $0xb8;
	[tilespmem:$0x1F280] =	vst v63  }
0x71: {  	_ =	swait.ge [sflag:s29], $0x2800  }
0x72: {  	[sflag:s29] =	ssyncset.done $0x0  }
.Ltmp1:
0x73: {  	s0 =	sadd.s32 s0, s16;
	[sflag:s29] =	ssyncadd.s32 $0xFFFFD800;
	(pc) =	sbr.rel @p1 .LBB2_4-.Ltmp1, $4  }
0x74: {  	[tilespmem:s23], [sflag:$0x5] =	stream.linear.gather [hbm4b:s0+s4], $0x100, $0x38;
	[tilespmem:$0x1F280] =	vst v63  }
0x75: {  	_ =	swait.ge [sflag:s18], $0x100  }
0x76: {  	[sflag:s18] =	ssyncset.done $0x0  }
0x77: {  	[sflag:s18] =	ssyncadd.s32 $0xFFFFFF00  }
0x78: {  	[tilespmem:s24], [sflag:$0x2] =	stream.indirect.gather [hbm4b:s1+s19], $0x80, s23, s19, $0xb8;
	[tilespmem:$0x1F280] =	vst v63  }
0x79: {  	_ =	swait.ge [sflag:s25], $0x2800  }
0x7a: {  	[sflag:s25] =	ssyncset.done $0x0  }
0x7b: {  	[sflag:s25] =	ssyncadd.s32 $0xFFFFD800  }
0x7c: {  	[spmem:s3] =	stream.indirect.scatter.add.f32 [tilespmem:s24], [sflag:$0x4], $0x80, s26, s19, $0xb8;
	[tilespmem:$0x1F280] =	vst v63  }
0x7d: {  	_ =	swait.ge [sflag:s28], $0x2800  }
0x7e: {  	[sflag:s28] =	ssyncset.done $0x0  }
0x7f: {  	[sflag:s28] =	ssyncadd.s32 $0xFFFFD800  }
0x80: {  	[tilespmem:s4], [sflag:$0x5] =	stream.linear.gather [hbm4b:s14+s4], $0x100, $0x38;
	[tilespmem:$0x1F280] =	vst v63  }
0x81: {  	_ =	swait.ge [sflag:s18], $0x100  }
0x82: {  	[sflag:s18] =	ssyncset.done $0x0  }
0x83: {  	[sflag:s18] =	ssyncadd.s32 $0xFFFFFF00  }
0x84: {  	[tilespmem:s20], [sflag:$0x1] =	stream.indirect.gather [hbm4b:s1+s19], $0x80, s4, s19, $0xb8;
	[tilespmem:$0x1F280] =	vst v63  }
0x85: {  	_ =	swait.ge [sflag:s21], $0x2800  }
0x86: {  	[sflag:s21] =	ssyncset.done $0x0  }
0x87: {  	[sflag:s21] =	ssyncadd.s32 $0xFFFFD800  }
0x88: {  	[spmem:s3] =	stream.indirect.scatter.add.f32 [tilespmem:s20], [sflag:$0x3], $0x80, s22, s19, $0xb8;
	[tilespmem:$0x1F280] =	vst v63  }
0x89: {  	_ =	swait.ge [sflag:s29], $0x2800  }
0x8a: {  	[sflag:s29] =	ssyncset.done $0x0  }
0x8b: {  	[sflag:s29] =	ssyncadd.s32 $0xFFFFD800  }
0x8c: {  	[tilespmem:s23], [sflag:$0x5] =	stream.linear.gather [hbm4b:s14+s4], $0x100, $0x38;
	[tilespmem:$0x1F280] =	vst v63  }
0x8d: {  	_ =	swait.ge [sflag:s18], $0x100  }
0x8e: {  	[sflag:s18] =	ssyncset.done $0x0  }
0x8f: {  	[sflag:s18] =	ssyncadd.s32 $0xFFFFFF00  }
0x90: {  	[tilespmem:s24], [sflag:$0x2] =	stream.indirect.gather [hbm4b:s1+s19], $0x80, s23, s19, $0xb8;
	[tilespmem:$0x1F280] =	vst v63  }
0x91: {  	_ =	swait.ge [sflag:s28], $0x2800  }
0x92: {  	[sflag:s28] =	ssyncset.done $0x0  }
0x93: {  	[sflag:s28] =	ssyncadd.s32 $0xFFFFD800  }
0x94: {  	_ =	swait.ge [sflag:s25], $0x2800  }
0x95: {  	s0 =	stileid.u32;
	[sflag:s25] =	ssyncset.done $0x0  }
0x96: {  	s0 =	sshll.u32 s0, $0x6;
	[sflag:s25] =	ssyncadd.s32 $0xFFFFD800  }
0x97: {  	s2 =	sshrl.u32 s8, $0x3;
	s0 =	sor.u32 $0x1C05, s0;
	[bflag:$0x0] =	sbarrier.arrive $0xFFFF  }
0x98: {  	[hbm:s9], [sflag:s0] =	dma.local [spmem:s2], $0x2700  }
0x99: {  	_ =	swait.ge [sflag:s18], $0x2700  }
0x9a: {  	s30 =	sadd.s32 $0x1, s30;
	[sflag:s18] =	ssyncset.done $0x0  }
0x9b: {  	p1 =	sne.s32 s30, s11;
	s2 =	sshrl.u32 @!p0 s5, $0x3;
	[sflag:s18] =	ssyncadd.s32 $0xFFFFD900  }
0x9c: {  	[hbm:s10], [sflag:s0] =	dma.local @!p0 [spmem:s2], $0x100  }
.Ltmp2:
0x9d: {  	_ = 	snop;
	(pc) =	sbr.rel @p1 .LBB2_1-.Ltmp2, $4  }
0x9e: {  	s0 =	simm.s32 @!p0 $0x5  }
0x9f: {  	_ =	swait.ge @!p0 [sflag:s0], $0x100  }
0xa0: {  	[sflag:s0] =	ssyncset.done @!p0 $0x0  }
0xa1: {  	[sflag:s0] =	ssyncadd.s32 @!p0 $0xFFFFFF00  }
0xa2: {  	_ =	sfence.sel $0x180000  }
0xa3: {  	[bflag:$0x0] =	sbarrier.arrive $0xFFFF  }
0xa4: {  	_ =	strace $0x9000004D  }
0xa5: {  	s0 =	stileid.u32;
	[bflag:$0x2] =	sbarrier.arrive $0xFFFF  }
0xa6: {  	p0 =	sne.s32 s0, $0x0;
	s0 =	rddreg [dreg:$0x3]  }
0xa7: {  	s0 =	sadd.s32 @!p0 $0x100000, s0  }
0xa8: {  	[sflag:s0] =	ssyncadd.tile.s32 @!p0 $0x1;
	_ =	shalt  }
.Lfunc_end2:
_tile_overlayer_lowered:
.L_overlay_start_2:
0xa9: {  	(tag) =	ssettag $0x2  }
0xaa: {  	s0 =	rddreg [dreg:$0x0];
	s2 =	stileid.u32  }
0xab: {  	s1 =	rddreg [dreg:$0x1];
	p0 =	sne.s32 s2, $0x0  }
0xac: {  	s3 =	rddreg [dreg:$0x2];
	[bflag:$0x3] =	sbarrier.arrive $0xFFFF;
	s2 =	simm.s32 @!p0 $0x1C05  }
0xad: {  	[timem:s3], [sflag:s2] =	dma.local @!p0 [hbm:s0], s1  }
0xae: {  	s0 =	simm.s32 @!p0 $0x5  }
0xaf: {  	_ =	swait.ge @!p0 [sflag:s0], s1  }
0xb0: {  	s1 =	ssub.s32 @!p0 $0x0, s1;
	[sflag:s0] =	ssyncset.done @!p0 $0x0  }
0xb1: {  	[sflag:s0] =	ssyncadd.s32 @!p0 s1  }
0xb2: {  	[bflag:$0x3] =	sbarrier.arrive $0xFFFF  }
0xb3: {  	_ =	shalt  }

// kernel: kernel.18.cloned.1.call-start
scs
__scs_entry_jumppad:
0x0: {  	(pc) =	sbr.rel $0x88, $3  }
0x1: {  	(tag) =	ssettag $0x0;
	lr =	simm.s32 $0x1  }
0x2: {  	[smem:$0x3F96] =	sst lr;
	_ =	strace $0xD0000000  }
0x3: {  	_ = 	snop  }
0x4: {  	_ = 	snop  }
0x5: {  	_ = 	snop  }
0x6: {  	_ = 	snop  }
0x7: {  	_ = 	snop  }
__scs_overlays_trampoline_lowered:
0x8: {  	[smem:$0x3FA5] =	sst s0  }
0x9: {  	[smem:$0x3FA6] =	sst s1  }
0xa: {  	[smem:$0x3FA7] =	sst s2  }
0xb: {  	[smem:$0x3FA8] =	sst s3  }
0xc: {  	[smem:$0x3FA9] =	sst s4  }
0xd: {  	[smem:$0x3FAA] =	sst s5  }
0xe: {  	[smem:$0x3FAB] =	sst s6  }
0xf: {  	[smem:$0x3FAC] =	sst s7  }
0x10: {  	[smem:$0x3FAD] =	sst s8  }
0x11: {  	[smem:$0x3FAE] =	sst s9;
	s0 =	simm.s32 @!p0 $0x0  }
0x12: {  	s1 =	sld [smem:$0x3F94];
	s0 =	simm.s32 @p0 $0x1  }
0x13: {  	[smem:$0x3FAF] =	sst s0;
	s0 =	simm.s32 @!p1 $0x0  }
0x14: {  	s2 =	sld [smem:$0x3F93];
	s0 =	simm.s32 @p1 $0x1  }
0x15: {  	[smem:$0x3FB0] =	sst s0;
	s0 =	simm.s32 @!p2 $0x0  }
0x16: {  	s3 =	sld [smem:$0x3FDB];
	s0 =	simm.s32 @p2 $0x1  }
0x17: {  	s4 =	simm.s32 $0x1BF5;
	[smem:$0x3FB2] =	sst s0  }
0x18: {  	s0 =	sld [smem:$0x3F95];
	_ =	swait.ge [sflag:s4], $0x0  }
0x19: {  	s7 =	sld [smem:$0x3F96]  }
0x1a: {  	s8 =	sadd.s32 $0xFFFFE003, lr  }
0x1b: {  	s9 =	sadd.s32 $0xFFFFFEF7, lr;
	s5 =	simm.s32 $0xFFFFFFFF;
	p2 =	slt.u32 s8, $0xFFFFF086  }
0x1c: {  	p1 =	slt.u32 s9, $0xF7A;
	s5 =	simm.s32 @!p2 $0x0  }
0x1d: {  	s5 =	simm.s32 @p1 $0x1;
	p0 =	seq.s32 s7, s2  }
0x1e: {  	s7 =	smul.u32 @!p0 $0xF7A, s2;
	p2 =	seq.s32 @!p0 s5, $0x0  }
0x1f: {  	s9 =	smul.u32 $0xF7A, s1;
	s8 =	simm.s32 @!p0 $0x1BF5;
	p2 =	por !p2, p0  }
0x20: {  	[sflag:s8] =	ssyncset.s32 @!p0 $0xFFFFF086;
	s6 =	sadd.s32 @!p0 s3, s7;
	s7 =	simm.s32 @!p0 $0x108  }
0x21: {  	s3 =	sadd.s32 s3, s9;
	s6 =	sadd.s32 @!p0 $0x88, s6;
	s7 =	simm.s32 @p2 $0x1082  }
0x22: {  	[simem:s7], [sflag:s8] =	dma.local @!p0 [hbm:s6], $0xF7A  }
0x23: {  	s9 =	sor.u32 $0xD0000000, s2;
	s6 =	simm.s32 $0x108;
	_ =	swait.ge @!p0 [sflag:s8], $0x0  }
0x24: {  	s3 =	sadd.s32 $0x88, s3;
	s6 =	simm.s32 @!p1 $0x1082;
	[sflag:s4] =	ssyncset.s32 $0xFFFFF086  }
0x25: {  	[simem:s6], [sflag:s4] =	dma.local [hbm:s3], $0xF7A  }
0x26: {  	[smem:$0x3F96] =	sst s1;
	(tag) =	ssettag s2;
	_ =	strace s9  }
0x27: {  	s1 =	sld [smem:$0x3FA6]  }
0x28: {  	s2 =	sld [smem:$0x3FA7]  }
0x29: {  	s4 =	sld [smem:$0x3FA9]  }
0x2a: {  	p0 =	seq.s32 s5, $0x0;
	s5 =	sld [smem:$0x3FAA]  }
0x2b: {  	s6 =	sld [smem:$0x3FAB]  }
0x2c: {  	s7 =	sld [smem:$0x3FAC]  }
0x2d: {  	s3 =	simm.s32 $0x108;
	s8 =	sld [smem:$0x3FAD]  }
0x2e: {  	s3 =	simm.s32 @!p0 $0x1082;
	s9 =	sld [smem:$0x3FAE]  }
0x2f: {  	lr =	sadd.s32 s0, s3;
	s0 =	sld [smem:$0x3FA5]  }
0x30: {  	s3 =	sld [smem:$0x3FA8]  }
0x31: {  	[smem:$0x3FB1] =	sst s10  }
0x32: {  	s10 =	sld [smem:$0x3FAF];
	_ =	sdelay $0x3  }
0x33: {  	p0 =	seq.s32 s10, $0x1;
	s10 =	sld [smem:$0x3FB1];
	_ =	sdelay $0x3  }
0x34: {  	[smem:$0x3FB1] =	sst s10  }
0x35: {  	s10 =	sld [smem:$0x3FB0];
	_ =	sdelay $0x3  }
0x36: {  	p1 =	seq.s32 s10, $0x1;
	s10 =	sld [smem:$0x3FB1];
	_ =	sdelay $0x3  }
0x37: {  	[smem:$0x3FB1] =	sst s10  }
0x38: {  	s10 =	sld [smem:$0x3FB2]  }
0x39: {  	_ = 	snop;
	(pc) =	sbr.ind lr, $3  }
0x3a: {  	_ = 	snop  }
0x3b: {  	_ = 	snop  }
0x3c: {  	p2 =	seq.s32 s10, $0x1;
	s10 =	sld [smem:$0x3FB1]  }
0x3d: {  	_ =	shalt  }
0x3e: {  	_ =	shalt  }
0x3f: {  	_ =	shalt  }
0x40: {  	_ =	shalt  }
0x41: {  	_ =	shalt  }
0x42: {  	_ =	shalt  }
0x43: {  	_ =	shalt  }
0x44: {  	_ =	shalt  }
0x45: {  	_ =	shalt  }
0x46: {  	_ =	shalt  }
0x47: {  	_ =	shalt  }
0x48: {  	_ =	shalt  }
0x49: {  	_ =	shalt  }
0x4a: {  	_ =	shalt  }
0x4b: {  	_ =	shalt  }
0x4c: {  	_ =	shalt  }
0x4d: {  	_ =	shalt  }
0x4e: {  	_ =	shalt  }
0x4f: {  	_ =	shalt  }
0x50: {  	_ =	shalt  }
0x51: {  	_ =	shalt  }
0x52: {  	_ =	shalt  }
0x53: {  	_ =	shalt  }
0x54: {  	_ =	shalt  }
0x55: {  	_ =	shalt  }
0x56: {  	_ =	shalt  }
0x57: {  	_ =	shalt  }
0x58: {  	_ =	shalt  }
0x59: {  	_ =	shalt  }
0x5a: {  	_ =	shalt  }
0x5b: {  	_ =	shalt  }
0x5c: {  	_ =	shalt  }
0x5d: {  	_ =	shalt  }
0x5e: {  	_ =	shalt  }
0x5f: {  	_ =	shalt  }
0x60: {  	_ =	shalt  }
0x61: {  	_ =	shalt  }
0x62: {  	_ =	shalt  }
0x63: {  	_ =	shalt  }
0x64: {  	_ =	shalt  }
0x65: {  	_ =	shalt  }
0x66: {  	_ =	shalt  }
0x67: {  	_ =	shalt  }
0x68: {  	_ =	shalt  }
0x69: {  	_ =	shalt  }
0x6a: {  	_ =	shalt  }
0x6b: {  	_ =	shalt  }
0x6c: {  	_ =	shalt  }
0x6d: {  	_ =	shalt  }
0x6e: {  	_ =	shalt  }
0x6f: {  	_ =	shalt  }
0x70: {  	_ =	shalt  }
0x71: {  	_ =	shalt  }
0x72: {  	_ =	shalt  }
0x73: {  	_ =	shalt  }
0x74: {  	_ =	shalt  }
0x75: {  	_ =	shalt  }
0x76: {  	_ =	shalt  }
0x77: {  	_ =	shalt  }
0x78: {  	_ =	shalt  }
0x79: {  	_ =	shalt  }
0x7a: {  	_ =	shalt  }
0x7b: {  	_ =	shalt  }
0x7c: {  	_ =	shalt  }
0x7d: {  	_ =	shalt  }
0x7e: {  	_ =	shalt  }
0x7f: {  	_ =	shalt  }
0x80: {  	_ =	shalt  }
0x81: {  	_ =	shalt  }
0x82: {  	_ =	shalt  }
0x83: {  	_ =	shalt  }
0x84: {  	_ =	shalt  }
0x85: {  	_ =	shalt  }
0x86: {  	_ =	shalt  }
0x87: {  	_ =	shalt  }
.Lfunc_end0:
.L_simem_size_0:
called_computation.3_lowered:
.L_overlay_start_0:
0x88: {  	s2 =	sld [smem:$0x3FD9]  }
0x89: {  	s3 =	sld [smem:$0x3FFE];
	_ =	sdelay $0x1  }
0x8a: {  	s1 =	srdreg.scid  }
0x8b: {  	s0 =	sand.u32 $0x1, s1  }
0x8c: {  	s17 =	sshll.u32 s0, $0xA;
	s2 =	sadd.s32 s3, s2  }
0x8d: {  	s2 =	sadd.s32 s2, s17  }
0x8e: {  	[smem:$0x3FBD] =	sst s2  }
0x8f: {  	_ = 	snop  }
0x90: {  	s2 =	sld [smem:$0x3FD0];
	(tm) =	ssettm $0x1  }
0x91: {  	s18 =	sld [smem:$0x3FFB];
	_ =	sdelay $0x3  }
0x92: {  	_ =	strace s18  }
0x93: {  	s3 =	sld [smem:$0x3FFC];
	_ =	sdelay $0x3  }
0x94: {  	_ =	strace s3  }
0x95: {  	s3 =	sld [smem:$0x3FFD];
	_ =	sdelay $0x3  }
0x96: {  	_ =	strace s3  }
0x97: {  	_ =	strace $0x8FFFFFFF  }
0x98: {  	s19 =	sld [smem:$0x3FDB];
	_ =	sdelay $0x1  }
0x99: {  	s4 =	simm.s32 $_scs_section_size  }
0x9a: {  	s5 =	simm.s32 $_size__tile_overlayer_lowered;
	s6 =	simm.s32 $_tile_overlayer_lowered  }
0x9b: {  	s22 =	simm.s32 $0x1BFF;
	s21 =	sshll.u32 s6, $0x1;
	s3 =	sadd.s32 s4, s19  }
0x9c: {  	s7 =	simm.s32 $0x0;
	s20 =	sshll.u32 s5, $0x1;
	s5 =	sadd.s32 s21, s3  }
0x9d: {  	[timem:s7], [sflag:s22] =	dma.local [hbm:s5], s20  }
0x9e: {  	_ =	swait.ge [sflag:s22], s20  }
0x9f: {  	s4 =	ssub.s32 $0x0, s20;
	[sflag:s22] =	ssyncset.done $0x0  }
0xa0: {  	[sflag:s22] =	ssyncadd.s32 s4;
	_ =	sdelay $0x1  }
0xa1: {  	s23 =	simm.s32 $0x1B8B  }
0xa2: {  	_ =	swait.ge [sflag:s23], $0x1  }
0xa3: {  	[sflag:s23] =	ssyncset.done $0x0  }
0xa4: {  	s25 =	simm.s32 $0x1B8E;
	s24 =	sld [smem:$0x3FFE];
	[sflag:s23] =	ssyncadd.s32 $0xFFFFFFFF  }
0xa5: {  	s26 =	simm.s32 $execute0_lowered;
	[smem:$0x3FD2] =	sst s25  }
0xa6: {  	s5 =	sshll.u32 s26, $0x1;
	_ =	strace $0x8000004F;
	[dreg:$0x1] =	wrdreg $0xFFFFFFFF  }
0xa7: {  	s28 =	simm.s32 $_size_execute0_lowered;
	s3 =	sadd.s32 s3, s5;
	[dreg:$0x0] =	wrdreg $0x0  }
0xa8: {  	s5 =	sshll.u32 s28, $0x1;
	[dreg:$0x2] =	wrdreg s3  }
0xa9: {  	[dreg:$0x3] =	wrdreg s5  }
0xaa: {  	[dreg:$0x4] =	wrdreg $0xC0  }
0xab: {  	_ =	task [dreg:s7], $0x5FFFF  }
0xac: {  	[dreg:$0x1] =	wrdreg $0xFFFFFFFF  }
0xad: {  	[dreg:$0x0] =	wrdreg $0x60  }
0xae: {  	[dreg:$0x2] =	wrdreg s2  }
0xaf: {  	[dreg:$0x3] =	wrdreg s24  }
0xb0: {  	[dreg:$0x4] =	wrdreg $0xBA000  }
0xb1: {  	[dreg:$0x5] =	wrdreg $0x9  }
0xb2: {  	_ =	task.clear_ibuf [dreg:s7], $0x6FFFF;
	_ =	strace $0x9000004F  }
0xb3: {  	s29 =	simm.s32 $0x9;
	_ =	strace $0x80000051  }
0xb4: {  	_ =	swait.ge [sflag:s29], $0x1  }
0xb5: {  	[sflag:s29] =	ssyncadd.s32 $0xFFFFFFFF  }
0xb6: {  	_ =	strace $0x90000051  }
0xb7: {  	_ =	sfence  }
0xb8: {  	s30 =	sld [smem:$0x0];
	_ =	sdelay $0x2  }
0xb9: {  	s31 =	sshll.u32 s1, $0xD;
	s1 =	sshrl.u32 s1, $0x2  }
0xba: {  	s3 =	sand.u32 $0x4000, s31;
	s1 =	sadd.s32 s1, s30  }
0xbb: {  	s0 =	sor.u32 s3, s0;
	s1 =	sshll.u32 s1, $0x11  }
0xbc: {  	s0 =	sor.u32 s1, s0  }
0xbd: {  	s0 =	sadd.s32 $0x8F2B, s0  }
0xbe: {  	[sflag:s0] =	ssyncadd.remote.s32 $0x1  }
0xbf: {  	_ =	sfence.sel $0xFFFF  }
0xc0: {  	[dreg:$0x0] =	wrdreg $0xFFFFFFFF;
	(pc) =	sbr.abs _section_cstart, $3  }
0xc1: {  	[dreg:$0x1] =	wrdreg $0xFFFFFFFF  }
0xc2: {  	_ =	task.clear_ibuf [dreg:s7], $0x2FFFF;
	_ =	strace $0x9FFFFFFF  }
0xc3: {  	(tm) =	ssettm $0x7FFFFFFF  }
tec
execute0_lowered:
.L_overlay_start_1:
0x0: {  	(tag) =	ssettag $0x1  }
0x1: {  	s1 =	rddreg [dreg:$0x0]  }
0x2: {  	s0 =	rddreg [dreg:$0x1];
	s2 =	srdreg.scid  }
0x3: {  	s3 =	rddreg [dreg:$0x2];
	s21 =	stileid.u32;
	s4 =	simm.s32 $0x0  }
0x4: {  	s17 =	simm.s32 $0x5200;
	s18 =	simm.s32 $0x5;
	s19 =	simm.s32 $0x50  }
0x5: {  	s20 =	simm.s32 $0x100;
	s28 =	simm.s32 $0x3;
	s9 =	smul.u32 $0x270, s21  }
0x6: {  	s29 =	simm.s32 $0x4;
	s30 =	simm.s32 $0x0;
	s11 =	smul.u32 $0x4E000, s21  }
0x7: {  	s7 =	sand.u32 $0x1, s2;
	[smem:$0x7FF] =	sst s4;
	s26 =	smul.u32 $0x7D, s21  }
0x8: {  	s13 =	sadd.s32 $0x3600, s0;
	s0 =	sadd.s32 $0x22A00, s0;
	s14 =	smul.u32 $0x2710, s7  }
0x9: {  	p0 =	sne.s32 s21, $0xF;
	s5 =	sshll.u32 s7, $0x4;
	s24 =	smul.u32 $0x138800, s7  }
0xa: {  	s8 =	ssub.s32 $0x2, s7;
	s15 =	smul.u32 $0x7D0, s7;
	s5 =	sor.u32 s21, s5  }
0xb: {  	_ =	strace $0x80000050;
	s22 =	sshrl.u32 s8, $0x1;
	s6 =	smul.u32 $0xFA0, s5  }
0xc: {  	s25 =	sshrl.u32 s11, $0x2;
	s21 =	simm.s32 $0x1;
	s10 =	smul.u32 $0x7D00, s5  }
0xd: {  	s12 =	ssub.s32 s8, s22;
	s5 =	sadd.s32 $0x138000, s3;
	s9 =	sadd.s32 s9, s14  }
0xe: {  	s11 =	sadd.s32 s26, s15;
	s22 =	simm.s32 $0x80;
	s26 =	simm.s32 $0x2980  }
0xf: {  	s9 =	sshll.u32 s9, $0x4;
	s31 =	sshll.u32 s11, $0x5;
	s11 =	smax.u32 s12, $0x1  }
0x10: {  	s23 =	sshrl.u32 s10, $0x3;
	s6 =	sadd.s32 s13, s6;
	s10 =	sshrl.u32 s24, $0x3  }
0x11: {  	s9 =	sadd.s32 s0, s9;
	s24 =	simm.s32 $0x2A00;
	s8 =	sadd.s32 s13, s23  }
0x12: {  	s10 =	sadd.s32 s0, s10;
	s0 =	sadd.s32 s31, s13;
	s14 =	sadd.s32 $0xF80, s6  }
0x13: {  	s23 =	simm.s32 $0x2900;
	s7 =	sadd.s32 $0x20, s8;
	s8 =	sadd.s32 s25, s3  }
0x14: {  	s10 =	sadd.s32 $0x27000, s10;
	s15 =	sadd.s32 $0x40, s0;
	s16 =	sadd.s32 $0x60, s0  }
0x15: {  	v0 =	vimm.f32 $0.0e+00;
	s25 =	simm.s32 $0x2;
	s12 =	sadd.s32 $0x6800, s8;
	s13 =	sadd.s32 $0xD000, s8  }
.LBB2_1:
0x16: {  	s31 =	simm.s32 $0x70;
	s0 =	simm.s32 $0x3C0  }
.LBB2_2:
0x17: {  	p1 =	sne.s32 s0, $0x19FC0;
	[tilespmem:s31+$0x5200] =	vst v0  }
0x18: {  	[tilespmem:s31+$0x5190] =	vst v0  }
0x19: {  	[tilespmem:s31+$0x51A0] =	vst v0  }
.Ltmp0:
0x1a: {  	[tilespmem:s31+$0x51B0] =	vst v0;
	(pc) =	sbr.rel @p1 .LBB2_2-.Ltmp0, $4  }
0x1b: {  	[tilespmem:s31+$0x51C0] =	vst v0  }
0x1c: {  	[tilespmem:s31+$0x51D0] =	vst v0  }
0x1d: {  	[tilespmem:s31+$0x51E0] =	vst v0  }
0x1e: {  	[tilespmem:s31+$0x51F0] =	vst v0;
	s31 =	sshra.s32 s0, $0x2;
	s0 =	sadd.s32 $0x200, s0  }
0x1f: {  	[tilespmem:s31+$0x5200] =	vst v0  }
0x20: {  	[tilespmem:s31+$0x5190] =	vst v0  }
0x21: {  	[tilespmem:s31+$0x51A0] =	vst v0  }
0x22: {  	[tilespmem:s31+$0x51B0] =	vst v0  }
0x23: {  	[tilespmem:s31+$0x51C0] =	vst v0  }
0x24: {  	[tilespmem:s31+$0x51D0] =	vst v0  }
0x25: {  	[tilespmem:s31+$0x51E0] =	vst v0  }
0x26: {  	[tilespmem:s31+$0x51F0] =	vst v0  }
0x27: {  	[spmem:s8] =	stream.linear.scatter [tilespmem:s17], [sflag:$0x5], $0x6800, $0x38;
	[tilespmem:$0x1F280] =	vst v63  }
0x28: {  	_ =	swait.ge [sflag:s18], $0x6800  }
0x29: {  	[sflag:s18] =	ssyncset.done $0x0  }
0x2a: {  	[sflag:s18] =	ssyncadd.s32 $0xFFFF9800  }
0x2b: {  	[spmem:s12] =	stream.linear.scatter [tilespmem:s17], [sflag:$0x5], $0x6800, $0x38;
	[tilespmem:$0x1F280] =	vst v63  }
0x2c: {  	_ =	swait.ge [sflag:s18], $0x6800  }
0x2d: {  	[sflag:s18] =	ssyncset.done $0x0  }
0x2e: {  	[sflag:s18] =	ssyncadd.s32 $0xFFFF9800  }
0x2f: {  	[spmem:s13] =	stream.linear.scatter [tilespmem:s17], [sflag:$0x5], $0x6800, $0x38;
	[tilespmem:$0x1F280] =	vst v63  }
0x30: {  	_ =	swait.ge [sflag:s18], $0x6800  }
0x31: {  	[sflag:s18] =	ssyncset.done $0x0  }
0x32: {  	s0 =	simm.s32 @!p0 $0x5200;
	[sflag:s18] =	ssyncadd.s32 $0xFFFF9800  }
0x33: {  	[spmem:s5] =	stream.linear.scatter @!p0 [tilespmem:s0], [sflag:$0x5], $0x800, $0x38;
	[tilespmem:$0x1F280] =	vst v63  }
0x34: {  	s0 =	simm.s32 @!p0 $0x5  }
0x35: {  	_ =	swait.ge @!p0 [sflag:s0], $0x800  }
0x36: {  	[sflag:s0] =	ssyncset.done @!p0 $0x0  }
0x37: {  	[sflag:s0] =	ssyncadd.s32 @!p0 $0xFFFFF800  }
0x38: {  	s2 =	simm.s32 $0x0;
	[bflag:$0x0] =	sbarrier.arrive $0xFFFF  }
0x39: {  	[tilespmem:s2], [sflag:$0x5] =	stream.linear.gather [hbm4b:s6+s2], $0x100, $0x38;
	[tilespmem:$0x1F280] =	vst v63  }
0x3a: {  	_ =	swait.ge [sflag:s18], $0x100  }
0x3b: {  	[sflag:s18] =	ssyncset.done $0x0  }
0x3c: {  	[sflag:s18] =	ssyncadd.s32 $0xFFFFFF00  }
0x3d: {  	[tilespmem:s20], [sflag:$0x1] =	stream.indirect.gather [hbm4b:s1+s19], $0x80, s2, s19, $0xb8;
	[tilespmem:$0x1F280] =	vst v63  }
0x3e: {  	_ =	swait.ge [sflag:s21], $0x2800  }
0x3f: {  	[sflag:s21] =	ssyncset.done $0x0  }
0x40: {  	[sflag:s21] =	ssyncadd.s32 $0xFFFFD800  }
0x41: {  	[spmem:s3] =	stream.indirect.scatter.add.f32 [tilespmem:s20], [sflag:$0x3], $0x80, s22, s19, $0xb8;
	[tilespmem:$0x1F280] =	vst v63  }
0x42: {  	_ = 	snop  }
0x43: {  	[tilespmem:s23], [sflag:$0x5] =	stream.linear.gather [hbm4b:s7+s2], $0x100, $0x38;
	[tilespmem:$0x1F280] =	vst v63  }
0x44: {  	_ =	swait.ge [sflag:s18], $0x100  }
0x45: {  	[sflag:s18] =	ssyncset.done $0x0  }
0x46: {  	[sflag:s18] =	ssyncadd.s32 $0xFFFFFF00  }
0x47: {  	[tilespmem:s24], [sflag:$0x2] =	stream.indirect.gather [hbm4b:s1+s19], $0x80, s23, s19, $0xb8;
	[tilespmem:$0x1F280] =	vst v63  }
0x48: {  	_ =	swait.ge [sflag:s25], $0x2800  }
0x49: {  	[sflag:s25] =	ssyncset.done $0x0  }
0x4a: {  	[sflag:s25] =	ssyncadd.s32 $0xFFFFD800  }
0x4b: {  	[spmem:s3] =	stream.indirect.scatter.add.f32 [tilespmem:s24], [sflag:$0x4], $0x80, s26, s19, $0xb8;
	[tilespmem:$0x1F280] =	vst v63  }
0x4c: {  	_ =	swait.ge [sflag:s28], $0x2800  }
0x4d: {  	[sflag:s28] =	ssyncset.done $0x0  }
0x4e: {  	s2 =	sadd.s32 $0x0, s15;
	[sflag:s28] =	ssyncadd.s32 $0xFFFFD800  }
0x4f: {  	[tilespmem:s4], [sflag:$0x5] =	stream.linear.gather [hbm4b:s2+s4], $0x100, $0x38;
	[tilespmem:$0x1F280] =	vst v63  }
0x50: {  	_ =	swait.ge [sflag:s18], $0x100  }
0x51: {  	[sflag:s18] =	ssyncset.done $0x0  }
0x52: {  	[sflag:s18] =	ssyncadd.s32 $0xFFFFFF00  }
0x53: {  	[tilespmem:s20], [sflag:$0x1] =	stream.indirect.gather [hbm4b:s1+s19], $0x80, s4, s19, $0xb8;
	[tilespmem:$0x1F280] =	vst v63  }
0x54: {  	_ =	swait.ge [sflag:s21], $0x2800  }
0x55: {  	[sflag:s21] =	ssyncset.done $0x0  }
0x56: {  	[sflag:s21] =	ssyncadd.s32 $0xFFFFD800  }
0x57: {  	[spmem:s3] =	stream.indirect.scatter.add.f32 [tilespmem:s20], [sflag:$0x3], $0x80, s22, s19, $0xb8;
	[tilespmem:$0x1F280] =	vst v63  }
0x58: {  	_ =	swait.ge [sflag:s29], $0x2800  }
0x59: {  	[sflag:s29] =	ssyncset.done $0x0  }
0x5a: {  	s2 =	sadd.s32 $0x0, s16;
	[sflag:s29] =	ssyncadd.s32 $0xFFFFD800  }
0x5b: {  	[tilespmem:s23], [sflag:$0x5] =	stream.linear.gather [hbm4b:s2+s4], $0x100, $0x38;
	[tilespmem:$0x1F280] =	vst v63  }
0x5c: {  	_ =	swait.ge [sflag:s18], $0x100  }
0x5d: {  	[sflag:s18] =	ssyncset.done $0x0  }
0x5e: {  	s31 =	simm.s32 $0x40;
	[sflag:s18] =	ssyncadd.s32 $0xFFFFFF00  }
.LBB2_4:
0x5f: {  	[tilespmem:s24], [sflag:$0x2] =	stream.indirect.gather [hbm4b:s1+s19], $0x80, s23, s19, $0xb8;
	[tilespmem:$0x1F280] =	vst v63  }
0x60: {  	s0 =	smov.u32 s31  }
0x61: {  	p1 =	sne.s32 s31, $0xF00;
	s31 =	sadd.s32 $0x40, s31;
	_ =	swait.ge [sflag:s25], $0x2800  }
0x62: {  	[sflag:s25] =	ssyncset.done $0x0  }
0x63: {  	[sflag:s25] =	ssyncadd.s32 $0xFFFFD800  }
0x64: {  	[spmem:s3] =	stream.indirect.scatter.add.f32 [tilespmem:s24], [sflag:$0x4], $0x80, s26, s19, $0xb8;
	[tilespmem:$0x1F280] =	vst v63  }
0x65: {  	_ =	swait.ge [sflag:s28], $0x2800  }
0x66: {  	[sflag:s28] =	ssyncset.done $0x0  }
0x67: {  	s2 =	sadd.s32 s0, s15;
	[sflag:s28] =	ssyncadd.s32 $0xFFFFD800  }
0x68: {  	[tilespmem:s4], [sflag:$0x5] =	stream.linear.gather [hbm4b:s2+s4], $0x100, $0x38;
	[tilespmem:$0x1F280] =	vst v63  }
0x69: {  	_ =	swait.ge [sflag:s18], $0x100  }
0x6a: {  	[sflag:s18] =	ssyncset.done $0x0  }
0x6b: {  	[sflag:s18] =	ssyncadd.s32 $0xFFFFFF00  }
0x6c: {  	[tilespmem:s20], [sflag:$0x1] =	stream.indirect.gather [hbm4b:s1+s19], $0x80, s4, s19, $0xb8;
	[tilespmem:$0x1F280] =	vst v63  }
0x6d: {  	_ =	swait.ge [sflag:s21], $0x2800  }
0x6e: {  	[sflag:s21] =	ssyncset.done $0x0  }
0x6f: {  	[sflag:s21] =	ssyncadd.s32 $0xFFFFD800  }
0x70: {  	[spmem:s3] =	stream.indirect.scatter.add.f32 [tilespmem:s20], [sflag:$0x3], $0x80, s22, s19, $0xb8;
	[tilespmem:$0x1F280] =	vst v63  }
0x71: {  	_ =	swait.ge [sflag:s29], $0x2800  }
0x72: {  	[sflag:s29] =	ssyncset.done $0x0  }
.Ltmp1:
0x73: {  	s0 =	sadd.s32 s0, s16;
	[sflag:s29] =	ssyncadd.s32 $0xFFFFD800;
	(pc) =	sbr.rel @p1 .LBB2_4-.Ltmp1, $4  }
0x74: {  	[tilespmem:s23], [sflag:$0x5] =	stream.linear.gather [hbm4b:s0+s4], $0x100, $0x38;
	[tilespmem:$0x1F280] =	vst v63  }
0x75: {  	_ =	swait.ge [sflag:s18], $0x100  }
0x76: {  	[sflag:s18] =	ssyncset.done $0x0  }
0x77: {  	[sflag:s18] =	ssyncadd.s32 $0xFFFFFF00  }
0x78: {  	[tilespmem:s24], [sflag:$0x2] =	stream.indirect.gather [hbm4b:s1+s19], $0x80, s23, s19, $0xb8;
	[tilespmem:$0x1F280] =	vst v63  }
0x79: {  	_ =	swait.ge [sflag:s25], $0x2800  }
0x7a: {  	[sflag:s25] =	ssyncset.done $0x0  }
0x7b: {  	[sflag:s25] =	ssyncadd.s32 $0xFFFFD800  }
0x7c: {  	[spmem:s3] =	stream.indirect.scatter.add.f32 [tilespmem:s24], [sflag:$0x4], $0x80, s26, s19, $0xb8;
	[tilespmem:$0x1F280] =	vst v63  }
0x7d: {  	_ =	swait.ge [sflag:s28], $0x2800  }
0x7e: {  	[sflag:s28] =	ssyncset.done $0x0  }
0x7f: {  	[sflag:s28] =	ssyncadd.s32 $0xFFFFD800  }
0x80: {  	[tilespmem:s4], [sflag:$0x5] =	stream.linear.gather [hbm4b:s14+s4], $0x100, $0x38;
	[tilespmem:$0x1F280] =	vst v63  }
0x81: {  	_ =	swait.ge [sflag:s18], $0x100  }
0x82: {  	[sflag:s18] =	ssyncset.done $0x0  }
0x83: {  	[sflag:s18] =	ssyncadd.s32 $0xFFFFFF00  }
0x84: {  	[tilespmem:s20], [sflag:$0x1] =	stream.indirect.gather [hbm4b:s1+s19], $0x80, s4, s19, $0xb8;
	[tilespmem:$0x1F280] =	vst v63  }
0x85: {  	_ =	swait.ge [sflag:s21], $0x2800  }
0x86: {  	[sflag:s21] =	ssyncset.done $0x0  }
0x87: {  	[sflag:s21] =	ssyncadd.s32 $0xFFFFD800  }
0x88: {  	[spmem:s3] =	stream.indirect.scatter.add.f32 [tilespmem:s20], [sflag:$0x3], $0x80, s22, s19, $0xb8;
	[tilespmem:$0x1F280] =	vst v63  }
0x89: {  	_ =	swait.ge [sflag:s29], $0x2800  }
0x8a: {  	[sflag:s29] =	ssyncset.done $0x0  }
0x8b: {  	[sflag:s29] =	ssyncadd.s32 $0xFFFFD800  }
0x8c: {  	[tilespmem:s23], [sflag:$0x5] =	stream.linear.gather [hbm4b:s14+s4], $0x100, $0x38;
	[tilespmem:$0x1F280] =	vst v63  }
0x8d: {  	_ =	swait.ge [sflag:s18], $0x100  }
0x8e: {  	[sflag:s18] =	ssyncset.done $0x0  }
0x8f: {  	[sflag:s18] =	ssyncadd.s32 $0xFFFFFF00  }
0x90: {  	[tilespmem:s24], [sflag:$0x2] =	stream.indirect.gather [hbm4b:s1+s19], $0x80, s23, s19, $0xb8;
	[tilespmem:$0x1F280] =	vst v63  }
0x91: {  	_ =	swait.ge [sflag:s28], $0x2800  }
0x92: {  	[sflag:s28] =	ssyncset.done $0x0  }
0x93: {  	[sflag:s28] =	ssyncadd.s32 $0xFFFFD800  }
0x94: {  	_ =	swait.ge [sflag:s25], $0x2800  }
0x95: {  	s0 =	stileid.u32;
	[sflag:s25] =	ssyncset.done $0x0  }
0x96: {  	s0 =	sshll.u32 s0, $0x6;
	[sflag:s25] =	ssyncadd.s32 $0xFFFFD800  }
0x97: {  	s2 =	sshrl.u32 s8, $0x3;
	s0 =	sor.u32 $0x1C05, s0;
	[bflag:$0x0] =	sbarrier.arrive $0xFFFF  }
0x98: {  	[hbm:s9], [sflag:s0] =	dma.local [spmem:s2], $0x2700  }
0x99: {  	_ =	swait.ge [sflag:s18], $0x2700  }
0x9a: {  	s30 =	sadd.s32 $0x1, s30;
	[sflag:s18] =	ssyncset.done $0x0  }
0x9b: {  	p1 =	sne.s32 s30, s11;
	s2 =	sshrl.u32 @!p0 s5, $0x3;
	[sflag:s18] =	ssyncadd.s32 $0xFFFFD900  }
0x9c: {  	[hbm:s10], [sflag:s0] =	dma.local @!p0 [spmem:s2], $0x100  }
.Ltmp2:
0x9d: {  	_ = 	snop;
	(pc) =	sbr.rel @p1 .LBB2_1-.Ltmp2, $4  }
0x9e: {  	s0 =	simm.s32 @!p0 $0x5  }
0x9f: {  	_ =	swait.ge @!p0 [sflag:s0], $0x100  }
0xa0: {  	[sflag:s0] =	ssyncset.done @!p0 $0x0  }
0xa1: {  	[sflag:s0] =	ssyncadd.s32 @!p0 $0xFFFFFF00  }
0xa2: {  	_ =	sfence.sel $0x180000  }
0xa3: {  	[bflag:$0x0] =	sbarrier.arrive $0xFFFF  }
0xa4: {  	_ =	strace $0x90000050  }
0xa5: {  	s0 =	stileid.u32;
	[bflag:$0x2] =	sbarrier.arrive $0xFFFF  }
0xa6: {  	p0 =	sne.s32 s0, $0x0;
	s0 =	rddreg [dreg:$0x3]  }
0xa7: {  	s0 =	sadd.s32 @!p0 $0x100000, s0  }
0xa8: {  	[sflag:s0] =	ssyncadd.tile.s32 @!p0 $0x1;
	_ =	shalt  }
.Lfunc_end2:
_tile_overlayer_lowered:
.L_overlay_start_2:
0xa9: {  	(tag) =	ssettag $0x2  }
0xaa: {  	s0 =	rddreg [dreg:$0x0];
	s2 =	stileid.u32  }
0xab: {  	s1 =	rddreg [dreg:$0x1];
	p0 =	sne.s32 s2, $0x0  }
0xac: {  	s3 =	rddreg [dreg:$0x2];
	[bflag:$0x3] =	sbarrier.arrive $0xFFFF;
	s2 =	simm.s32 @!p0 $0x1C05  }
0xad: {  	[timem:s3], [sflag:s2] =	dma.local @!p0 [hbm:s0], s1  }
0xae: {  	s0 =	simm.s32 @!p0 $0x5  }
0xaf: {  	_ =	swait.ge @!p0 [sflag:s0], s1  }
0xb0: {  	s1 =	ssub.s32 @!p0 $0x0, s1;
	[sflag:s0] =	ssyncset.done @!p0 $0x0  }
0xb1: {  	[sflag:s0] =	ssyncadd.s32 @!p0 s1  }
0xb2: {  	[bflag:$0x3] =	sbarrier.arrive $0xFFFF  }
0xb3: {  	_ =	shalt  }

// kernel: kernel.9.cloned.1.call-start
scs
__scs_entry_jumppad:
0x0: {  	(pc) =	sbr.rel $0x88, $3  }
0x1: {  	(tag) =	ssettag $0x0;
	lr =	simm.s32 $0x1  }
0x2: {  	[smem:$0x3F96] =	sst lr;
	_ =	strace $0xD0000000  }
0x3: {  	_ = 	snop  }
0x4: {  	_ = 	snop  }
0x5: {  	_ = 	snop  }
0x6: {  	_ = 	snop  }
0x7: {  	_ = 	snop  }
__scs_overlays_trampoline_lowered:
0x8: {  	[smem:$0x3FA5] =	sst s0  }
0x9: {  	[smem:$0x3FA6] =	sst s1  }
0xa: {  	[smem:$0x3FA7] =	sst s2  }
0xb: {  	[smem:$0x3FA8] =	sst s3  }
0xc: {  	[smem:$0x3FA9] =	sst s4  }
0xd: {  	[smem:$0x3FAA] =	sst s5  }
0xe: {  	[smem:$0x3FAB] =	sst s6  }
0xf: {  	[smem:$0x3FAC] =	sst s7  }
0x10: {  	[smem:$0x3FAD] =	sst s8  }
0x11: {  	[smem:$0x3FAE] =	sst s9;
	s0 =	simm.s32 @!p0 $0x0  }
0x12: {  	s1 =	sld [smem:$0x3F94];
	s0 =	simm.s32 @p0 $0x1  }
0x13: {  	[smem:$0x3FAF] =	sst s0;
	s0 =	simm.s32 @!p1 $0x0  }
0x14: {  	s2 =	sld [smem:$0x3F93];
	s0 =	simm.s32 @p1 $0x1  }
0x15: {  	[smem:$0x3FB0] =	sst s0;
	s0 =	simm.s32 @!p2 $0x0  }
0x16: {  	s3 =	sld [smem:$0x3FDB];
	s0 =	simm.s32 @p2 $0x1  }
0x17: {  	s4 =	simm.s32 $0x1BF5;
	[smem:$0x3FB2] =	sst s0  }
0x18: {  	s0 =	sld [smem:$0x3F95];
	_ =	swait.ge [sflag:s4], $0x0  }
0x19: {  	s7 =	sld [smem:$0x3F96]  }
0x1a: {  	s8 =	sadd.s32 $0xFFFFE003, lr  }
0x1b: {  	s9 =	sadd.s32 $0xFFFFFEF7, lr;
	s5 =	simm.s32 $0xFFFFFFFF;
	p2 =	slt.u32 s8, $0xFFFFF086  }
0x1c: {  	p1 =	slt.u32 s9, $0xF7A;
	s5 =	simm.s32 @!p2 $0x0  }
0x1d: {  	s5 =	simm.s32 @p1 $0x1;
	p0 =	seq.s32 s7, s2  }
0x1e: {  	s7 =	smul.u32 @!p0 $0xF7A, s2;
	p2 =	seq.s32 @!p0 s5, $0x0  }
0x1f: {  	s9 =	smul.u32 $0xF7A, s1;
	s8 =	simm.s32 @!p0 $0x1BF5;
	p2 =	por !p2, p0  }
0x20: {  	[sflag:s8] =	ssyncset.s32 @!p0 $0xFFFFF086;
	s6 =	sadd.s32 @!p0 s3, s7;
	s7 =	simm.s32 @!p0 $0x108  }
0x21: {  	s3 =	sadd.s32 s3, s9;
	s6 =	sadd.s32 @!p0 $0x88, s6;
	s7 =	simm.s32 @p2 $0x1082  }
0x22: {  	[simem:s7], [sflag:s8] =	dma.local @!p0 [hbm:s6], $0xF7A  }
0x23: {  	s9 =	sor.u32 $0xD0000000, s2;
	s6 =	simm.s32 $0x108;
	_ =	swait.ge @!p0 [sflag:s8], $0x0  }
0x24: {  	s3 =	sadd.s32 $0x88, s3;
	s6 =	simm.s32 @!p1 $0x1082;
	[sflag:s4] =	ssyncset.s32 $0xFFFFF086  }
0x25: {  	[simem:s6], [sflag:s4] =	dma.local [hbm:s3], $0xF7A  }
0x26: {  	[smem:$0x3F96] =	sst s1;
	(tag) =	ssettag s2;
	_ =	strace s9  }
0x27: {  	s1 =	sld [smem:$0x3FA6]  }
0x28: {  	s2 =	sld [smem:$0x3FA7]  }
0x29: {  	s4 =	sld [smem:$0x3FA9]  }
0x2a: {  	p0 =	seq.s32 s5, $0x0;
	s5 =	sld [smem:$0x3FAA]  }
0x2b: {  	s6 =	sld [smem:$0x3FAB]  }
0x2c: {  	s7 =	sld [smem:$0x3FAC]  }
0x2d: {  	s3 =	simm.s32 $0x108;
	s8 =	sld [smem:$0x3FAD]  }
0x2e: {  	s3 =	simm.s32 @!p0 $0x1082;
	s9 =	sld [smem:$0x3FAE]  }
0x2f: {  	lr =	sadd.s32 s0, s3;
	s0 =	sld [smem:$0x3FA5]  }
0x30: {  	s3 =	sld [smem:$0x3FA8]  }
0x31: {  	[smem:$0x3FB1] =	sst s10  }
0x32: {  	s10 =	sld [smem:$0x3FAF];
	_ =	sdelay $0x3  }
0x33: {  	p0 =	seq.s32 s10, $0x1;
	s10 =	sld [smem:$0x3FB1];
	_ =	sdelay $0x3  }
0x34: {  	[smem:$0x3FB1] =	sst s10  }
0x35: {  	s10 =	sld [smem:$0x3FB0];
	_ =	sdelay $0x3  }
0x36: {  	p1 =	seq.s32 s10, $0x1;
	s10 =	sld [smem:$0x3FB1];
	_ =	sdelay $0x3  }
0x37: {  	[smem:$0x3FB1] =	sst s10  }
0x38: {  	s10 =	sld [smem:$0x3FB2]  }
0x39: {  	_ = 	snop;
	(pc) =	sbr.ind lr, $3  }
0x3a: {  	_ = 	snop  }
0x3b: {  	_ = 	snop  }
0x3c: {  	p2 =	seq.s32 s10, $0x1;
	s10 =	sld [smem:$0x3FB1]  }
0x3d: {  	_ =	shalt  }
0x3e: {  	_ =	shalt  }
0x3f: {  	_ =	shalt  }
0x40: {  	_ =	shalt  }
0x41: {  	_ =	shalt  }
0x42: {  	_ =	shalt  }
0x43: {  	_ =	shalt  }
0x44: {  	_ =	shalt  }
0x45: {  	_ =	shalt  }
0x46: {  	_ =	shalt  }
0x47: {  	_ =	shalt  }
0x48: {  	_ =	shalt  }
0x49: {  	_ =	shalt  }
0x4a: {  	_ =	shalt  }
0x4b: {  	_ =	shalt  }
0x4c: {  	_ =	shalt  }
0x4d: {  	_ =	shalt  }
0x4e: {  	_ =	shalt  }
0x4f: {  	_ =	shalt  }
0x50: {  	_ =	shalt  }
0x51: {  	_ =	shalt  }
0x52: {  	_ =	shalt  }
0x53: {  	_ =	shalt  }
0x54: {  	_ =	shalt  }
0x55: {  	_ =	shalt  }
0x56: {  	_ =	shalt  }
0x57: {  	_ =	shalt  }
0x58: {  	_ =	shalt  }
0x59: {  	_ =	shalt  }
0x5a: {  	_ =	shalt  }
0x5b: {  	_ =	shalt  }
0x5c: {  	_ =	shalt  }
0x5d: {  	_ =	shalt  }
0x5e: {  	_ =	shalt  }
0x5f: {  	_ =	shalt  }
0x60: {  	_ =	shalt  }
0x61: {  	_ =	shalt  }
0x62: {  	_ =	shalt  }
0x63: {  	_ =	shalt  }
0x64: {  	_ =	shalt  }
0x65: {  	_ =	shalt  }
0x66: {  	_ =	shalt  }
0x67: {  	_ =	shalt  }
0x68: {  	_ =	shalt  }
0x69: {  	_ =	shalt  }
0x6a: {  	_ =	shalt  }
0x6b: {  	_ =	shalt  }
0x6c: {  	_ =	shalt  }
0x6d: {  	_ =	shalt  }
0x6e: {  	_ =	shalt  }
0x6f: {  	_ =	shalt  }
0x70: {  	_ =	shalt  }
0x71: {  	_ =	shalt  }
0x72: {  	_ =	shalt  }
0x73: {  	_ =	shalt  }
0x74: {  	_ =	shalt  }
0x75: {  	_ =	shalt  }
0x76: {  	_ =	shalt  }
0x77: {  	_ =	shalt  }
0x78: {  	_ =	shalt  }
0x79: {  	_ =	shalt  }
0x7a: {  	_ =	shalt  }
0x7b: {  	_ =	shalt  }
0x7c: {  	_ =	shalt  }
0x7d: {  	_ =	shalt  }
0x7e: {  	_ =	shalt  }
0x7f: {  	_ =	shalt  }
0x80: {  	_ =	shalt  }
0x81: {  	_ =	shalt  }
0x82: {  	_ =	shalt  }
0x83: {  	_ =	shalt  }
0x84: {  	_ =	shalt  }
0x85: {  	_ =	shalt  }
0x86: {  	_ =	shalt  }
0x87: {  	_ =	shalt  }
.Lfunc_end0:
.L_simem_size_0:
called_computation_lowered:
.L_overlay_start_0:
0x88: {  	s2 =	sld [smem:$0x3FD9]  }
0x89: {  	s3 =	sld [smem:$0x3FFE];
	_ =	sdelay $0x1  }
0x8a: {  	s1 =	srdreg.scid  }
0x8b: {  	s0 =	sand.u32 $0x1, s1  }
0x8c: {  	s17 =	sshll.u32 s0, $0xA;
	s2 =	sadd.s32 s3, s2  }
0x8d: {  	s2 =	sadd.s32 s2, s17  }
0x8e: {  	[smem:$0x3FBD] =	sst s2  }
0x8f: {  	_ = 	snop  }
0x90: {  	s18 =	sld [smem:$0x3FD0];
	(tm) =	ssettm $0x1  }
0x91: {  	s19 =	sld [smem:$0x3FFB];
	_ =	sdelay $0x3  }
0x92: {  	_ =	strace s19  }
0x93: {  	s2 =	sld [smem:$0x3FFC];
	_ =	sdelay $0x3  }
0x94: {  	_ =	strace s2  }
0x95: {  	s2 =	sld [smem:$0x3FFD];
	_ =	sdelay $0x3  }
0x96: {  	_ =	strace s2  }
0x97: {  	_ =	strace $0x8FFFFFFF  }
0x98: {  	s20 =	sld [smem:$0x3FDB];
	_ =	sdelay $0x1  }
0x99: {  	s4 =	simm.s32 $_scs_section_size  }
0x9a: {  	s5 =	simm.s32 $_size__tile_overlayer_lowered;
	s6 =	simm.s32 $_tile_overlayer_lowered  }
0x9b: {  	s7 =	simm.s32 $0x1BFF;
	s21 =	sshll.u32 s6, $0x1;
	s4 =	sadd.s32 s4, s20  }
0x9c: {  	s22 =	simm.s32 $0x0;
	s5 =	sshll.u32 s5, $0x1;
	s6 =	sadd.s32 s21, s4  }
0x9d: {  	[timem:s22], [sflag:s7] =	dma.local [hbm:s6], s5  }
0x9e: {  	_ =	swait.ge [sflag:s7], s5  }
0x9f: {  	s5 =	ssub.s32 $0x0, s5;
	[sflag:s7] =	ssyncset.done $0x0  }
0xa0: {  	[sflag:s7] =	ssyncadd.s32 s5;
	_ =	sdelay $0x1  }
0xa1: {  	s23 =	simm.s32 $0x1B8B  }
0xa2: {  	_ =	swait.ge [sflag:s23], $0x1  }
0xa3: {  	[sflag:s23] =	ssyncset.done $0x0  }
0xa4: {  	[sflag:s23] =	ssyncadd.s32 $0xFFFFFFFF  }
0xa5: {  	s5 =	sld [smem:$0x0]  }
0xa6: {  	s6 =	sand.u32 $0xFFFFFFFE, s1  }
0xa7: {  	p0 =	sne.s32 s1, s6  }
0xa8: {  	s6 =	sshll.u32 @p0 s6, $0xE  }
0xa9: {  	s6 =	sadd.s32 @p0 $0x11B8D, s6;
	s7 =	sshll.u32 @p0 s5, $0x11  }
0xaa: {  	s6 =	sor.u32 @p0 s7, s6  }
0xab: {  	[sflag:s6] =	ssyncadd.remote.s32 @p0 $0x1;
	_ =	sdelay $0x1  }
0xac: {  	s6 =	simm.s32 @p0 $0x1B8D  }
0xad: {  	_ =	swait.eq @p0 [sflag:s6], $0x1  }
0xae: {  	[sflag:s6] =	ssyncadd.s32 @p0 $0xFFFFFFFF  }
0xaf: {  	s7 =	sshll.u32 @!p0 s1, $0xE  }
0xb0: {  	s7 =	sor.u32 @!p0 $0x4000, s7;
	s6 =	simm.s32 @!p0 $0x1B8D  }
0xb1: {  	s5 =	sshll.u32 @!p0 s5, $0x11;
	s7 =	sadd.s32 @!p0 $0x11B8D, s7;
	_ =	swait.eq @!p0 [sflag:s6], $0x1  }
0xb2: {  	s5 =	sor.u32 @!p0 s5, s7;
	[sflag:s6] =	ssyncadd.s32 @!p0 $0xFFFFFFFF  }
0xb3: {  	s25 =	simm.s32 $0x1B8E;
	s24 =	sld [smem:$0x3FFE];
	[sflag:s5] =	ssyncadd.remote.s32 @!p0 $0x1  }
0xb4: {  	s26 =	simm.s32 $execute0_lowered;
	[smem:$0x3FD2] =	sst s25  }
0xb5: {  	s6 =	sshll.u32 s26, $0x1;
	_ =	strace $0x80000049;
	[dreg:$0x1] =	wrdreg $0xFFFFFFFF  }
0xb6: {  	s28 =	simm.s32 $_size_execute0_lowered;
	s4 =	sadd.s32 s4, s6;
	[dreg:$0x0] =	wrdreg $0x0  }
0xb7: {  	s6 =	sshll.u32 s28, $0x1;
	[dreg:$0x2] =	wrdreg s4  }
0xb8: {  	[dreg:$0x3] =	wrdreg s6  }
0xb9: {  	[dreg:$0x4] =	wrdreg $0xC0  }
0xba: {  	_ =	task [dreg:s22], $0x5FFFF  }
0xbb: {  	[dreg:$0x1] =	wrdreg $0xFFFFFFFF  }
0xbc: {  	[dreg:$0x0] =	wrdreg $0x60  }
0xbd: {  	[dreg:$0x2] =	wrdreg s18  }
0xbe: {  	[dreg:$0x3] =	wrdreg s24  }
0xbf: {  	[dreg:$0x4] =	wrdreg $0x91000  }
0xc0: {  	[dreg:$0x5] =	wrdreg $0x9  }
0xc1: {  	_ =	task.clear_ibuf [dreg:s22], $0x6FFFF;
	_ =	strace $0x90000049  }
0xc2: {  	s29 =	simm.s32 $0x9;
	_ =	strace $0x8000004B  }
0xc3: {  	_ =	swait.ge [sflag:s29], $0x1  }
0xc4: {  	[sflag:s29] =	ssyncadd.s32 $0xFFFFFFFF  }
0xc5: {  	_ =	strace $0x9000004B  }
0xc6: {  	_ =	sfence  }
0xc7: {  	s30 =	sld [smem:$0x0];
	_ =	sdelay $0x2  }
0xc8: {  	s31 =	sshll.u32 s1, $0xD;
	s1 =	sshrl.u32 s1, $0x2  }
0xc9: {  	s4 =	sand.u32 $0x4000, s31;
	s1 =	sadd.s32 s1, s30  }
0xca: {  	s0 =	sor.u32 s4, s0;
	s1 =	sshll.u32 s1, $0x11  }
0xcb: {  	s0 =	sor.u32 s1, s0  }
0xcc: {  	s0 =	sadd.s32 $0x8F2B, s0  }
0xcd: {  	[sflag:s0] =	ssyncadd.remote.s32 $0x1  }
0xce: {  	_ =	sfence.sel $0xFFFF  }
0xcf: {  	[dreg:$0x0] =	wrdreg $0xFFFFFFFF;
	(pc) =	sbr.abs _section_cstart, $3  }
0xd0: {  	[dreg:$0x1] =	wrdreg $0xFFFFFFFF  }
0xd1: {  	_ =	task.clear_ibuf [dreg:s22], $0x2FFFF;
	_ =	strace $0x9FFFFFFF  }
0xd2: {  	(tm) =	ssettm $0x7FFFFFFF  }
0xd3: {  	_ =	shalt  }
tec
execute0_lowered:
.L_overlay_start_1:
0x0: {  	(tag) =	ssettag $0x1  }
0x1: {  	s1 =	rddreg [dreg:$0x0]  }
0x2: {  	s0 =	srdreg.scid;
	s5 =	rddreg [dreg:$0x1]  }
0x3: {  	s3 =	rddreg [dreg:$0x2];
	s4 =	simm.s32 $0x0;
	s16 =	simm.s32 $0x3  }
0x4: {  	s17 =	simm.s32 $0x50;
	s6 =	sand.u32 $0x1, s0;
	s0 =	stileid.u32  }
0x5: {  	s18 =	simm.s32 $0x100;
	s19 =	simm.s32 $0x80;
	s8 =	smul.u32 $0x270, s0  }
0x6: {  	s20 =	simm.s32 $0x1;
	s21 =	simm.s32 $0x2;
	s10 =	smul.u32 $0x4E000, s0  }
0x7: {  	s22 =	simm.s32 $0x0;
	[smem:$0x7FF] =	sst s4;
	s12 =	smul.u32 $0x2710, s6  }
0x8: {  	s13 =	sadd.s32 $0x70C00, s5;
	s5 =	sadd.s32 $0x138000, s3;
	s28 =	smul.u32 $0x138800, s6  }
0x9: {  	s2 =	sshll.u32 s6, $0x4;
	s9 =	ssub.s32 $0x2, s6;
	s14 =	smul.u32 $0x27100, s6  }
0xa: {  	s30 =	smul.u32 $0x2710, s0;
	p0 =	sne.s32 s0, $0xF;
	s7 =	sor.u32 s0, s2  }
0xb: {  	s2 =	rddreg [dreg:$0x3];
	_ =	strace $0x8000004A;
	s11 =	sshrl.u32 s9, $0x1  }
0xc: {  	s7 =	smul.u32 $0x2710, s7;
	s11 =	ssub.s32 s9, s11;
	s29 =	sshrl.u32 s10, $0x2  }
0xd: {  	s8 =	sadd.s32 s8, s12;
	s9 =	sshrl.u32 s28, $0x3;
	s14 =	sadd.s32 s30, s14  }
0xe: {  	s8 =	sshll.u32 s8, $0x4;
	s9 =	sadd.s32 s13, s9;
	s31 =	sadd.s32 $0x50, s14  }
0xf: {  	s10 =	smax.u32 s11, $0x1;
	s7 =	sshrl.u32 s7, $0x3;
	s8 =	sadd.s32 s13, s8  }
0x10: {  	s9 =	sadd.s32 $0x27000, s9;
	s15 =	sshrl.u32 s31, $0x3;
	s13 =	sadd.s32 $0xA0, s14  }
0x11: {  	s6 =	sadd.s32 s1, s7;
	s7 =	sadd.s32 s29, s3;
	s14 =	sadd.s32 s15, s1  }
0x12: {  	v0 =	vimm.f32 $0.0e+00;
	v1 =	vimm.f32 $1.000000000e+00;
	s15 =	simm.s32 $0x2900;
	s11 =	sadd.s32 $0x6800, s7;
	s12 =	sadd.s32 $0xD000, s7  }
.LBB2_1:
0x13: {  	s23 =	simm.s32 $0x70;
	s24 =	simm.s32 $0x3C0  }
.LBB2_2:
0x14: {  	p1 =	sne.s32 s24, $0x19FC0;
	[tilespmem:s23+$0x2900] =	vst v0  }
0x15: {  	[tilespmem:s23+$0x2890] =	vst v0  }
0x16: {  	[tilespmem:s23+$0x28A0] =	vst v0  }
.Ltmp0:
0x17: {  	[tilespmem:s23+$0x28B0] =	vst v0;
	(pc) =	sbr.rel @p1 .LBB2_2-.Ltmp0, $4  }
0x18: {  	[tilespmem:s23+$0x28C0] =	vst v0  }
0x19: {  	[tilespmem:s23+$0x28D0] =	vst v0  }
0x1a: {  	[tilespmem:s23+$0x28E0] =	vst v0  }
0x1b: {  	[tilespmem:s23+$0x28F0] =	vst v0;
	s23 =	sshra.s32 s24, $0x2;
	s24 =	sadd.s32 $0x200, s24  }
0x1c: {  	[tilespmem:s23+$0x2900] =	vst v0  }
0x1d: {  	[tilespmem:s23+$0x2890] =	vst v0  }
0x1e: {  	[tilespmem:s23+$0x28A0] =	vst v0  }
0x1f: {  	[tilespmem:s23+$0x28B0] =	vst v0  }
0x20: {  	[tilespmem:s23+$0x28C0] =	vst v0  }
0x21: {  	[tilespmem:s23+$0x28D0] =	vst v0  }
0x22: {  	[tilespmem:s23+$0x28E0] =	vst v0  }
0x23: {  	[tilespmem:s23+$0x28F0] =	vst v0  }
0x24: {  	[spmem:s7] =	stream.linear.scatter [tilespmem:s15], [sflag:$0x3], $0x6800, $0x38;
	[tilespmem:$0x1C980] =	vst v63  }
0x25: {  	_ =	swait.ge [sflag:s16], $0x6800  }
0x26: {  	[sflag:s16] =	ssyncset.done $0x0  }
0x27: {  	[sflag:s16] =	ssyncadd.s32 $0xFFFF9800  }
0x28: {  	[spmem:s11] =	stream.linear.scatter [tilespmem:s15], [sflag:$0x3], $0x6800, $0x38;
	[tilespmem:$0x1C980] =	vst v63  }
0x29: {  	_ =	swait.ge [sflag:s16], $0x6800  }
0x2a: {  	[sflag:s16] =	ssyncset.done $0x0  }
0x2b: {  	[sflag:s16] =	ssyncadd.s32 $0xFFFF9800  }
0x2c: {  	[spmem:s12] =	stream.linear.scatter [tilespmem:s15], [sflag:$0x3], $0x6800, $0x38;
	[tilespmem:$0x1C980] =	vst v63  }
0x2d: {  	_ =	swait.ge [sflag:s16], $0x6800  }
0x2e: {  	[sflag:s16] =	ssyncset.done $0x0  }
0x2f: {  	s23 =	simm.s32 @!p0 $0x2900;
	[sflag:s16] =	ssyncadd.s32 $0xFFFF9800  }
0x30: {  	[spmem:s5] =	stream.linear.scatter @!p0 [tilespmem:s23], [sflag:$0x3], $0x800, $0x38;
	[tilespmem:$0x1C980] =	vst v63  }
0x31: {  	s23 =	simm.s32 @!p0 $0x3  }
0x32: {  	_ =	swait.ge @!p0 [sflag:s23], $0x800  }
0x33: {  	[sflag:s23] =	ssyncset.done @!p0 $0x0  }
0x34: {  	s24 =	simm.s32 $0x3C0;
	[sflag:s23] =	ssyncadd.s32 @!p0 $0xFFFFF800;
	s23 =	simm.s32 $0x70  }
.LBB2_4:
0x35: {  	p1 =	sne.s32 s24, $0x9FC0;
	[tilespmem:s23+$0x100] =	vst v1  }
0x36: {  	[tilespmem:s23+$0x90] =	vst v1  }
0x37: {  	[tilespmem:s23+$0xA0] =	vst v1  }
.Ltmp1:
0x38: {  	[tilespmem:s23+$0xB0] =	vst v1;
	(pc) =	sbr.rel @p1 .LBB2_4-.Ltmp1, $4  }
0x39: {  	[tilespmem:s23+$0xC0] =	vst v1  }
0x3a: {  	[tilespmem:s23+$0xD0] =	vst v1  }
0x3b: {  	[tilespmem:s23+$0xE0] =	vst v1  }
0x3c: {  	[tilespmem:s23+$0xF0] =	vst v1;
	s23 =	sshra.s32 s24, $0x2;
	s24 =	sadd.s32 $0x200, s24  }
0x3d: {  	[tilespmem:s23+$0x100] =	vst v1  }
0x3e: {  	[tilespmem:s23+$0x90] =	vst v1  }
0x3f: {  	[tilespmem:s23+$0xA0] =	vst v1  }
0x40: {  	[tilespmem:s23+$0xB0] =	vst v1  }
0x41: {  	[tilespmem:s23+$0xC0] =	vst v1  }
0x42: {  	[tilespmem:s23+$0xD0] =	vst v1  }
0x43: {  	[tilespmem:s23+$0xE0] =	vst v1  }
0x44: {  	[tilespmem:s23+$0xF0] =	vst v1  }
0x45: {  	s29 =	simm.s32 $0x0;
	[bflag:$0x0] =	sbarrier.arrive $0xFFFF  }
0x46: {  	[tilespmem:s29], [sflag:$0x3] =	stream.linear.gather [hbm4b:s6+s29], $0x50, $0x38;
	[tilespmem:$0x1C980] =	vst v63  }
0x47: {  	_ =	swait.ge [sflag:s16], $0x50  }
0x48: {  	[sflag:s16] =	ssyncset.done $0x0  }
0x49: {  	[sflag:s16] =	ssyncadd.s32 $0xFFFFFFB0  }
0x4a: {  	[spmem:s3] =	stream.indirect.scatter.add.f32 [tilespmem:s18], [sflag:$0x1], $0x80, s29, s17, $0xb8;
	[tilespmem:$0x1C980] =	vst v63  }
0x4b: {  	s30 =	sadd.s32 $0x0, s14  }
0x4c: {  	[tilespmem:s19], [sflag:$0x3] =	stream.linear.gather [hbm4b:s30+s4], $0x50, $0x38;
	[tilespmem:$0x1C980] =	vst v63  }
0x4d: {  	_ =	swait.ge [sflag:s16], $0x50  }
0x4e: {  	[sflag:s16] =	ssyncset.done $0x0  }
0x4f: {  	[sflag:s16] =	ssyncadd.s32 $0xFFFFFFB0  }
0x50: {  	[spmem:s3] =	stream.indirect.scatter.add.f32 [tilespmem:s18], [sflag:$0x2], $0x80, s19, s17, $0xb8;
	[tilespmem:$0x1C980] =	vst v63  }
0x51: {  	_ =	swait.ge [sflag:s20], $0x2800  }
0x52: {  	s31 =	sshrl.u32 s13, $0x3;
	[sflag:s20] =	ssyncset.done $0x0  }
0x53: {  	s23 =	sadd.s32 s1, s31;
	[sflag:s20] =	ssyncadd.s32 $0xFFFFD800  }
0x54: {  	[tilespmem:s4], [sflag:$0x3] =	stream.linear.gather [hbm4b:s23+s4], $0x50, $0x38;
	[tilespmem:$0x1C980] =	vst v63  }
0x55: {  	_ =	swait.ge [sflag:s16], $0x50  }
0x56: {  	[sflag:s16] =	ssyncset.done $0x0  }
0x57: {  	[sflag:s16] =	ssyncadd.s32 $0xFFFFFFB0  }
0x58: {  	[spmem:s3] =	stream.indirect.scatter.add.f32 [tilespmem:s18], [sflag:$0x1], $0x80, s4, s17, $0xb8;
	[tilespmem:$0x1C980] =	vst v63  }
0x59: {  	s24 =	simm.s32 $0x14;
	_ =	swait.ge [sflag:s21], $0x2800  }
0x5a: {  	s25 =	simm.s32 $0x28;
	s23 =	sadd.s32 $0xA0, s13;
	[sflag:s21] =	ssyncset.done $0x0  }
.LBB2_6:
0x5b: {  	s26 =	sadd.s32 s24, s14  }
0x5c: {  	[sflag:s21] =	ssyncadd.s32 $0xFFFFD800;
	s24 =	smov.u32 s25;
	s28 =	sadd.s32 $0x14, s25  }
0x5d: {  	[tilespmem:s19], [sflag:$0x3] =	stream.linear.gather [hbm4b:s26+s4], $0x50, $0x38;
	[tilespmem:$0x1C980] =	vst v63  }
0x5e: {  	p1 =	sne.s32 s25, $0x4C4;
	_ =	swait.ge [sflag:s16], $0x50  }
0x5f: {  	[sflag:s16] =	ssyncset.done $0x0  }
0x60: {  	[sflag:s16] =	ssyncadd.s32 $0xFFFFFFB0  }
0x61: {  	[spmem:s3] =	stream.indirect.scatter.add.f32 [tilespmem:s18], [sflag:$0x2], $0x80, s19, s17, $0xb8;
	[tilespmem:$0x1C980] =	vst v63  }
0x62: {  	_ =	swait.ge [sflag:s20], $0x2800  }
0x63: {  	s25 =	sshrl.u32 s23, $0x3;
	[sflag:s20] =	ssyncset.done $0x0  }
0x64: {  	s25 =	sadd.s32 s1, s25;
	[sflag:s20] =	ssyncadd.s32 $0xFFFFD800  }
0x65: {  	[tilespmem:s4], [sflag:$0x3] =	stream.linear.gather [hbm4b:s25+s4], $0x50, $0x38;
	[tilespmem:$0x1C980] =	vst v63  }
0x66: {  	_ =	swait.ge [sflag:s16], $0x50  }
.Ltmp2:
0x67: {  	[sflag:s16] =	ssyncset.done $0x0;
	(pc) =	sbr.rel @p1 .LBB2_6-.Ltmp2, $4  }
0x68: {  	[sflag:s16] =	ssyncadd.s32 $0xFFFFFFB0  }
0x69: {  	[spmem:s3] =	stream.indirect.scatter.add.f32 [tilespmem:s18], [sflag:$0x1], $0x80, s4, s17, $0xb8;
	[tilespmem:$0x1C980] =	vst v63  }
0x6a: {  	_ =	swait.ge [sflag:s21], $0x2800  }
0x6b: {  	s23 =	sadd.s32 $0xA0, s23;
	s25 =	smov.u32 s28;
	[sflag:s21] =	ssyncset.done $0x0  }
0x6c: {  	s24 =	sadd.s32 s24, s14;
	[sflag:s21] =	ssyncadd.s32 $0xFFFFD800  }
0x6d: {  	[tilespmem:s19], [sflag:$0x3] =	stream.linear.gather [hbm4b:s24+s4], $0x50, $0x38;
	[tilespmem:$0x1C980] =	vst v63  }
0x6e: {  	_ =	swait.ge [sflag:s16], $0x50  }
0x6f: {  	[sflag:s16] =	ssyncset.done $0x0  }
0x70: {  	[sflag:s16] =	ssyncadd.s32 $0xFFFFFFB0  }
0x71: {  	[spmem:s3] =	stream.indirect.scatter.add.f32 [tilespmem:s18], [sflag:$0x2], $0x80, s19, s17, $0xb8;
	[tilespmem:$0x1C980] =	vst v63  }
0x72: {  	_ =	swait.ge [sflag:s20], $0x2800  }
0x73: {  	s23 =	sshrl.u32 s23, $0x3;
	[sflag:s20] =	ssyncset.done $0x0  }
0x74: {  	s23 =	sadd.s32 s1, s23;
	[sflag:s20] =	ssyncadd.s32 $0xFFFFD800  }
0x75: {  	[tilespmem:s4], [sflag:$0x3] =	stream.linear.gather [hbm4b:s23+s4], $0x50, $0x38;
	[tilespmem:$0x1C980] =	vst v63  }
0x76: {  	_ =	swait.ge [sflag:s16], $0x50  }
0x77: {  	[sflag:s16] =	ssyncset.done $0x0  }
0x78: {  	[sflag:s16] =	ssyncadd.s32 $0xFFFFFFB0  }
0x79: {  	[spmem:s3] =	stream.indirect.scatter.add.f32 [tilespmem:s18], [sflag:$0x1], $0x80, s4, s17, $0xb8;
	[tilespmem:$0x1C980] =	vst v63  }
0x7a: {  	_ =	swait.ge [sflag:s21], $0x2800  }
0x7b: {  	[sflag:s21] =	ssyncset.done $0x0  }
0x7c: {  	[sflag:s21] =	ssyncadd.s32 $0xFFFFD800  }
0x7d: {  	_ =	swait.ge [sflag:s20], $0x2800  }
0x7e: {  	[sflag:s20] =	ssyncset.done $0x0  }
0x7f: {  	s30 =	sshll.u32 s0, $0x6;
	[sflag:s20] =	ssyncadd.s32 $0xFFFFD800  }
0x80: {  	s31 =	sshrl.u32 s7, $0x3;
	s23 =	sor.u32 $0x1C03, s30;
	[bflag:$0x0] =	sbarrier.arrive $0xFFFF  }
0x81: {  	[hbm:s8], [sflag:s23] =	dma.local [spmem:s31], $0x2700  }
0x82: {  	_ =	swait.ge [sflag:s16], $0x2700  }
0x83: {  	s22 =	sadd.s32 $0x1, s22;
	[sflag:s16] =	ssyncset.done $0x0  }
0x84: {  	s24 =	sshrl.u32 @!p0 s5, $0x3;
	p1 =	sne.s32 s22, s10;
	[sflag:s16] =	ssyncadd.s32 $0xFFFFD900  }
0x85: {  	[hbm:s9], [sflag:s23] =	dma.local @!p0 [spmem:s24], $0x100  }
.Ltmp3:
0x86: {  	_ = 	snop;
	(pc) =	sbr.rel @p1 .LBB2_1-.Ltmp3, $4  }
0x87: {  	s23 =	simm.s32 @!p0 $0x3  }
0x88: {  	_ =	swait.ge @!p0 [sflag:s23], $0x100  }
0x89: {  	[sflag:s23] =	ssyncset.done @!p0 $0x0  }
0x8a: {  	[sflag:s23] =	ssyncadd.s32 @!p0 $0xFFFFFF00  }
0x8b: {  	_ =	sfence.sel $0x180000  }
0x8c: {  	[bflag:$0x0] =	sbarrier.arrive $0xFFFF  }
0x8d: {  	p0 =	sne.s32 s0, $0x0;
	_ =	strace $0x9000004A  }
0x8e: {  	s0 =	sadd.s32 @!p0 $0x100000, s2;
	[bflag:$0x2] =	sbarrier.arrive $0xFFFF  }
0x8f: {  	[sflag:s0] =	ssyncadd.tile.s32 @!p0 $0x1;
	_ =	shalt  }
.Lfunc_end2:
_tile_overlayer_lowered:
.L_overlay_start_2:
0x90: {  	(tag) =	ssettag $0x2  }
0x91: {  	s0 =	rddreg [dreg:$0x0];
	s2 =	stileid.u32  }
0x92: {  	s1 =	rddreg [dreg:$0x1];
	p0 =	sne.s32 s2, $0x0  }
0x93: {  	s3 =	rddreg [dreg:$0x2];
	[bflag:$0x3] =	sbarrier.arrive $0xFFFF;
	s2 =	simm.s32 @!p0 $0x1C03  }
0x94: {  	[timem:s3], [sflag:s2] =	dma.local @!p0 [hbm:s0], s1  }
0x95: {  	s0 =	simm.s32 @!p0 $0x3  }
0x96: {  	_ =	swait.ge @!p0 [sflag:s0], s1  }
0x97: {  	s1 =	ssub.s32 @!p0 $0x0, s1;
	[sflag:s0] =	ssyncset.done @!p0 $0x0  }
0x98: {  	[sflag:s0] =	ssyncadd.s32 @!p0 s1  }
0x99: {  	[bflag:$0x3] =	sbarrier.arrive $0xFFFF  }
0x9a: {  	_ =	shalt  }

</sc_bundles>
